<compile_context>
chip_gen: v7x
topology: tpu7x:2x2x1
jax: 0.10.2.dev20260603
libtpu: 0.0.44.dev20260713+nightly
codegen_flags: <defaults>
</compile_context>

<pallas_src>
import functools

import jax
import jax.numpy as jnp
from jax import lax
from jax.experimental import pallas as pl
from jax.experimental.pallas import tpu as pltpu
from jax.experimental.pallas import tpu_sc as plsc

_N_TOKEN = 100000
_D_EMBED = 1024
_D_PROJ = 2048
_VEC_LEN = 128

_NC = 2
_NS = 16
_NW = _NC * _NS

_CHUNKS = (3072, 5120)
_BLOCK_M = 1024

_SL = 8
_NSLOT = 12


def _sc_gather(table, idx_full, chunk_base, chunk_rows):
  rows_per_w = chunk_rows // _NW
  n_sl = rows_per_w // _SL
  n_slot = min(_NSLOT, n_sl)
  mesh = plsc.VectorSubcoreMesh(
      core_axis_name="c", subcore_axis_name="s",
      num_cores=_NC, num_subcores=_NS)

  @functools.partial(
      pl.kernel,
      out_type=jax.ShapeDtypeStruct((chunk_rows, _D_EMBED), jnp.float32),
      mesh=mesh,
      scratch_types=[
          pltpu.VMEM((rows_per_w,), jnp.int32),
          pltpu.VMEM((n_slot * _SL, _D_EMBED), jnp.float32),
      ] + [pltpu.SemaphoreType.DMA] * (2 * n_slot),
  )
  def gather_kernel(table_hbm, idx_hbm, out_hbm, idx_v, rows_v, *sems):
    gsems = sems[:n_slot]
    wsems = sems[n_slot:]
    wid = lax.axis_index("s") * _NC + lax.axis_index("c")
    base = wid * rows_per_w
    pltpu.sync_copy(idx_hbm.at[pl.ds(chunk_base + base, rows_per_w)], idx_v)

    gcopies = [None] * n_slot
    wcopies = [None] * n_slot
    for i in range(n_slot):
      gcopies[i] = pltpu.async_copy(
          table_hbm.at[idx_v.at[pl.ds(i * _SL, _SL)]],
          rows_v.at[pl.ds(i * _SL, _SL)], gsems[i])
    for i in range(n_sl):
      j = i % n_slot
      gcopies[j].wait()
      wcopies[j] = pltpu.async_copy(
          rows_v.at[pl.ds(j * _SL, _SL)],
          out_hbm.at[pl.ds(base + i * _SL, _SL)], wsems[j])
      nxt = i + n_slot
      if nxt < n_sl:
        wcopies[j].wait()
        gcopies[j] = pltpu.async_copy(
            table_hbm.at[idx_v.at[pl.ds(nxt * _SL, _SL)]],
            rows_v.at[pl.ds(j * _SL, _SL)], gsems[j])
      else:
        wcopies[j].wait()

  return gather_kernel(table, idx_full)


def _proj_body(g_ref, s_ref, ws_ref, p_ref, o_ref):
  x = g_ref[...] + jnp.dot(
      s_ref[...], ws_ref[...], preferred_element_type=jnp.float32)
  acc = lax.dot_general(
      x.astype(jnp.bfloat16), p_ref[...], (((1,), (1,)), ((), ())),
      preferred_element_type=jnp.float32)
  o_ref[...] = acc * (_D_PROJ ** 0.5)


def _proj_kernel_first(g_ref, s_ref, ws_ref, p_ref, o_ref):
  _proj_body(g_ref, s_ref, ws_ref, p_ref, o_ref)


def _proj_kernel_next(o_in_ref, g_ref, s_ref, ws_ref, p_ref, o_ref):
  del o_in_ref
  _proj_body(g_ref, s_ref, ws_ref, p_ref, o_ref)


def _tc_project_chunk(out_buf, g, s_full, ws, p_bf, block_base, n_tok):
  blocks = g.shape[0] // _BLOCK_M
  specs = [
      pl.BlockSpec((_BLOCK_M, _D_EMBED), lambda i: (i, 0)),
      pl.BlockSpec((_BLOCK_M, _VEC_LEN), lambda i: (block_base + i, 0)),
      pl.BlockSpec((_VEC_LEN, _D_EMBED), lambda i: (0, 0)),
      pl.BlockSpec((_D_PROJ, _D_EMBED), lambda i: (0, 0)),
  ]
  out_spec = pl.BlockSpec((_BLOCK_M, _D_PROJ), lambda i: (block_base + i, 0))
  out_shape = jax.ShapeDtypeStruct((n_tok, _D_PROJ), jnp.float32)
  if out_buf is None:
    return pl.pallas_call(
        _proj_kernel_first,
        grid=(blocks,),
        in_specs=specs,
        out_specs=out_spec,
        out_shape=out_shape,
    )(g, s_full, ws, p_bf)
  return pl.pallas_call(
      _proj_kernel_next,
      grid=(blocks,),
      in_specs=[pl.BlockSpec(memory_space=pl.ANY)] + specs,
      out_specs=out_spec,
      out_shape=out_shape,
      input_output_aliases={0: 0},
  )(out_buf, g, s_full, ws, p_bf)


def kernel(inp, status_vec, emb_weight, status_weight, proj_W):
  b, l = inp.shape
  n_tok = b * l
  assert sum(_CHUNKS) == n_tok

  p_bf = proj_W.astype(jnp.bfloat16)
  idx_flat = inp.reshape(n_tok).astype(jnp.int32)
  s_flat = status_vec.reshape(n_tok, _VEC_LEN).astype(jnp.float32)
  ws_f32 = status_weight.astype(jnp.float32)

  bases = [sum(_CHUNKS[:k]) for k in range(len(_CHUNKS))]
  gathered = [
      _sc_gather(emb_weight, idx_flat, bases[k], _CHUNKS[k])
      for k in range(len(_CHUNKS))
  ]

  out = None
  for k in range(len(_CHUNKS)):
    out = _tc_project_chunk(out, gathered[k], s_flat, ws_f32, p_bf,
                            bases[k] // _BLOCK_M, n_tok)
  return out.reshape(b, l, _D_PROJ)

# --- scband reference (transcript-rebuilt; emitter-appended) ---
"""Pipeline reference for scband-adaptive-embedding-17386027614278 (READ-ONLY COPY).

The authoritative reference and input builder live on the scoring server;
editing this copy changes nothing except your own understanding.
"""

import jax, jax.numpy as jnp
import numpy as np

N_TOKEN = 100000
D_EMBED = 1024
D_PROJ = 2048
VEC_LEN = 128
B = 4
L = 2048


def setup_inputs(seed: int = 0) -> dict:
    key = jax.random.key(seed)
    k1, k2, k3, k4, k5 = jax.random.split(key, 5)
    inp = jax.random.randint(k1, (B, L), 0, N_TOKEN)
    status_vec = jax.random.uniform(k2, (B, L, VEC_LEN), dtype=jnp.float32)
    emb_weight = jax.random.normal(k3, (N_TOKEN, D_EMBED), dtype=jnp.float32) * 0.02
    status_weight = jax.random.normal(k4, (VEC_LEN, D_EMBED), dtype=jnp.float32) * 0.02
    proj_W = jax.random.normal(k5, (D_PROJ, D_EMBED), dtype=jnp.float32) * 0.02
    return {
        "inp": inp,
        "status_vec": status_vec,
        "emb_weight": emb_weight,
        "status_weight": status_weight,
        "proj_W": proj_W,
    }


def reference(inp, status_vec, emb_weight, status_weight, proj_W):
    # inp is 2D -> embedding lookup path
    embed = jnp.take(emb_weight, inp, axis=0)
    # append_note_status=True: add status_vec @ status_emb weight
    embed = embed + jnp.matmul(status_vec.astype(jnp.float32), status_weight)
    # d_proj != d_embed: F.linear(embed, proj_W) == embed @ proj_W.T
    embed = jnp.matmul(embed, proj_W.T)
    # scale by emb_scale = d_proj ** 0.5
    return embed * (D_PROJ ** 0.5)

if __name__ == "__main__":
    import jax
    _d = setup_inputs()
    print(jax.jit(kernel)(*tuple(_d.values())))

</pallas_src>

<mosaic_0001>
#map = affine_map<(d0, d1) -> (0, 0)>
#map1 = affine_map<(d0, d1) -> (0)>
module attributes {stable_mosaic.version = 14 : i64} {
  func.func @gather_kernel(%arg0: i32, %arg1: i32, %arg2: memref<100000x1024xf32, #tpu.memory_space<hbm>>, %arg3: memref<8192xi32, #tpu.memory_space<hbm>>, %arg4: memref<5120x1024xf32, #tpu.memory_space<hbm>>, %arg5: memref<160xi32, #tpu.memory_space<vmem>>, %arg6: memref<96x1024xf32, #tpu.memory_space<vmem>>, %arg7: memref<!tpu.dma_semaphore, #tpu.memory_space<semaphore_mem>>, %arg8: memref<!tpu.dma_semaphore, #tpu.memory_space<semaphore_mem>>, %arg9: memref<!tpu.dma_semaphore, #tpu.memory_space<semaphore_mem>>, %arg10: memref<!tpu.dma_semaphore, #tpu.memory_space<semaphore_mem>>, %arg11: memref<!tpu.dma_semaphore, #tpu.memory_space<semaphore_mem>>, %arg12: memref<!tpu.dma_semaphore, #tpu.memory_space<semaphore_mem>>, %arg13: memref<!tpu.dma_semaphore, #tpu.memory_space<semaphore_mem>>, %arg14: memref<!tpu.dma_semaphore, #tpu.memory_space<semaphore_mem>>, %arg15: memref<!tpu.dma_semaphore, #tpu.memory_space<semaphore_mem>>, %arg16: memref<!tpu.dma_semaphore, #tpu.memory_space<semaphore_mem>>, %arg17: memref<!tpu.dma_semaphore, #tpu.memory_space<semaphore_mem>>, %arg18: memref<!tpu.dma_semaphore, #tpu.memory_space<semaphore_mem>>, %arg19: memref<!tpu.dma_semaphore, #tpu.memory_space<semaphore_mem>>, %arg20: memref<!tpu.dma_semaphore, #tpu.memory_space<semaphore_mem>>, %arg21: memref<!tpu.dma_semaphore, #tpu.memory_space<semaphore_mem>>, %arg22: memref<!tpu.dma_semaphore, #tpu.memory_space<semaphore_mem>>, %arg23: memref<!tpu.dma_semaphore, #tpu.memory_space<semaphore_mem>>, %arg24: memref<!tpu.dma_semaphore, #tpu.memory_space<semaphore_mem>>, %arg25: memref<!tpu.dma_semaphore, #tpu.memory_space<semaphore_mem>>, %arg26: memref<!tpu.dma_semaphore, #tpu.memory_space<semaphore_mem>>, %arg27: memref<!tpu.dma_semaphore, #tpu.memory_space<semaphore_mem>>, %arg28: memref<!tpu.dma_semaphore, #tpu.memory_space<semaphore_mem>>, %arg29: memref<!tpu.dma_semaphore, #tpu.memory_space<semaphore_mem>>, %arg30: memref<!tpu.dma_semaphore, #tpu.memory_space<semaphore_mem>>) attributes {dimension_semantics = [#tpu.dimension_semantics<core_parallel>, #tpu.dimension_semantics<subcore_parallel>], iteration_bounds = array<i64: 2, 16>, scalar_prefetch = 0 : i64, scratch_operands = 26 : i64, tpu.core_type = #tpu.core_type<sc_vector_subcore>, window_params = [{transform_indices = #map}, {transform_indices = #map1}, {transform_indices = #map}]} {
    %mul3A = arith.constant 2 : i32
    %mul3A_0 = arith.muli %arg1, %mul3A : i32
    %add3A = arith.addi %mul3A_0, %arg0 : i32
    %mul3A_1 = arith.constant 160 : i32
    %mul3A_2 = arith.muli %add3A, %mul3A_1 : i32
    %add3A_3 = arith.constant 3072 : i32
    %add3A_4 = arith.addi %add3A_3, %mul3A_2 : i32
    "tpu.region"() ({
      %run_scoped3A = tpu.sem_alloc : memref<!tpu.dma_semaphore, #tpu.memory_space<semaphore_mem>>
      %dma_start3A_763 = tpu.memref_slice %arg3[%add3A_4] : memref<8192xi32, #tpu.memory_space<hbm>> -> memref<160xi32, #tpu.memory_space<hbm>>
      %dma_start3A_764 = tpu.memref_slice %arg3[%add3A_4] : memref<8192xi32, #tpu.memory_space<hbm>> -> memref<160xi32, #tpu.memory_space<hbm>>
      tpu.enqueue_dma source(%dma_start3A_764 : memref<160xi32, #tpu.memory_space<hbm>>) target(%arg5 : memref<160xi32, #tpu.memory_space<vmem>>) target_semaphore(%run_scoped3A : memref<!tpu.dma_semaphore, #tpu.memory_space<semaphore_mem>>)
      %dma_wait3A_765 = tpu.memref_slice %arg3[%add3A_4] : memref<8192xi32, #tpu.memory_space<hbm>> -> memref<160xi32, #tpu.memory_space<hbm>>
      %dma_wait3A_766 = tpu.memref_slice %arg3[%add3A_4] : memref<8192xi32, #tpu.memory_space<hbm>> -> memref<160xi32, #tpu.memory_space<hbm>>
      tpu.wait_dma2 semaphore(%run_scoped3A : memref<!tpu.dma_semaphore, #tpu.memory_space<semaphore_mem>>) src(%dma_wait3A_766 : memref<160xi32, #tpu.memory_space<hbm>>) dst(%arg5 : memref<160xi32, #tpu.memory_space<vmem>>)
      tpu.yield
    }) : () -> ()
    %dma_start3A = arith.constant 0 : i32
    %dma_start3A_5 = arith.constant 0 : i32
    %dma_start3A_6 = tpu.memref_slice %arg6[%dma_start3A, %dma_start3A_5] : memref<96x1024xf32, #tpu.memory_space<vmem>> -> memref<8x1024xf32, #tpu.memory_space<vmem>>
    %dma_start3A_7 = arith.constant 0 : i32
    %dma_start3A_8 = tpu.memref_slice %arg5[%dma_start3A_7] : memref<160xi32, #tpu.memory_space<vmem>> -> memref<8xi32, #tpu.memory_space<vmem>>
    %dma_start3A_9 = arith.constant 0 : i32
    %dma_start3A_10 = arith.constant 0 : i32
    %dma_start3A_11 = tpu.memref_slice %arg2[%dma_start3A_9, %dma_start3A_10] : memref<100000x1024xf32, #tpu.memory_space<hbm>> -> memref<100000x1024xf32, #tpu.memory_space<hbm>>
    tpu.enqueue_indirect_dma source(%dma_start3A_11 : memref<100000x1024xf32, #tpu.memory_space<hbm>>) target(%dma_start3A_6 : memref<8x1024xf32, #tpu.memory_space<vmem>>) offsets(%dma_start3A_8 : memref<8xi32, #tpu.memory_space<vmem>>) semaphore(%arg7 : memref<!tpu.dma_semaphore, #tpu.memory_space<semaphore_mem>>)
    %dma_start3A_12 = arith.constant 8 : i32
    %dma_start3A_13 = arith.constant 0 : i32
    %dma_start3A_14 = tpu.memref_slice %arg6[%dma_start3A_12, %dma_start3A_13] : memref<96x1024xf32, #tpu.memory_space<vmem>> -> memref<8x1024xf32, #tpu.memory_space<vmem>>
    %dma_start3A_15 = arith.constant 8 : i32
    %dma_start3A_16 = tpu.memref_slice %arg5[%dma_start3A_15] : memref<160xi32, #tpu.memory_space<vmem>> -> memref<8xi32, #tpu.memory_space<vmem>>
    %dma_start3A_17 = arith.constant 0 : i32
    %dma_start3A_18 = arith.constant 0 : i32
    %dma_start3A_19 = tpu.memref_slice %arg2[%dma_start3A_17, %dma_start3A_18] : memref<100000x1024xf32, #tpu.memory_space<hbm>> -> memref<100000x1024xf32, #tpu.memory_space<hbm>>
    tpu.enqueue_indirect_dma source(%dma_start3A_19 : memref<100000x1024xf32, #tpu.memory_space<hbm>>) target(%dma_start3A_14 : memref<8x1024xf32, #tpu.memory_space<vmem>>) offsets(%dma_start3A_16 : memref<8xi32, #tpu.memory_space<vmem>>) semaphore(%arg8 : memref<!tpu.dma_semaphore, #tpu.memory_space<semaphore_mem>>)
    %dma_start3A_20 = arith.constant 16 : i32
    %dma_start3A_21 = arith.constant 0 : i32
    %dma_start3A_22 = tpu.memref_slice %arg6[%dma_start3A_20, %dma_start3A_21] : memref<96x1024xf32, #tpu.memory_space<vmem>> -> memref<8x1024xf32, #tpu.memory_space<vmem>>
    %dma_start3A_23 = arith.constant 16 : i32
    %dma_start3A_24 = tpu.memref_slice %arg5[%dma_start3A_23] : memref<160xi32, #tpu.memory_space<vmem>> -> memref<8xi32, #tpu.memory_space<vmem>>
    %dma_start3A_25 = arith.constant 0 : i32
    %dma_start3A_26 = arith.constant 0 : i32
    %dma_start3A_27 = tpu.memref_slice %arg2[%dma_start3A_25, %dma_start3A_26] : memref<100000x1024xf32, #tpu.memory_space<hbm>> -> memref<100000x1024xf32, #tpu.memory_space<hbm>>
    tpu.enqueue_indirect_dma source(%dma_start3A_27 : memref<100000x1024xf32, #tpu.memory_space<hbm>>) target(%dma_start3A_22 : memref<8x1024xf32, #tpu.memory_space<vmem>>) offsets(%dma_start3A_24 : memref<8xi32, #tpu.memory_space<vmem>>) semaphore(%arg9 : memref<!tpu.dma_semaphore, #tpu.memory_space<semaphore_mem>>)
    %dma_start3A_28 = arith.constant 24 : i32
    %dma_start3A_29 = arith.constant 0 : i32
    %dma_start3A_30 = tpu.memref_slice %arg6[%dma_start3A_28, %dma_start3A_29] : memref<96x1024xf32, #tpu.memory_space<vmem>> -> memref<8x1024xf32, #tpu.memory_space<vmem>>
    %dma_start3A_31 = arith.constant 24 : i32
    %dma_start3A_32 = tpu.memref_slice %arg5[%dma_start3A_31] : memref<160xi32, #tpu.memory_space<vmem>> -> memref<8xi32, #tpu.memory_space<vmem>>
    %dma_start3A_33 = arith.constant 0 : i32
    %dma_start3A_34 = arith.constant 0 : i32
    %dma_start3A_35 = tpu.memref_slice %arg2[%dma_start3A_33, %dma_start3A_34] : memref<100000x1024xf32, #tpu.memory_space<hbm>> -> memref<100000x1024xf32, #tpu.memory_space<hbm>>
    tpu.enqueue_indirect_dma source(%dma_start3A_35 : memref<100000x1024xf32, #tpu.memory_space<hbm>>) target(%dma_start3A_30 : memref<8x1024xf32, #tpu.memory_space<vmem>>) offsets(%dma_start3A_32 : memref<8xi32, #tpu.memory_space<vmem>>) semaphore(%arg10 : memref<!tpu.dma_semaphore, #tpu.memory_space<semaphore_mem>>)
    %dma_start3A_36 = arith.constant 32 : i32
    %dma_start3A_37 = arith.constant 0 : i32
    %dma_start3A_38 = tpu.memref_slice %arg6[%dma_start3A_36, %dma_start3A_37] : memref<96x1024xf32, #tpu.memory_space<vmem>> -> memref<8x1024xf32, #tpu.memory_space<vmem>>
    %dma_start3A_39 = arith.constant 32 : i32
    %dma_start3A_40 = tpu.memref_slice %arg5[%dma_start3A_39] : memref<160xi32, #tpu.memory_space<vmem>> -> memref<8xi32, #tpu.memory_space<vmem>>
    %dma_start3A_41 = arith.constant 0 : i32
    %dma_start3A_42 = arith.constant 0 : i32
    %dma_start3A_43 = tpu.memref_slice %arg2[%dma_start3A_41, %dma_start3A_42] : memref<100000x1024xf32, #tpu.memory_space<hbm>> -> memref<100000x1024xf32, #tpu.memory_space<hbm>>
    tpu.enqueue_indirect_dma source(%dma_start3A_43 : memref<100000x1024xf32, #tpu.memory_space<hbm>>) target(%dma_start3A_38 : memref<8x1024xf32, #tpu.memory_space<vmem>>) offsets(%dma_start3A_40 : memref<8xi32, #tpu.memory_space<vmem>>) semaphore(%arg11 : memref<!tpu.dma_semaphore, #tpu.memory_space<semaphore_mem>>)
    %dma_start3A_44 = arith.constant 40 : i32
    %dma_start3A_45 = arith.constant 0 : i32
    %dma_start3A_46 = tpu.memref_slice %arg6[%dma_start3A_44, %dma_start3A_45] : memref<96x1024xf32, #tpu.memory_space<vmem>> -> memref<8x1024xf32, #tpu.memory_space<vmem>>
    %dma_start3A_47 = arith.constant 40 : i32
    %dma_start3A_48 = tpu.memref_slice %arg5[%dma_start3A_47] : memref<160xi32, #tpu.memory_space<vmem>> -> memref<8xi32, #tpu.memory_space<vmem>>
    %dma_start3A_49 = arith.constant 0 : i32
    %dma_start3A_50 = arith.constant 0 : i32
    %dma_start3A_51 = tpu.memref_slice %arg2[%dma_start3A_49, %dma_start3A_50] : memref<100000x1024xf32, #tpu.memory_space<hbm>> -> memref<100000x1024xf32, #tpu.memory_space<hbm>>
    tpu.enqueue_indirect_dma source(%dma_start3A_51 : memref<100000x1024xf32, #tpu.memory_space<hbm>>) target(%dma_start3A_46 : memref<8x1024xf32, #tpu.memory_space<vmem>>) offsets(%dma_start3A_48 : memref<8xi32, #tpu.memory_space<vmem>>) semaphore(%arg12 : memref<!tpu.dma_semaphore, #tpu.memory_space<semaphore_mem>>)
    %dma_start3A_52 = arith.constant 48 : i32
    %dma_start3A_53 = arith.constant 0 : i32
    %dma_start3A_54 = tpu.memref_slice %arg6[%dma_start3A_52, %dma_start3A_53] : memref<96x1024xf32, #tpu.memory_space<vmem>> -> memref<8x1024xf32, #tpu.memory_space<vmem>>
    %dma_start3A_55 = arith.constant 48 : i32
    %dma_start3A_56 = tpu.memref_slice %arg5[%dma_start3A_55] : memref<160xi32, #tpu.memory_space<vmem>> -> memref<8xi32, #tpu.memory_space<vmem>>
    %dma_start3A_57 = arith.constant 0 : i32
    %dma_start3A_58 = arith.constant 0 : i32
    %dma_start3A_59 = tpu.memref_slice %arg2[%dma_start3A_57, %dma_start3A_58] : memref<100000x1024xf32, #tpu.memory_space<hbm>> -> memref<100000x1024xf32, #tpu.memory_space<hbm>>
    tpu.enqueue_indirect_dma source(%dma_start3A_59 : memref<100000x1024xf32, #tpu.memory_space<hbm>>) target(%dma_start3A_54 : memref<8x1024xf32, #tpu.memory_space<vmem>>) offsets(%dma_start3A_56 : memref<8xi32, #tpu.memory_space<vmem>>) semaphore(%arg13 : memref<!tpu.dma_semaphore, #tpu.memory_space<semaphore_mem>>)
    %dma_start3A_60 = arith.constant 56 : i32
    %dma_start3A_61 = arith.constant 0 : i32
    %dma_start3A_62 = tpu.memref_slice %arg6[%dma_start3A_60, %dma_start3A_61] : memref<96x1024xf32, #tpu.memory_space<vmem>> -> memref<8x1024xf32, #tpu.memory_space<vmem>>
    %dma_start3A_63 = arith.constant 56 : i32
    %dma_start3A_64 = tpu.memref_slice %arg5[%dma_start3A_63] : memref<160xi32, #tpu.memory_space<vmem>> -> memref<8xi32, #tpu.memory_space<vmem>>
    %dma_start3A_65 = arith.constant 0 : i32
    %dma_start3A_66 = arith.constant 0 : i32
    %dma_start3A_67 = tpu.memref_slice %arg2[%dma_start3A_65, %dma_start3A_66] : memref<100000x1024xf32, #tpu.memory_space<hbm>> -> memref<100000x1024xf32, #tpu.memory_space<hbm>>
    tpu.enqueue_indirect_dma source(%dma_start3A_67 : memref<100000x1024xf32, #tpu.memory_space<hbm>>) target(%dma_start3A_62 : memref<8x1024xf32, #tpu.memory_space<vmem>>) offsets(%dma_start3A_64 : memref<8xi32, #tpu.memory_space<vmem>>) semaphore(%arg14 : memref<!tpu.dma_semaphore, #tpu.memory_space<semaphore_mem>>)
    %dma_start3A_68 = arith.constant 64 : i32
    %dma_start3A_69 = arith.constant 0 : i32
    %dma_start3A_70 = tpu.memref_slice %arg6[%dma_start3A_68, %dma_start3A_69] : memref<96x1024xf32, #tpu.memory_space<vmem>> -> memref<8x1024xf32, #tpu.memory_space<vmem>>
    %dma_start3A_71 = arith.constant 64 : i32
    %dma_start3A_72 = tpu.memref_slice %arg5[%dma_start3A_71] : memref<160xi32, #tpu.memory_space<vmem>> -> memref<8xi32, #tpu.memory_space<vmem>>
    %dma_start3A_73 = arith.constant 0 : i32
    %dma_start3A_74 = arith.constant 0 : i32
    %dma_start3A_75 = tpu.memref_slice %arg2[%dma_start3A_73, %dma_start3A_74] : memref<100000x1024xf32, #tpu.memory_space<hbm>> -> memref<100000x1024xf32, #tpu.memory_space<hbm>>
    tpu.enqueue_indirect_dma source(%dma_start3A_75 : memref<100000x1024xf32, #tpu.memory_space<hbm>>) target(%dma_start3A_70 : memref<8x1024xf32, #tpu.memory_space<vmem>>) offsets(%dma_start3A_72 : memref<8xi32, #tpu.memory_space<vmem>>) semaphore(%arg15 : memref<!tpu.dma_semaphore, #tpu.memory_space<semaphore_mem>>)
    %dma_start3A_76 = arith.constant 72 : i32
    %dma_start3A_77 = arith.constant 0 : i32
    %dma_start3A_78 = tpu.memref_slice %arg6[%dma_start3A_76, %dma_start3A_77] : memref<96x1024xf32, #tpu.memory_space<vmem>> -> memref<8x1024xf32, #tpu.memory_space<vmem>>
    %dma_start3A_79 = arith.constant 72 : i32
    %dma_start3A_80 = tpu.memref_slice %arg5[%dma_start3A_79] : memref<160xi32, #tpu.memory_space<vmem>> -> memref<8xi32, #tpu.memory_space<vmem>>
    %dma_start3A_81 = arith.constant 0 : i32
    %dma_start3A_82 = arith.constant 0 : i32
    %dma_start3A_83 = tpu.memref_slice %arg2[%dma_start3A_81, %dma_start3A_82] : memref<100000x1024xf32, #tpu.memory_space<hbm>> -> memref<100000x1024xf32, #tpu.memory_space<hbm>>
    tpu.enqueue_indirect_dma source(%dma_start3A_83 : memref<100000x1024xf32, #tpu.memory_space<hbm>>) target(%dma_start3A_78 : memref<8x1024xf32, #tpu.memory_space<vmem>>) offsets(%dma_start3A_80 : memref<8xi32, #tpu.memory_space<vmem>>) semaphore(%arg16 : memref<!tpu.dma_semaphore, #tpu.memory_space<semaphore_mem>>)
    %dma_start3A_84 = arith.constant 80 : i32
    %dma_start3A_85 = arith.constant 0 : i32
    %dma_start3A_86 = tpu.memref_slice %arg6[%dma_start3A_84, %dma_start3A_85] : memref<96x1024xf32, #tpu.memory_space<vmem>> -> memref<8x1024xf32, #tpu.memory_space<vmem>>
    %dma_start3A_87 = arith.constant 80 : i32
    %dma_start3A_88 = tpu.memref_slice %arg5[%dma_start3A_87] : memref<160xi32, #tpu.memory_space<vmem>> -> memref<8xi32, #tpu.memory_space<vmem>>
    %dma_start3A_89 = arith.constant 0 : i32
    %dma_start3A_90 = arith.constant 0 : i32
    %dma_start3A_91 = tpu.memref_slice %arg2[%dma_start3A_89, %dma_start3A_90] : memref<100000x1024xf32, #tpu.memory_space<hbm>> -> memref<100000x1024xf32, #tpu.memory_space<hbm>>
    tpu.enqueue_indirect_dma source(%dma_start3A_91 : memref<100000x1024xf32, #tpu.memory_space<hbm>>) target(%dma_start3A_86 : memref<8x1024xf32, #tpu.memory_space<vmem>>) offsets(%dma_start3A_88 : memref<8xi32, #tpu.memory_space<vmem>>) semaphore(%arg17 : memref<!tpu.dma_semaphore, #tpu.memory_space<semaphore_mem>>)
    %dma_start3A_92 = arith.constant 88 : i32
    %dma_start3A_93 = arith.constant 0 : i32
    %dma_start3A_94 = tpu.memref_slice %arg6[%dma_start3A_92, %dma_start3A_93] : memref<96x1024xf32, #tpu.memory_space<vmem>> -> memref<8x1024xf32, #tpu.memory_space<vmem>>
    %dma_start3A_95 = arith.constant 88 : i32
    %dma_start3A_96 = tpu.memref_slice %arg5[%dma_start3A_95] : memref<160xi32, #tpu.memory_space<vmem>> -> memref<8xi32, #tpu.memory_space<vmem>>
    %dma_start3A_97 = arith.constant 0 : i32
    %dma_start3A_98 = arith.constant 0 : i32
    %dma_start3A_99 = tpu.memref_slice %arg2[%dma_start3A_97, %dma_start3A_98] : memref<100000x1024xf32, #tpu.memory_space<hbm>> -> memref<100000x1024xf32, #tpu.memory_space<hbm>>
    tpu.enqueue_indirect_dma source(%dma_start3A_99 : memref<100000x1024xf32, #tpu.memory_space<hbm>>) target(%dma_start3A_94 : memref<8x1024xf32, #tpu.memory_space<vmem>>) offsets(%dma_start3A_96 : memref<8xi32, #tpu.memory_space<vmem>>) semaphore(%arg18 : memref<!tpu.dma_semaphore, #tpu.memory_space<semaphore_mem>>)
    %dma_wait3A = arith.constant 0 : i32
    %dma_wait3A_100 = arith.constant 0 : i32
    %dma_wait3A_101 = tpu.memref_slice %arg6[%dma_wait3A, %dma_wait3A_100] : memref<96x1024xf32, #tpu.memory_space<vmem>> -> memref<8x1024xf32, #tpu.memory_space<vmem>>
    %dma_wait3A_102 = arith.constant 0 : i32
    %dma_wait3A_103 = tpu.memref_slice %arg5[%dma_wait3A_102] : memref<160xi32, #tpu.memory_space<vmem>> -> memref<8xi32, #tpu.memory_space<vmem>>
    %dma_wait3A_104 = arith.constant 0 : i32
    %dma_wait3A_105 = arith.constant 0 : i32
    %dma_wait3A_106 = tpu.memref_slice %arg2[%dma_wait3A_104, %dma_wait3A_105] : memref<100000x1024xf32, #tpu.memory_space<hbm>> -> memref<100000x1024xf32, #tpu.memory_space<hbm>>
    tpu.wait_indirect_dma semaphore(%arg7 : memref<!tpu.dma_semaphore, #tpu.memory_space<semaphore_mem>>) src(%dma_wait3A_106 : memref<100000x1024xf32, #tpu.memory_space<hbm>>) dst(%dma_wait3A_101 : memref<8x1024xf32, #tpu.memory_space<vmem>>)
    %add3A_107 = arith.constant 0 : i32
    %add3A_108 = arith.addi %mul3A_2, %add3A_107 : i32
    %dma_start3A_109 = arith.constant 0 : i32
    %dma_start3A_110 = arith.constant 0 : i32
    %dma_start3A_111 = tpu.memref_slice %arg6[%dma_start3A_109, %dma_start3A_110] : memref<96x1024xf32, #tpu.memory_space<vmem>> -> memref<8x1024xf32, #tpu.memory_space<vmem>>
    %dma_start3A_112 = arith.constant 0 : i32
    %dma_start3A_113 = tpu.memref_slice %arg4[%add3A_108, %dma_start3A_112] : memref<5120x1024xf32, #tpu.memory_space<hbm>> -> memref<8x1024xf32, #tpu.memory_space<hbm>>
    %dma_start3A_114 = arith.constant 0 : i32
    %dma_start3A_115 = tpu.memref_slice %arg4[%add3A_108, %dma_start3A_114] : memref<5120x1024xf32, #tpu.memory_space<hbm>> -> memref<8x1024xf32, #tpu.memory_space<hbm>>
    %dma_start3A_116 = arith.constant 0 : i32
    %dma_start3A_117 = arith.constant 0 : i32
    %dma_start3A_118 = tpu.memref_slice %arg6[%dma_start3A_116, %dma_start3A_117] : memref<96x1024xf32, #tpu.memory_space<vmem>> -> memref<8x1024xf32, #tpu.memory_space<vmem>>
    tpu.enqueue_dma source(%dma_start3A_118 : memref<8x1024xf32, #tpu.memory_space<vmem>>) target(%dma_start3A_115 : memref<8x1024xf32, #tpu.memory_space<hbm>>) target_semaphore(%arg19 : memref<!tpu.dma_semaphore, #tpu.memory_space<semaphore_mem>>)
    %dma_wait3A_119 = arith.constant 0 : i32
    %dma_wait3A_120 = arith.constant 0 : i32
    %dma_wait3A_121 = tpu.memref_slice %arg6[%dma_wait3A_119, %dma_wait3A_120] : memref<96x1024xf32, #tpu.memory_space<vmem>> -> memref<8x1024xf32, #tpu.memory_space<vmem>>
    %dma_wait3A_122 = arith.constant 0 : i32
    %dma_wait3A_123 = tpu.memref_slice %arg4[%add3A_108, %dma_wait3A_122] : memref<5120x1024xf32, #tpu.memory_space<hbm>> -> memref<8x1024xf32, #tpu.memory_space<hbm>>
    %dma_wait3A_124 = arith.constant 0 : i32
    %dma_wait3A_125 = tpu.memref_slice %arg4[%add3A_108, %dma_wait3A_124] : memref<5120x1024xf32, #tpu.memory_space<hbm>> -> memref<8x1024xf32, #tpu.memory_space<hbm>>
    %dma_wait3A_126 = arith.constant 0 : i32
    %dma_wait3A_127 = arith.constant 0 : i32
    %dma_wait3A_128 = tpu.memref_slice %arg6[%dma_wait3A_126, %dma_wait3A_127] : memref<96x1024xf32, #tpu.memory_space<vmem>> -> memref<8x1024xf32, #tpu.memory_space<vmem>>
    tpu.wait_dma2 semaphore(%arg19 : memref<!tpu.dma_semaphore, #tpu.memory_space<semaphore_mem>>) src(%dma_wait3A_128 : memref<8x1024xf32, #tpu.memory_space<vmem>>) dst(%dma_wait3A_125 : memref<8x1024xf32, #tpu.memory_space<hbm>>)
    %dma_start3A_129 = arith.constant 0 : i32
    %dma_start3A_130 = arith.constant 0 : i32
    %dma_start3A_131 = tpu.memref_slice %arg6[%dma_start3A_129, %dma_start3A_130] : memref<96x1024xf32, #tpu.memory_space<vmem>> -> memref<8x1024xf32, #tpu.memory_space<vmem>>
    %dma_start3A_132 = arith.constant 96 : i32
    %dma_start3A_133 = tpu.memref_slice %arg5[%dma_start3A_132] : memref<160xi32, #tpu.memory_space<vmem>> -> memref<8xi32, #tpu.memory_space<vmem>>
    %dma_start3A_134 = arith.constant 0 : i32
    %dma_start3A_135 = arith.constant 0 : i32
    %dma_start3A_136 = tpu.memref_slice %arg2[%dma_start3A_134, %dma_start3A_135] : memref<100000x1024xf32, #tpu.memory_space<hbm>> -> memref<100000x1024xf32, #tpu.memory_space<hbm>>
    tpu.enqueue_indirect_dma source(%dma_start3A_136 : memref<100000x1024xf32, #tpu.memory_space<hbm>>) target(%dma_start3A_131 : memref<8x1024xf32, #tpu.memory_space<vmem>>) offsets(%dma_start3A_133 : memref<8xi32, #tpu.memory_space<vmem>>) semaphore(%arg7 : memref<!tpu.dma_semaphore, #tpu.memory_space<semaphore_mem>>)
    %dma_wait3A_137 = arith.constant 8 : i32
    %dma_wait3A_138 = arith.constant 0 : i32
    %dma_wait3A_139 = tpu.memref_slice %arg6[%dma_wait3A_137, %dma_wait3A_138] : memref<96x1024xf32, #tpu.memory_space<vmem>> -> memref<8x1024xf32, #tpu.memory_space<vmem>>
    %dma_wait3A_140 = arith.constant 8 : i32
    %dma_wait3A_141 = tpu.memref_slice %arg5[%dma_wait3A_140] : memref<160xi32, #tpu.memory_space<vmem>> -> memref<8xi32, #tpu.memory_space<vmem>>
    %dma_wait3A_142 = arith.constant 0 : i32
    %dma_wait3A_143 = arith.constant 0 : i32
    %dma_wait3A_144 = tpu.memref_slice %arg2[%dma_wait3A_142, %dma_wait3A_143] : memref<100000x1024xf32, #tpu.memory_space<hbm>> -> memref<100000x1024xf32, #tpu.memory_space<hbm>>
    tpu.wait_indirect_dma semaphore(%arg8 : memref<!tpu.dma_semaphore, #tpu.memory_space<semaphore_mem>>) src(%dma_wait3A_144 : memref<100000x1024xf32, #tpu.memory_space<hbm>>) dst(%dma_wait3A_139 : memref<8x1024xf32, #tpu.memory_space<vmem>>)
    %add3A_145 = arith.constant 8 : i32
    %add3A_146 = arith.addi %mul3A_2, %add3A_145 : i32
    %dma_start3A_147 = arith.constant 8 : i32
    %dma_start3A_148 = arith.constant 0 : i32
    %dma_start3A_149 = tpu.memref_slice %arg6[%dma_start3A_147, %dma_start3A_148] : memref<96x1024xf32, #tpu.memory_space<vmem>> -> memref<8x1024xf32, #tpu.memory_space<vmem>>
    %dma_start3A_150 = arith.constant 0 : i32
    %dma_start3A_151 = tpu.memref_slice %arg4[%add3A_146, %dma_start3A_150] : memref<5120x1024xf32, #tpu.memory_space<hbm>> -> memref<8x1024xf32, #tpu.memory_space<hbm>>
    %dma_start3A_152 = arith.constant 0 : i32
    %dma_start3A_153 = tpu.memref_slice %arg4[%add3A_146, %dma_start3A_152] : memref<5120x1024xf32, #tpu.memory_space<hbm>> -> memref<8x1024xf32, #tpu.memory_space<hbm>>
    %dma_start3A_154 = arith.constant 8 : i32
    %dma_start3A_155 = arith.constant 0 : i32
    %dma_start3A_156 = tpu.memref_slice %arg6[%dma_start3A_154, %dma_start3A_155] : memref<96x1024xf32, #tpu.memory_space<vmem>> -> memref<8x1024xf32, #tpu.memory_space<vmem>>
    tpu.enqueue_dma source(%dma_start3A_156 : memref<8x1024xf32, #tpu.memory_space<vmem>>) target(%dma_start3A_153 : memref<8x1024xf32, #tpu.memory_space<hbm>>) target_semaphore(%arg20 : memref<!tpu.dma_semaphore, #tpu.memory_space<semaphore_mem>>)
    %dma_wait3A_157 = arith.constant 8 : i32
    %dma_wait3A_158 = arith.constant 0 : i32
    %dma_wait3A_159 = tpu.memref_slice %arg6[%dma_wait3A_157, %dma_wait3A_158] : memref<96x1024xf32, #tpu.memory_space<vmem>> -> memref<8x1024xf32, #tpu.memory_space<vmem>>
    %dma_wait3A_160 = arith.constant 0 : i32
    %dma_wait3A_161 = tpu.memref_slice %arg4[%add3A_146, %dma_wait3A_160] : memref<5120x1024xf32, #tpu.memory_space<hbm>> -> memref<8x1024xf32, #tpu.memory_space<hbm>>
    %dma_wait3A_162 = arith.constant 0 : i32
    %dma_wait3A_163 = tpu.memref_slice %arg4[%add3A_146, %dma_wait3A_162] : memref<5120x1024xf32, #tpu.memory_space<hbm>> -> memref<8x1024xf32, #tpu.memory_space<hbm>>
    %dma_wait3A_164 = arith.constant 8 : i32
    %dma_wait3A_165 = arith.constant 0 : i32
    %dma_wait3A_166 = tpu.memref_slice %arg6[%dma_wait3A_164, %dma_wait3A_165] : memref<96x1024xf32, #tpu.memory_space<vmem>> -> memref<8x1024xf32, #tpu.memory_space<vmem>>
    tpu.wait_dma2 semaphore(%arg20 : memref<!tpu.dma_semaphore, #tpu.memory_space<semaphore_mem>>) src(%dma_wait3A_166 : memref<8x1024xf32, #tpu.memory_space<vmem>>) dst(%dma_wait3A_163 : memref<8x1024xf32, #tpu.memory_space<hbm>>)
    %dma_start3A_167 = arith.constant 8 : i32
    %dma_start3A_168 = arith.constant 0 : i32
    %dma_start3A_169 = tpu.memref_slice %arg6[%dma_start3A_167, %dma_start3A_168] : memref<96x1024xf32, #tpu.memory_space<vmem>> -> memref<8x1024xf32, #tpu.memory_space<vmem>>
    %dma_start3A_170 = arith.constant 104 : i32
    %dma_start3A_171 = tpu.memref_slice %arg5[%dma_start3A_170] : memref<160xi32, #tpu.memory_space<vmem>> -> memref<8xi32, #tpu.memory_space<vmem>>
    %dma_start3A_172 = arith.constant 0 : i32
    %dma_start3A_173 = arith.constant 0 : i32
    %dma_start3A_174 = tpu.memref_slice %arg2[%dma_start3A_172, %dma_start3A_173] : memref<100000x1024xf32, #tpu.memory_space<hbm>> -> memref<100000x1024xf32, #tpu.memory_space<hbm>>
    tpu.enqueue_indirect_dma source(%dma_start3A_174 : memref<100000x1024xf32, #tpu.memory_space<hbm>>) target(%dma_start3A_169 : memref<8x1024xf32, #tpu.memory_space<vmem>>) offsets(%dma_start3A_171 : memref<8xi32, #tpu.memory_space<vmem>>) semaphore(%arg8 : memref<!tpu.dma_semaphore, #tpu.memory_space<semaphore_mem>>)
    %dma_wait3A_175 = arith.constant 16 : i32
    %dma_wait3A_176 = arith.constant 0 : i32
    %dma_wait3A_177 = tpu.memref_slice %arg6[%dma_wait3A_175, %dma_wait3A_176] : memref<96x1024xf32, #tpu.memory_space<vmem>> -> memref<8x1024xf32, #tpu.memory_space<vmem>>
    %dma_wait3A_178 = arith.constant 16 : i32
    %dma_wait3A_179 = tpu.memref_slice %arg5[%dma_wait3A_178] : memref<160xi32, #tpu.memory_space<vmem>> -> memref<8xi32, #tpu.memory_space<vmem>>
    %dma_wait3A_180 = arith.constant 0 : i32
    %dma_wait3A_181 = arith.constant 0 : i32
    %dma_wait3A_182 = tpu.memref_slice %arg2[%dma_wait3A_180, %dma_wait3A_181] : memref<100000x1024xf32, #tpu.memory_space<hbm>> -> memref<100000x1024xf32, #tpu.memory_space<hbm>>
    tpu.wait_indirect_dma semaphore(%arg9 : memref<!tpu.dma_semaphore, #tpu.memory_space<semaphore_mem>>) src(%dma_wait3A_182 : memref<100000x1024xf32, #tpu.memory_space<hbm>>) dst(%dma_wait3A_177 : memref<8x1024xf32, #tpu.memory_space<vmem>>)
    %add3A_183 = arith.constant 16 : i32
    %add3A_184 = arith.addi %mul3A_2, %add3A_183 : i32
    %dma_start3A_185 = arith.constant 16 : i32
    %dma_start3A_186 = arith.constant 0 : i32
    %dma_start3A_187 = tpu.memref_slice %arg6[%dma_start3A_185, %dma_start3A_186] : memref<96x1024xf32, #tpu.memory_space<vmem>> -> memref<8x1024xf32, #tpu.memory_space<vmem>>
    %dma_start3A_188 = arith.constant 0 : i32
    %dma_start3A_189 = tpu.memref_slice %arg4[%add3A_184, %dma_start3A_188] : memref<5120x1024xf32, #tpu.memory_space<hbm>> -> memref<8x1024xf32, #tpu.memory_space<hbm>>
    %dma_start3A_190 = arith.constant 0 : i32
    %dma_start3A_191 = tpu.memref_slice %arg4[%add3A_184, %dma_start3A_190] : memref<5120x1024xf32, #tpu.memory_space<hbm>> -> memref<8x1024xf32, #tpu.memory_space<hbm>>
    %dma_start3A_192 = arith.constant 16 : i32
    %dma_start3A_193 = arith.constant 0 : i32
    %dma_start3A_194 = tpu.memref_slice %arg6[%dma_start3A_192, %dma_start3A_193] : memref<96x1024xf32, #tpu.memory_space<vmem>> -> memref<8x1024xf32, #tpu.memory_space<vmem>>
    tpu.enqueue_dma source(%dma_start3A_194 : memref<8x1024xf32, #tpu.memory_space<vmem>>) target(%dma_start3A_191 : memref<8x1024xf32, #tpu.memory_space<hbm>>) target_semaphore(%arg21 : memref<!tpu.dma_semaphore, #tpu.memory_space<semaphore_mem>>)
    %dma_wait3A_195 = arith.constant 16 : i32
    %dma_wait3A_196 = arith.constant 0 : i32
    %dma_wait3A_197 = tpu.memref_slice %arg6[%dma_wait3A_195, %dma_wait3A_196] : memref<96x1024xf32, #tpu.memory_space<vmem>> -> memref<8x1024xf32, #tpu.memory_space<vmem>>
    %dma_wait3A_198 = arith.constant 0 : i32
    %dma_wait3A_199 = tpu.memref_slice %arg4[%add3A_184, %dma_wait3A_198] : memref<5120x1024xf32, #tpu.memory_space<hbm>> -> memref<8x1024xf32, #tpu.memory_space<hbm>>
    %dma_wait3A_200 = arith.constant 0 : i32
    %dma_wait3A_201 = tpu.memref_slice %arg4[%add3A_184, %dma_wait3A_200] : memref<5120x1024xf32, #tpu.memory_space<hbm>> -> memref<8x1024xf32, #tpu.memory_space<hbm>>
    %dma_wait3A_202 = arith.constant 16 : i32
    %dma_wait3A_203 = arith.constant 0 : i32
    %dma_wait3A_204 = tpu.memref_slice %arg6[%dma_wait3A_202, %dma_wait3A_203] : memref<96x1024xf32, #tpu.memory_space<vmem>> -> memref<8x1024xf32, #tpu.memory_space<vmem>>
    tpu.wait_dma2 semaphore(%arg21 : memref<!tpu.dma_semaphore, #tpu.memory_space<semaphore_mem>>) src(%dma_wait3A_204 : memref<8x1024xf32, #tpu.memory_space<vmem>>) dst(%dma_wait3A_201 : memref<8x1024xf32, #tpu.memory_space<hbm>>)
    %dma_start3A_205 = arith.constant 16 : i32
    %dma_start3A_206 = arith.constant 0 : i32
    %dma_start3A_207 = tpu.memref_slice %arg6[%dma_start3A_205, %dma_start3A_206] : memref<96x1024xf32, #tpu.memory_space<vmem>> -> memref<8x1024xf32, #tpu.memory_space<vmem>>
    %dma_start3A_208 = arith.constant 112 : i32
    %dma_start3A_209 = tpu.memref_slice %arg5[%dma_start3A_208] : memref<160xi32, #tpu.memory_space<vmem>> -> memref<8xi32, #tpu.memory_space<vmem>>
    %dma_start3A_210 = arith.constant 0 : i32
    %dma_start3A_211 = arith.constant 0 : i32
    %dma_start3A_212 = tpu.memref_slice %arg2[%dma_start3A_210, %dma_start3A_211] : memref<100000x1024xf32, #tpu.memory_space<hbm>> -> memref<100000x1024xf32, #tpu.memory_space<hbm>>
    tpu.enqueue_indirect_dma source(%dma_start3A_212 : memref<100000x1024xf32, #tpu.memory_space<hbm>>) target(%dma_start3A_207 : memref<8x1024xf32, #tpu.memory_space<vmem>>) offsets(%dma_start3A_209 : memref<8xi32, #tpu.memory_space<vmem>>) semaphore(%arg9 : memref<!tpu.dma_semaphore, #tpu.memory_space<semaphore_mem>>)
    %dma_wait3A_213 = arith.constant 24 : i32
    %dma_wait3A_214 = arith.constant 0 : i32
    %dma_wait3A_215 = tpu.memref_slice %arg6[%dma_wait3A_213, %dma_wait3A_214] : memref<96x1024xf32, #tpu.memory_space<vmem>> -> memref<8x1024xf32, #tpu.memory_space<vmem>>
    %dma_wait3A_216 = arith.constant 24 : i32
    %dma_wait3A_217 = tpu.memref_slice %arg5[%dma_wait3A_216] : memref<160xi32, #tpu.memory_space<vmem>> -> memref<8xi32, #tpu.memory_space<vmem>>
    %dma_wait3A_218 = arith.constant 0 : i32
    %dma_wait3A_219 = arith.constant 0 : i32
    %dma_wait3A_220 = tpu.memref_slice %arg2[%dma_wait3A_218, %dma_wait3A_219] : memref<100000x1024xf32, #tpu.memory_space<hbm>> -> memref<100000x1024xf32, #tpu.memory_space<hbm>>
    tpu.wait_indirect_dma semaphore(%arg10 : memref<!tpu.dma_semaphore, #tpu.memory_space<semaphore_mem>>) src(%dma_wait3A_220 : memref<100000x1024xf32, #tpu.memory_space<hbm>>) dst(%dma_wait3A_215 : memref<8x1024xf32, #tpu.memory_space<vmem>>)
    %add3A_221 = arith.constant 24 : i32
    %add3A_222 = arith.addi %mul3A_2, %add3A_221 : i32
    %dma_start3A_223 = arith.constant 24 : i32
    %dma_start3A_224 = arith.constant 0 : i32
    %dma_start3A_225 = tpu.memref_slice %arg6[%dma_start3A_223, %dma_start3A_224] : memref<96x1024xf32, #tpu.memory_space<vmem>> -> memref<8x1024xf32, #tpu.memory_space<vmem>>
    %dma_start3A_226 = arith.constant 0 : i32
    %dma_start3A_227 = tpu.memref_slice %arg4[%add3A_222, %dma_start3A_226] : memref<5120x1024xf32, #tpu.memory_space<hbm>> -> memref<8x1024xf32, #tpu.memory_space<hbm>>
    %dma_start3A_228 = arith.constant 0 : i32
    %dma_start3A_229 = tpu.memref_slice %arg4[%add3A_222, %dma_start3A_228] : memref<5120x1024xf32, #tpu.memory_space<hbm>> -> memref<8x1024xf32, #tpu.memory_space<hbm>>
    %dma_start3A_230 = arith.constant 24 : i32
    %dma_start3A_231 = arith.constant 0 : i32
    %dma_start3A_232 = tpu.memref_slice %arg6[%dma_start3A_230, %dma_start3A_231] : memref<96x1024xf32, #tpu.memory_space<vmem>> -> memref<8x1024xf32, #tpu.memory_space<vmem>>
    tpu.enqueue_dma source(%dma_start3A_232 : memref<8x1024xf32, #tpu.memory_space<vmem>>) target(%dma_start3A_229 : memref<8x1024xf32, #tpu.memory_space<hbm>>) target_semaphore(%arg22 : memref<!tpu.dma_semaphore, #tpu.memory_space<semaphore_mem>>)
    %dma_wait3A_233 = arith.constant 24 : i32
    %dma_wait3A_234 = arith.constant 0 : i32
    %dma_wait3A_235 = tpu.memref_slice %arg6[%dma_wait3A_233, %dma_wait3A_234] : memref<96x1024xf32, #tpu.memory_space<vmem>> -> memref<8x1024xf32, #tpu.memory_space<vmem>>
    %dma_wait3A_236 = arith.constant 0 : i32
    %dma_wait3A_237 = tpu.memref_slice %arg4[%add3A_222, %dma_wait3A_236] : memref<5120x1024xf32, #tpu.memory_space<hbm>> -> memref<8x1024xf32, #tpu.memory_space<hbm>>
    %dma_wait3A_238 = arith.constant 0 : i32
    %dma_wait3A_239 = tpu.memref_slice %arg4[%add3A_222, %dma_wait3A_238] : memref<5120x1024xf32, #tpu.memory_space<hbm>> -> memref<8x1024xf32, #tpu.memory_space<hbm>>
    %dma_wait3A_240 = arith.constant 24 : i32
    %dma_wait3A_241 = arith.constant 0 : i32
    %dma_wait3A_242 = tpu.memref_slice %arg6[%dma_wait3A_240, %dma_wait3A_241] : memref<96x1024xf32, #tpu.memory_space<vmem>> -> memref<8x1024xf32, #tpu.memory_space<vmem>>
    tpu.wait_dma2 semaphore(%arg22 : memref<!tpu.dma_semaphore, #tpu.memory_space<semaphore_mem>>) src(%dma_wait3A_242 : memref<8x1024xf32, #tpu.memory_space<vmem>>) dst(%dma_wait3A_239 : memref<8x1024xf32, #tpu.memory_space<hbm>>)
    %dma_start3A_243 = arith.constant 24 : i32
    %dma_start3A_244 = arith.constant 0 : i32
    %dma_start3A_245 = tpu.memref_slice %arg6[%dma_start3A_243, %dma_start3A_244] : memref<96x1024xf32, #tpu.memory_space<vmem>> -> memref<8x1024xf32, #tpu.memory_space<vmem>>
    %dma_start3A_246 = arith.constant 120 : i32
    %dma_start3A_247 = tpu.memref_slice %arg5[%dma_start3A_246] : memref<160xi32, #tpu.memory_space<vmem>> -> memref<8xi32, #tpu.memory_space<vmem>>
    %dma_start3A_248 = arith.constant 0 : i32
    %dma_start3A_249 = arith.constant 0 : i32
    %dma_start3A_250 = tpu.memref_slice %arg2[%dma_start3A_248, %dma_start3A_249] : memref<100000x1024xf32, #tpu.memory_space<hbm>> -> memref<100000x1024xf32, #tpu.memory_space<hbm>>
    tpu.enqueue_indirect_dma source(%dma_start3A_250 : memref<100000x1024xf32, #tpu.memory_space<hbm>>) target(%dma_start3A_245 : memref<8x1024xf32, #tpu.memory_space<vmem>>) offsets(%dma_start3A_247 : memref<8xi32, #tpu.memory_space<vmem>>) semaphore(%arg10 : memref<!tpu.dma_semaphore, #tpu.memory_space<semaphore_mem>>)
    %dma_wait3A_251 = arith.constant 32 : i32
    %dma_wait3A_252 = arith.constant 0 : i32
    %dma_wait3A_253 = tpu.memref_slice %arg6[%dma_wait3A_251, %dma_wait3A_252] : memref<96x1024xf32, #tpu.memory_space<vmem>> -> memref<8x1024xf32, #tpu.memory_space<vmem>>
    %dma_wait3A_254 = arith.constant 32 : i32
    %dma_wait3A_255 = tpu.memref_slice %arg5[%dma_wait3A_254] : memref<160xi32, #tpu.memory_space<vmem>> -> memref<8xi32, #tpu.memory_space<vmem>>
    %dma_wait3A_256 = arith.constant 0 : i32
    %dma_wait3A_257 = arith.constant 0 : i32
    %dma_wait3A_258 = tpu.memref_slice %arg2[%dma_wait3A_256, %dma_wait3A_257] : memref<100000x1024xf32, #tpu.memory_space<hbm>> -> memref<100000x1024xf32, #tpu.memory_space<hbm>>
    tpu.wait_indirect_dma semaphore(%arg11 : memref<!tpu.dma_semaphore, #tpu.memory_space<semaphore_mem>>) src(%dma_wait3A_258 : memref<100000x1024xf32, #tpu.memory_space<hbm>>) dst(%dma_wait3A_253 : memref<8x1024xf32, #tpu.memory_space<vmem>>)
    %add3A_259 = arith.constant 32 : i32
    %add3A_260 = arith.addi %mul3A_2, %add3A_259 : i32
    %dma_start3A_261 = arith.constant 32 : i32
    %dma_start3A_262 = arith.constant 0 : i32
    %dma_start3A_263 = tpu.memref_slice %arg6[%dma_start3A_261, %dma_start3A_262] : memref<96x1024xf32, #tpu.memory_space<vmem>> -> memref<8x1024xf32, #tpu.memory_space<vmem>>
    %dma_start3A_264 = arith.constant 0 : i32
    %dma_start3A_265 = tpu.memref_slice %arg4[%add3A_260, %dma_start3A_264] : memref<5120x1024xf32, #tpu.memory_space<hbm>> -> memref<8x1024xf32, #tpu.memory_space<hbm>>
    %dma_start3A_266 = arith.constant 0 : i32
    %dma_start3A_267 = tpu.memref_slice %arg4[%add3A_260, %dma_start3A_266] : memref<5120x1024xf32, #tpu.memory_space<hbm>> -> memref<8x1024xf32, #tpu.memory_space<hbm>>
    %dma_start3A_268 = arith.constant 32 : i32
    %dma_start3A_269 = arith.constant 0 : i32
    %dma_start3A_270 = tpu.memref_slice %arg6[%dma_start3A_268, %dma_start3A_269] : memref<96x1024xf32, #tpu.memory_space<vmem>> -> memref<8x1024xf32, #tpu.memory_space<vmem>>
    tpu.enqueue_dma source(%dma_start3A_270 : memref<8x1024xf32, #tpu.memory_space<vmem>>) target(%dma_start3A_267 : memref<8x1024xf32, #tpu.memory_space<hbm>>) target_semaphore(%arg23 : memref<!tpu.dma_semaphore, #tpu.memory_space<semaphore_mem>>)
    %dma_wait3A_271 = arith.constant 32 : i32
    %dma_wait3A_272 = arith.constant 0 : i32
    %dma_wait3A_273 = tpu.memref_slice %arg6[%dma_wait3A_271, %dma_wait3A_272] : memref<96x1024xf32, #tpu.memory_space<vmem>> -> memref<8x1024xf32, #tpu.memory_space<vmem>>
    %dma_wait3A_274 = arith.constant 0 : i32
    %dma_wait3A_275 = tpu.memref_slice %arg4[%add3A_260, %dma_wait3A_274] : memref<5120x1024xf32, #tpu.memory_space<hbm>> -> memref<8x1024xf32, #tpu.memory_space<hbm>>
    %dma_wait3A_276 = arith.constant 0 : i32
    %dma_wait3A_277 = tpu.memref_slice %arg4[%add3A_260, %dma_wait3A_276] : memref<5120x1024xf32, #tpu.memory_space<hbm>> -> memref<8x1024xf32, #tpu.memory_space<hbm>>
    %dma_wait3A_278 = arith.constant 32 : i32
    %dma_wait3A_279 = arith.constant 0 : i32
    %dma_wait3A_280 = tpu.memref_slice %arg6[%dma_wait3A_278, %dma_wait3A_279] : memref<96x1024xf32, #tpu.memory_space<vmem>> -> memref<8x1024xf32, #tpu.memory_space<vmem>>
    tpu.wait_dma2 semaphore(%arg23 : memref<!tpu.dma_semaphore, #tpu.memory_space<semaphore_mem>>) src(%dma_wait3A_280 : memref<8x1024xf32, #tpu.memory_space<vmem>>) dst(%dma_wait3A_277 : memref<8x1024xf32, #tpu.memory_space<hbm>>)
    %dma_start3A_281 = arith.constant 32 : i32
    %dma_start3A_282 = arith.constant 0 : i32
    %dma_start3A_283 = tpu.memref_slice %arg6[%dma_start3A_281, %dma_start3A_282] : memref<96x1024xf32, #tpu.memory_space<vmem>> -> memref<8x1024xf32, #tpu.memory_space<vmem>>
    %dma_start3A_284 = arith.constant 128 : i32
    %dma_start3A_285 = tpu.memref_slice %arg5[%dma_start3A_284] : memref<160xi32, #tpu.memory_space<vmem>> -> memref<8xi32, #tpu.memory_space<vmem>>
    %dma_start3A_286 = arith.constant 0 : i32
    %dma_start3A_287 = arith.constant 0 : i32
    %dma_start3A_288 = tpu.memref_slice %arg2[%dma_start3A_286, %dma_start3A_287] : memref<100000x1024xf32, #tpu.memory_space<hbm>> -> memref<100000x1024xf32, #tpu.memory_space<hbm>>
    tpu.enqueue_indirect_dma source(%dma_start3A_288 : memref<100000x1024xf32, #tpu.memory_space<hbm>>) target(%dma_start3A_283 : memref<8x1024xf32, #tpu.memory_space<vmem>>) offsets(%dma_start3A_285 : memref<8xi32, #tpu.memory_space<vmem>>) semaphore(%arg11 : memref<!tpu.dma_semaphore, #tpu.memory_space<semaphore_mem>>)
    %dma_wait3A_289 = arith.constant 40 : i32
    %dma_wait3A_290 = arith.constant 0 : i32
    %dma_wait3A_291 = tpu.memref_slice %arg6[%dma_wait3A_289, %dma_wait3A_290] : memref<96x1024xf32, #tpu.memory_space<vmem>> -> memref<8x1024xf32, #tpu.memory_space<vmem>>
    %dma_wait3A_292 = arith.constant 40 : i32
    %dma_wait3A_293 = tpu.memref_slice %arg5[%dma_wait3A_292] : memref<160xi32, #tpu.memory_space<vmem>> -> memref<8xi32, #tpu.memory_space<vmem>>
    %dma_wait3A_294 = arith.constant 0 : i32
    %dma_wait3A_295 = arith.constant 0 : i32
    %dma_wait3A_296 = tpu.memref_slice %arg2[%dma_wait3A_294, %dma_wait3A_295] : memref<100000x1024xf32, #tpu.memory_space<hbm>> -> memref<100000x1024xf32, #tpu.memory_space<hbm>>
    tpu.wait_indirect_dma semaphore(%arg12 : memref<!tpu.dma_semaphore, #tpu.memory_space<semaphore_mem>>) src(%dma_wait3A_296 : memref<100000x1024xf32, #tpu.memory_space<hbm>>) dst(%dma_wait3A_291 : memref<8x1024xf32, #tpu.memory_space<vmem>>)
    %add3A_297 = arith.constant 40 : i32
    %add3A_298 = arith.addi %mul3A_2, %add3A_297 : i32
    %dma_start3A_299 = arith.constant 40 : i32
    %dma_start3A_300 = arith.constant 0 : i32
    %dma_start3A_301 = tpu.memref_slice %arg6[%dma_start3A_299, %dma_start3A_300] : memref<96x1024xf32, #tpu.memory_space<vmem>> -> memref<8x1024xf32, #tpu.memory_space<vmem>>
    %dma_start3A_302 = arith.constant 0 : i32
    %dma_start3A_303 = tpu.memref_slice %arg4[%add3A_298, %dma_start3A_302] : memref<5120x1024xf32, #tpu.memory_space<hbm>> -> memref<8x1024xf32, #tpu.memory_space<hbm>>
    %dma_start3A_304 = arith.constant 0 : i32
    %dma_start3A_305 = tpu.memref_slice %arg4[%add3A_298, %dma_start3A_304] : memref<5120x1024xf32, #tpu.memory_space<hbm>> -> memref<8x1024xf32, #tpu.memory_space<hbm>>
    %dma_start3A_306 = arith.constant 40 : i32
    %dma_start3A_307 = arith.constant 0 : i32
    %dma_start3A_308 = tpu.memref_slice %arg6[%dma_start3A_306, %dma_start3A_307] : memref<96x1024xf32, #tpu.memory_space<vmem>> -> memref<8x1024xf32, #tpu.memory_space<vmem>>
    tpu.enqueue_dma source(%dma_start3A_308 : memref<8x1024xf32, #tpu.memory_space<vmem>>) target(%dma_start3A_305 : memref<8x1024xf32, #tpu.memory_space<hbm>>) target_semaphore(%arg24 : memref<!tpu.dma_semaphore, #tpu.memory_space<semaphore_mem>>)
    %dma_wait3A_309 = arith.constant 40 : i32
    %dma_wait3A_310 = arith.constant 0 : i32
    %dma_wait3A_311 = tpu.memref_slice %arg6[%dma_wait3A_309, %dma_wait3A_310] : memref<96x1024xf32, #tpu.memory_space<vmem>> -> memref<8x1024xf32, #tpu.memory_space<vmem>>
    %dma_wait3A_312 = arith.constant 0 : i32
    %dma_wait3A_313 = tpu.memref_slice %arg4[%add3A_298, %dma_wait3A_312] : memref<5120x1024xf32, #tpu.memory_space<hbm>> -> memref<8x1024xf32, #tpu.memory_space<hbm>>
    %dma_wait3A_314 = arith.constant 0 : i32
    %dma_wait3A_315 = tpu.memref_slice %arg4[%add3A_298, %dma_wait3A_314] : memref<5120x1024xf32, #tpu.memory_space<hbm>> -> memref<8x1024xf32, #tpu.memory_space<hbm>>
    %dma_wait3A_316 = arith.constant 40 : i32
    %dma_wait3A_317 = arith.constant 0 : i32
    %dma_wait3A_318 = tpu.memref_slice %arg6[%dma_wait3A_316, %dma_wait3A_317] : memref<96x1024xf32, #tpu.memory_space<vmem>> -> memref<8x1024xf32, #tpu.memory_space<vmem>>
    tpu.wait_dma2 semaphore(%arg24 : memref<!tpu.dma_semaphore, #tpu.memory_space<semaphore_mem>>) src(%dma_wait3A_318 : memref<8x1024xf32, #tpu.memory_space<vmem>>) dst(%dma_wait3A_315 : memref<8x1024xf32, #tpu.memory_space<hbm>>)
    %dma_start3A_319 = arith.constant 40 : i32
    %dma_start3A_320 = arith.constant 0 : i32
    %dma_start3A_321 = tpu.memref_slice %arg6[%dma_start3A_319, %dma_start3A_320] : memref<96x1024xf32, #tpu.memory_space<vmem>> -> memref<8x1024xf32, #tpu.memory_space<vmem>>
    %dma_start3A_322 = arith.constant 136 : i32
    %dma_start3A_323 = tpu.memref_slice %arg5[%dma_start3A_322] : memref<160xi32, #tpu.memory_space<vmem>> -> memref<8xi32, #tpu.memory_space<vmem>>
    %dma_start3A_324 = arith.constant 0 : i32
    %dma_start3A_325 = arith.constant 0 : i32
    %dma_start3A_326 = tpu.memref_slice %arg2[%dma_start3A_324, %dma_start3A_325] : memref<100000x1024xf32, #tpu.memory_space<hbm>> -> memref<100000x1024xf32, #tpu.memory_space<hbm>>
    tpu.enqueue_indirect_dma source(%dma_start3A_326 : memref<100000x1024xf32, #tpu.memory_space<hbm>>) target(%dma_start3A_321 : memref<8x1024xf32, #tpu.memory_space<vmem>>) offsets(%dma_start3A_323 : memref<8xi32, #tpu.memory_space<vmem>>) semaphore(%arg12 : memref<!tpu.dma_semaphore, #tpu.memory_space<semaphore_mem>>)
    %dma_wait3A_327 = arith.constant 48 : i32
    %dma_wait3A_328 = arith.constant 0 : i32
    %dma_wait3A_329 = tpu.memref_slice %arg6[%dma_wait3A_327, %dma_wait3A_328] : memref<96x1024xf32, #tpu.memory_space<vmem>> -> memref<8x1024xf32, #tpu.memory_space<vmem>>
    %dma_wait3A_330 = arith.constant 48 : i32
    %dma_wait3A_331 = tpu.memref_slice %arg5[%dma_wait3A_330] : memref<160xi32, #tpu.memory_space<vmem>> -> memref<8xi32, #tpu.memory_space<vmem>>
    %dma_wait3A_332 = arith.constant 0 : i32
    %dma_wait3A_333 = arith.constant 0 : i32
    %dma_wait3A_334 = tpu.memref_slice %arg2[%dma_wait3A_332, %dma_wait3A_333] : memref<100000x1024xf32, #tpu.memory_space<hbm>> -> memref<100000x1024xf32, #tpu.memory_space<hbm>>
    tpu.wait_indirect_dma semaphore(%arg13 : memref<!tpu.dma_semaphore, #tpu.memory_space<semaphore_mem>>) src(%dma_wait3A_334 : memref<100000x1024xf32, #tpu.memory_space<hbm>>) dst(%dma_wait3A_329 : memref<8x1024xf32, #tpu.memory_space<vmem>>)
    %add3A_335 = arith.constant 48 : i32
    %add3A_336 = arith.addi %mul3A_2, %add3A_335 : i32
    %dma_start3A_337 = arith.constant 48 : i32
    %dma_start3A_338 = arith.constant 0 : i32
    %dma_start3A_339 = tpu.memref_slice %arg6[%dma_start3A_337, %dma_start3A_338] : memref<96x1024xf32, #tpu.memory_space<vmem>> -> memref<8x1024xf32, #tpu.memory_space<vmem>>
    %dma_start3A_340 = arith.constant 0 : i32
    %dma_start3A_341 = tpu.memref_slice %arg4[%add3A_336, %dma_start3A_340] : memref<5120x1024xf32, #tpu.memory_space<hbm>> -> memref<8x1024xf32, #tpu.memory_space<hbm>>
    %dma_start3A_342 = arith.constant 0 : i32
    %dma_start3A_343 = tpu.memref_slice %arg4[%add3A_336, %dma_start3A_342] : memref<5120x1024xf32, #tpu.memory_space<hbm>> -> memref<8x1024xf32, #tpu.memory_space<hbm>>
    %dma_start3A_344 = arith.constant 48 : i32
    %dma_start3A_345 = arith.constant 0 : i32
    %dma_start3A_346 = tpu.memref_slice %arg6[%dma_start3A_344, %dma_start3A_345] : memref<96x1024xf32, #tpu.memory_space<vmem>> -> memref<8x1024xf32, #tpu.memory_space<vmem>>
    tpu.enqueue_dma source(%dma_start3A_346 : memref<8x1024xf32, #tpu.memory_space<vmem>>) target(%dma_start3A_343 : memref<8x1024xf32, #tpu.memory_space<hbm>>) target_semaphore(%arg25 : memref<!tpu.dma_semaphore, #tpu.memory_space<semaphore_mem>>)
    %dma_wait3A_347 = arith.constant 48 : i32
    %dma_wait3A_348 = arith.constant 0 : i32
    %dma_wait3A_349 = tpu.memref_slice %arg6[%dma_wait3A_347, %dma_wait3A_348] : memref<96x1024xf32, #tpu.memory_space<vmem>> -> memref<8x1024xf32, #tpu.memory_space<vmem>>
    %dma_wait3A_350 = arith.constant 0 : i32
    %dma_wait3A_351 = tpu.memref_slice %arg4[%add3A_336, %dma_wait3A_350] : memref<5120x1024xf32, #tpu.memory_space<hbm>> -> memref<8x1024xf32, #tpu.memory_space<hbm>>
    %dma_wait3A_352 = arith.constant 0 : i32
    %dma_wait3A_353 = tpu.memref_slice %arg4[%add3A_336, %dma_wait3A_352] : memref<5120x1024xf32, #tpu.memory_space<hbm>> -> memref<8x1024xf32, #tpu.memory_space<hbm>>
    %dma_wait3A_354 = arith.constant 48 : i32
    %dma_wait3A_355 = arith.constant 0 : i32
    %dma_wait3A_356 = tpu.memref_slice %arg6[%dma_wait3A_354, %dma_wait3A_355] : memref<96x1024xf32, #tpu.memory_space<vmem>> -> memref<8x1024xf32, #tpu.memory_space<vmem>>
    tpu.wait_dma2 semaphore(%arg25 : memref<!tpu.dma_semaphore, #tpu.memory_space<semaphore_mem>>) src(%dma_wait3A_356 : memref<8x1024xf32, #tpu.memory_space<vmem>>) dst(%dma_wait3A_353 : memref<8x1024xf32, #tpu.memory_space<hbm>>)
    %dma_start3A_357 = arith.constant 48 : i32
    %dma_start3A_358 = arith.constant 0 : i32
    %dma_start3A_359 = tpu.memref_slice %arg6[%dma_start3A_357, %dma_start3A_358] : memref<96x1024xf32, #tpu.memory_space<vmem>> -> memref<8x1024xf32, #tpu.memory_space<vmem>>
    %dma_start3A_360 = arith.constant 144 : i32
    %dma_start3A_361 = tpu.memref_slice %arg5[%dma_start3A_360] : memref<160xi32, #tpu.memory_space<vmem>> -> memref<8xi32, #tpu.memory_space<vmem>>
    %dma_start3A_362 = arith.constant 0 : i32
    %dma_start3A_363 = arith.constant 0 : i32
    %dma_start3A_364 = tpu.memref_slice %arg2[%dma_start3A_362, %dma_start3A_363] : memref<100000x1024xf32, #tpu.memory_space<hbm>> -> memref<100000x1024xf32, #tpu.memory_space<hbm>>
    tpu.enqueue_indirect_dma source(%dma_start3A_364 : memref<100000x1024xf32, #tpu.memory_space<hbm>>) target(%dma_start3A_359 : memref<8x1024xf32, #tpu.memory_space<vmem>>) offsets(%dma_start3A_361 : memref<8xi32, #tpu.memory_space<vmem>>) semaphore(%arg13 : memref<!tpu.dma_semaphore, #tpu.memory_space<semaphore_mem>>)
    %dma_wait3A_365 = arith.constant 56 : i32
    %dma_wait3A_366 = arith.constant 0 : i32
    %dma_wait3A_367 = tpu.memref_slice %arg6[%dma_wait3A_365, %dma_wait3A_366] : memref<96x1024xf32, #tpu.memory_space<vmem>> -> memref<8x1024xf32, #tpu.memory_space<vmem>>
    %dma_wait3A_368 = arith.constant 56 : i32
    %dma_wait3A_369 = tpu.memref_slice %arg5[%dma_wait3A_368] : memref<160xi32, #tpu.memory_space<vmem>> -> memref<8xi32, #tpu.memory_space<vmem>>
    %dma_wait3A_370 = arith.constant 0 : i32
    %dma_wait3A_371 = arith.constant 0 : i32
    %dma_wait3A_372 = tpu.memref_slice %arg2[%dma_wait3A_370, %dma_wait3A_371] : memref<100000x1024xf32, #tpu.memory_space<hbm>> -> memref<100000x1024xf32, #tpu.memory_space<hbm>>
    tpu.wait_indirect_dma semaphore(%arg14 : memref<!tpu.dma_semaphore, #tpu.memory_space<semaphore_mem>>) src(%dma_wait3A_372 : memref<100000x1024xf32, #tpu.memory_space<hbm>>) dst(%dma_wait3A_367 : memref<8x1024xf32, #tpu.memory_space<vmem>>)
    %add3A_373 = arith.constant 56 : i32
    %add3A_374 = arith.addi %mul3A_2, %add3A_373 : i32
    %dma_start3A_375 = arith.constant 56 : i32
    %dma_start3A_376 = arith.constant 0 : i32
    %dma_start3A_377 = tpu.memref_slice %arg6[%dma_start3A_375, %dma_start3A_376] : memref<96x1024xf32, #tpu.memory_space<vmem>> -> memref<8x1024xf32, #tpu.memory_space<vmem>>
    %dma_start3A_378 = arith.constant 0 : i32
    %dma_start3A_379 = tpu.memref_slice %arg4[%add3A_374, %dma_start3A_378] : memref<5120x1024xf32, #tpu.memory_space<hbm>> -> memref<8x1024xf32, #tpu.memory_space<hbm>>
    %dma_start3A_380 = arith.constant 0 : i32
    %dma_start3A_381 = tpu.memref_slice %arg4[%add3A_374, %dma_start3A_380] : memref<5120x1024xf32, #tpu.memory_space<hbm>> -> memref<8x1024xf32, #tpu.memory_space<hbm>>
    %dma_start3A_382 = arith.constant 56 : i32
    %dma_start3A_383 = arith.constant 0 : i32
    %dma_start3A_384 = tpu.memref_slice %arg6[%dma_start3A_382, %dma_start3A_383] : memref<96x1024xf32, #tpu.memory_space<vmem>> -> memref<8x1024xf32, #tpu.memory_space<vmem>>
    tpu.enqueue_dma source(%dma_start3A_384 : memref<8x1024xf32, #tpu.memory_space<vmem>>) target(%dma_start3A_381 : memref<8x1024xf32, #tpu.memory_space<hbm>>) target_semaphore(%arg26 : memref<!tpu.dma_semaphore, #tpu.memory_space<semaphore_mem>>)
    %dma_wait3A_385 = arith.constant 56 : i32
    %dma_wait3A_386 = arith.constant 0 : i32
    %dma_wait3A_387 = tpu.memref_slice %arg6[%dma_wait3A_385, %dma_wait3A_386] : memref<96x1024xf32, #tpu.memory_space<vmem>> -> memref<8x1024xf32, #tpu.memory_space<vmem>>
    %dma_wait3A_388 = arith.constant 0 : i32
    %dma_wait3A_389 = tpu.memref_slice %arg4[%add3A_374, %dma_wait3A_388] : memref<5120x1024xf32, #tpu.memory_space<hbm>> -> memref<8x1024xf32, #tpu.memory_space<hbm>>
    %dma_wait3A_390 = arith.constant 0 : i32
    %dma_wait3A_391 = tpu.memref_slice %arg4[%add3A_374, %dma_wait3A_390] : memref<5120x1024xf32, #tpu.memory_space<hbm>> -> memref<8x1024xf32, #tpu.memory_space<hbm>>
    %dma_wait3A_392 = arith.constant 56 : i32
    %dma_wait3A_393 = arith.constant 0 : i32
    %dma_wait3A_394 = tpu.memref_slice %arg6[%dma_wait3A_392, %dma_wait3A_393] : memref<96x1024xf32, #tpu.memory_space<vmem>> -> memref<8x1024xf32, #tpu.memory_space<vmem>>
    tpu.wait_dma2 semaphore(%arg26 : memref<!tpu.dma_semaphore, #tpu.memory_space<semaphore_mem>>) src(%dma_wait3A_394 : memref<8x1024xf32, #tpu.memory_space<vmem>>) dst(%dma_wait3A_391 : memref<8x1024xf32, #tpu.memory_space<hbm>>)
    %dma_start3A_395 = arith.constant 56 : i32
    %dma_start3A_396 = arith.constant 0 : i32
    %dma_start3A_397 = tpu.memref_slice %arg6[%dma_start3A_395, %dma_start3A_396] : memref<96x1024xf32, #tpu.memory_space<vmem>> -> memref<8x1024xf32, #tpu.memory_space<vmem>>
    %dma_start3A_398 = arith.constant 152 : i32
    %dma_start3A_399 = tpu.memref_slice %arg5[%dma_start3A_398] : memref<160xi32, #tpu.memory_space<vmem>> -> memref<8xi32, #tpu.memory_space<vmem>>
    %dma_start3A_400 = arith.constant 0 : i32
    %dma_start3A_401 = arith.constant 0 : i32
    %dma_start3A_402 = tpu.memref_slice %arg2[%dma_start3A_400, %dma_start3A_401] : memref<100000x1024xf32, #tpu.memory_space<hbm>> -> memref<100000x1024xf32, #tpu.memory_space<hbm>>
    tpu.enqueue_indirect_dma source(%dma_start3A_402 : memref<100000x1024xf32, #tpu.memory_space<hbm>>) target(%dma_start3A_397 : memref<8x1024xf32, #tpu.memory_space<vmem>>) offsets(%dma_start3A_399 : memref<8xi32, #tpu.memory_space<vmem>>) semaphore(%arg14 : memref<!tpu.dma_semaphore, #tpu.memory_space<semaphore_mem>>)
    %dma_wait3A_403 = arith.constant 64 : i32
    %dma_wait3A_404 = arith.constant 0 : i32
    %dma_wait3A_405 = tpu.memref_slice %arg6[%dma_wait3A_403, %dma_wait3A_404] : memref<96x1024xf32, #tpu.memory_space<vmem>> -> memref<8x1024xf32, #tpu.memory_space<vmem>>
    %dma_wait3A_406 = arith.constant 64 : i32
    %dma_wait3A_407 = tpu.memref_slice %arg5[%dma_wait3A_406] : memref<160xi32, #tpu.memory_space<vmem>> -> memref<8xi32, #tpu.memory_space<vmem>>
    %dma_wait3A_408 = arith.constant 0 : i32
    %dma_wait3A_409 = arith.constant 0 : i32
    %dma_wait3A_410 = tpu.memref_slice %arg2[%dma_wait3A_408, %dma_wait3A_409] : memref<100000x1024xf32, #tpu.memory_space<hbm>> -> memref<100000x1024xf32, #tpu.memory_space<hbm>>
    tpu.wait_indirect_dma semaphore(%arg15 : memref<!tpu.dma_semaphore, #tpu.memory_space<semaphore_mem>>) src(%dma_wait3A_410 : memref<100000x1024xf32, #tpu.memory_space<hbm>>) dst(%dma_wait3A_405 : memref<8x1024xf32, #tpu.memory_space<vmem>>)
    %add3A_411 = arith.constant 64 : i32
    %add3A_412 = arith.addi %mul3A_2, %add3A_411 : i32
    %dma_start3A_413 = arith.constant 64 : i32
    %dma_start3A_414 = arith.constant 0 : i32
    %dma_start3A_415 = tpu.memref_slice %arg6[%dma_start3A_413, %dma_start3A_414] : memref<96x1024xf32, #tpu.memory_space<vmem>> -> memref<8x1024xf32, #tpu.memory_space<vmem>>
    %dma_start3A_416 = arith.constant 0 : i32
    %dma_start3A_417 = tpu.memref_slice %arg4[%add3A_412, %dma_start3A_416] : memref<5120x1024xf32, #tpu.memory_space<hbm>> -> memref<8x1024xf32, #tpu.memory_space<hbm>>
    %dma_start3A_418 = arith.constant 0 : i32
    %dma_start3A_419 = tpu.memref_slice %arg4[%add3A_412, %dma_start3A_418] : memref<5120x1024xf32, #tpu.memory_space<hbm>> -> memref<8x1024xf32, #tpu.memory_space<hbm>>
    %dma_start3A_420 = arith.constant 64 : i32
    %dma_start3A_421 = arith.constant 0 : i32
    %dma_start3A_422 = tpu.memref_slice %arg6[%dma_start3A_420, %dma_start3A_421] : memref<96x1024xf32, #tpu.memory_space<vmem>> -> memref<8x1024xf32, #tpu.memory_space<vmem>>
    tpu.enqueue_dma source(%dma_start3A_422 : memref<8x1024xf32, #tpu.memory_space<vmem>>) target(%dma_start3A_419 : memref<8x1024xf32, #tpu.memory_space<hbm>>) target_semaphore(%arg27 : memref<!tpu.dma_semaphore, #tpu.memory_space<semaphore_mem>>)
    %dma_wait3A_423 = arith.constant 64 : i32
    %dma_wait3A_424 = arith.constant 0 : i32
    %dma_wait3A_425 = tpu.memref_slice %arg6[%dma_wait3A_423, %dma_wait3A_424] : memref<96x1024xf32, #tpu.memory_space<vmem>> -> memref<8x1024xf32, #tpu.memory_space<vmem>>
    %dma_wait3A_426 = arith.constant 0 : i32
    %dma_wait3A_427 = tpu.memref_slice %arg4[%add3A_412, %dma_wait3A_426] : memref<5120x1024xf32, #tpu.memory_space<hbm>> -> memref<8x1024xf32, #tpu.memory_space<hbm>>
    %dma_wait3A_428 = arith.constant 0 : i32
    %dma_wait3A_429 = tpu.memref_slice %arg4[%add3A_412, %dma_wait3A_428] : memref<5120x1024xf32, #tpu.memory_space<hbm>> -> memref<8x1024xf32, #tpu.memory_space<hbm>>
    %dma_wait3A_430 = arith.constant 64 : i32
    %dma_wait3A_431 = arith.constant 0 : i32
    %dma_wait3A_432 = tpu.memref_slice %arg6[%dma_wait3A_430, %dma_wait3A_431] : memref<96x1024xf32, #tpu.memory_space<vmem>> -> memref<8x1024xf32, #tpu.memory_space<vmem>>
    tpu.wait_dma2 semaphore(%arg27 : memref<!tpu.dma_semaphore, #tpu.memory_space<semaphore_mem>>) src(%dma_wait3A_432 : memref<8x1024xf32, #tpu.memory_space<vmem>>) dst(%dma_wait3A_429 : memref<8x1024xf32, #tpu.memory_space<hbm>>)
    %dma_wait3A_433 = arith.constant 72 : i32
    %dma_wait3A_434 = arith.constant 0 : i32
    %dma_wait3A_435 = tpu.memref_slice %arg6[%dma_wait3A_433, %dma_wait3A_434] : memref<96x1024xf32, #tpu.memory_space<vmem>> -> memref<8x1024xf32, #tpu.memory_space<vmem>>
    %dma_wait3A_436 = arith.constant 72 : i32
    %dma_wait3A_437 = tpu.memref_slice %arg5[%dma_wait3A_436] : memref<160xi32, #tpu.memory_space<vmem>> -> memref<8xi32, #tpu.memory_space<vmem>>
    %dma_wait3A_438 = arith.constant 0 : i32
    %dma_wait3A_439 = arith.constant 0 : i32
    %dma_wait3A_440 = tpu.memref_slice %arg2[%dma_wait3A_438, %dma_wait3A_439] : memref<100000x1024xf32, #tpu.memory_space<hbm>> -> memref<100000x1024xf32, #tpu.memory_space<hbm>>
    tpu.wait_indirect_dma semaphore(%arg16 : memref<!tpu.dma_semaphore, #tpu.memory_space<semaphore_mem>>) src(%dma_wait3A_440 : memref<100000x1024xf32, #tpu.memory_space<hbm>>) dst(%dma_wait3A_435 : memref<8x1024xf32, #tpu.memory_space<vmem>>)
    %add3A_441 = arith.constant 72 : i32
    %add3A_442 = arith.addi %mul3A_2, %add3A_441 : i32
    %dma_start3A_443 = arith.constant 72 : i32
    %dma_start3A_444 = arith.constant 0 : i32
    %dma_start3A_445 = tpu.memref_slice %arg6[%dma_start3A_443, %dma_start3A_444] : memref<96x1024xf32, #tpu.memory_space<vmem>> -> memref<8x1024xf32, #tpu.memory_space<vmem>>
    %dma_start3A_446 = arith.constant 0 : i32
    %dma_start3A_447 = tpu.memref_slice %arg4[%add3A_442, %dma_start3A_446] : memref<5120x1024xf32, #tpu.memory_space<hbm>> -> memref<8x1024xf32, #tpu.memory_space<hbm>>
    %dma_start3A_448 = arith.constant 0 : i32
    %dma_start3A_449 = tpu.memref_slice %arg4[%add3A_442, %dma_start3A_448] : memref<5120x1024xf32, #tpu.memory_space<hbm>> -> memref<8x1024xf32, #tpu.memory_space<hbm>>
    %dma_start3A_450 = arith.constant 72 : i32
    %dma_start3A_451 = arith.constant 0 : i32
    %dma_start3A_452 = tpu.memref_slice %arg6[%dma_start3A_450, %dma_start3A_451] : memref<96x1024xf32, #tpu.memory_space<vmem>> -> memref<8x1024xf32, #tpu.memory_space<vmem>>
    tpu.enqueue_dma source(%dma_start3A_452 : memref<8x1024xf32, #tpu.memory_space<vmem>>) target(%dma_start3A_449 : memref<8x1024xf32, #tpu.memory_space<hbm>>) target_semaphore(%arg28 : memref<!tpu.dma_semaphore, #tpu.memory_space<semaphore_mem>>)
    %dma_wait3A_453 = arith.constant 72 : i32
    %dma_wait3A_454 = arith.constant 0 : i32
    %dma_wait3A_455 = tpu.memref_slice %arg6[%dma_wait3A_453, %dma_wait3A_454] : memref<96x1024xf32, #tpu.memory_space<vmem>> -> memref<8x1024xf32, #tpu.memory_space<vmem>>
    %dma_wait3A_456 = arith.constant 0 : i32
    %dma_wait3A_457 = tpu.memref_slice %arg4[%add3A_442, %dma_wait3A_456] : memref<5120x1024xf32, #tpu.memory_space<hbm>> -> memref<8x1024xf32, #tpu.memory_space<hbm>>
    %dma_wait3A_458 = arith.constant 0 : i32
    %dma_wait3A_459 = tpu.memref_slice %arg4[%add3A_442, %dma_wait3A_458] : memref<5120x1024xf32, #tpu.memory_space<hbm>> -> memref<8x1024xf32, #tpu.memory_space<hbm>>
    %dma_wait3A_460 = arith.constant 72 : i32
    %dma_wait3A_461 = arith.constant 0 : i32
    %dma_wait3A_462 = tpu.memref_slice %arg6[%dma_wait3A_460, %dma_wait3A_461] : memref<96x1024xf32, #tpu.memory_space<vmem>> -> memref<8x1024xf32, #tpu.memory_space<vmem>>
    tpu.wait_dma2 semaphore(%arg28 : memref<!tpu.dma_semaphore, #tpu.memory_space<semaphore_mem>>) src(%dma_wait3A_462 : memref<8x1024xf32, #tpu.memory_space<vmem>>) dst(%dma_wait3A_459 : memref<8x1024xf32, #tpu.memory_space<hbm>>)
    %dma_wait3A_463 = arith.constant 80 : i32
    %dma_wait3A_464 = arith.constant 0 : i32
    %dma_wait3A_465 = tpu.memref_slice %arg6[%dma_wait3A_463, %dma_wait3A_464] : memref<96x1024xf32, #tpu.memory_space<vmem>> -> memref<8x1024xf32, #tpu.memory_space<vmem>>
    %dma_wait3A_466 = arith.constant 80 : i32
    %dma_wait3A_467 = tpu.memref_slice %arg5[%dma_wait3A_466] : memref<160xi32, #tpu.memory_space<vmem>> -> memref<8xi32, #tpu.memory_space<vmem>>
    %dma_wait3A_468 = arith.constant 0 : i32
    %dma_wait3A_469 = arith.constant 0 : i32
    %dma_wait3A_470 = tpu.memref_slice %arg2[%dma_wait3A_468, %dma_wait3A_469] : memref<100000x1024xf32, #tpu.memory_space<hbm>> -> memref<100000x1024xf32, #tpu.memory_space<hbm>>
    tpu.wait_indirect_dma semaphore(%arg17 : memref<!tpu.dma_semaphore, #tpu.memory_space<semaphore_mem>>) src(%dma_wait3A_470 : memref<100000x1024xf32, #tpu.memory_space<hbm>>) dst(%dma_wait3A_465 : memref<8x1024xf32, #tpu.memory_space<vmem>>)
    %add3A_471 = arith.constant 80 : i32
    %add3A_472 = arith.addi %mul3A_2, %add3A_471 : i32
    %dma_start3A_473 = arith.constant 80 : i32
    %dma_start3A_474 = arith.constant 0 : i32
    %dma_start3A_475 = tpu.memref_slice %arg6[%dma_start3A_473, %dma_start3A_474] : memref<96x1024xf32, #tpu.memory_space<vmem>> -> memref<8x1024xf32, #tpu.memory_space<vmem>>
    %dma_start3A_476 = arith.constant 0 : i32
    %dma_start3A_477 = tpu.memref_slice %arg4[%add3A_472, %dma_start3A_476] : memref<5120x1024xf32, #tpu.memory_space<hbm>> -> memref<8x1024xf32, #tpu.memory_space<hbm>>
    %dma_start3A_478 = arith.constant 0 : i32
    %dma_start3A_479 = tpu.memref_slice %arg4[%add3A_472, %dma_start3A_478] : memref<5120x1024xf32, #tpu.memory_space<hbm>> -> memref<8x1024xf32, #tpu.memory_space<hbm>>
    %dma_start3A_480 = arith.constant 80 : i32
    %dma_start3A_481 = arith.constant 0 : i32
    %dma_start3A_482 = tpu.memref_slice %arg6[%dma_start3A_480, %dma_start3A_481] : memref<96x1024xf32, #tpu.memory_space<vmem>> -> memref<8x1024xf32, #tpu.memory_space<vmem>>
    tpu.enqueue_dma source(%dma_start3A_482 : memref<8x1024xf32, #tpu.memory_space<vmem>>) target(%dma_start3A_479 : memref<8x1024xf32, #tpu.memory_space<hbm>>) target_semaphore(%arg29 : memref<!tpu.dma_semaphore, #tpu.memory_space<semaphore_mem>>)
    %dma_wait3A_483 = arith.constant 80 : i32
    %dma_wait3A_484 = arith.constant 0 : i32
    %dma_wait3A_485 = tpu.memref_slice %arg6[%dma_wait3A_483, %dma_wait3A_484] : memref<96x1024xf32, #tpu.memory_space<vmem>> -> memref<8x1024xf32, #tpu.memory_space<vmem>>
    %dma_wait3A_486 = arith.constant 0 : i32
    %dma_wait3A_487 = tpu.memref_slice %arg4[%add3A_472, %dma_wait3A_486] : memref<5120x1024xf32, #tpu.memory_space<hbm>> -> memref<8x1024xf32, #tpu.memory_space<hbm>>
    %dma_wait3A_488 = arith.constant 0 : i32
    %dma_wait3A_489 = tpu.memref_slice %arg4[%add3A_472, %dma_wait3A_488] : memref<5120x1024xf32, #tpu.memory_space<hbm>> -> memref<8x1024xf32, #tpu.memory_space<hbm>>
    %dma_wait3A_490 = arith.constant 80 : i32
    %dma_wait3A_491 = arith.constant 0 : i32
    %dma_wait3A_492 = tpu.memref_slice %arg6[%dma_wait3A_490, %dma_wait3A_491] : memref<96x1024xf32, #tpu.memory_space<vmem>> -> memref<8x1024xf32, #tpu.memory_space<vmem>>
    tpu.wait_dma2 semaphore(%arg29 : memref<!tpu.dma_semaphore, #tpu.memory_space<semaphore_mem>>) src(%dma_wait3A_492 : memref<8x1024xf32, #tpu.memory_space<vmem>>) dst(%dma_wait3A_489 : memref<8x1024xf32, #tpu.memory_space<hbm>>)
    %dma_wait3A_493 = arith.constant 88 : i32
    %dma_wait3A_494 = arith.constant 0 : i32
    %dma_wait3A_495 = tpu.memref_slice %arg6[%dma_wait3A_493, %dma_wait3A_494] : memref<96x1024xf32, #tpu.memory_space<vmem>> -> memref<8x1024xf32, #tpu.memory_space<vmem>>
    %dma_wait3A_496 = arith.constant 88 : i32
    %dma_wait3A_497 = tpu.memref_slice %arg5[%dma_wait3A_496] : memref<160xi32, #tpu.memory_space<vmem>> -> memref<8xi32, #tpu.memory_space<vmem>>
    %dma_wait3A_498 = arith.constant 0 : i32
    %dma_wait3A_499 = arith.constant 0 : i32
    %dma_wait3A_500 = tpu.memref_slice %arg2[%dma_wait3A_498, %dma_wait3A_499] : memref<100000x1024xf32, #tpu.memory_space<hbm>> -> memref<100000x1024xf32, #tpu.memory_space<hbm>>
    tpu.wait_indirect_dma semaphore(%arg18 : memref<!tpu.dma_semaphore, #tpu.memory_space<semaphore_mem>>) src(%dma_wait3A_500 : memref<100000x1024xf32, #tpu.memory_space<hbm>>) dst(%dma_wait3A_495 : memref<8x1024xf32, #tpu.memory_space<vmem>>)
    %add3A_501 = arith.constant 88 : i32
    %add3A_502 = arith.addi %mul3A_2, %add3A_501 : i32
    %dma_start3A_503 = arith.constant 88 : i32
    %dma_start3A_504 = arith.constant 0 : i32
    %dma_start3A_505 = tpu.memref_slice %arg6[%dma_start3A_503, %dma_start3A_504] : memref<96x1024xf32, #tpu.memory_space<vmem>> -> memref<8x1024xf32, #tpu.memory_space<vmem>>
    %dma_start3A_506 = arith.constant 0 : i32
    %dma_start3A_507 = tpu.memref_slice %arg4[%add3A_502, %dma_start3A_506] : memref<5120x1024xf32, #tpu.memory_space<hbm>> -> memref<8x1024xf32, #tpu.memory_space<hbm>>
    %dma_start3A_508 = arith.constant 0 : i32
    %dma_start3A_509 = tpu.memref_slice %arg4[%add3A_502, %dma_start3A_508] : memref<5120x1024xf32, #tpu.memory_space<hbm>> -> memref<8x1024xf32, #tpu.memory_space<hbm>>
    %dma_start3A_510 = arith.constant 88 : i32
    %dma_start3A_511 = arith.constant 0 : i32
    %dma_start3A_512 = tpu.memref_slice %arg6[%dma_start3A_510, %dma_start3A_511] : memref<96x1024xf32, #tpu.memory_space<vmem>> -> memref<8x1024xf32, #tpu.memory_space<vmem>>
    tpu.enqueue_dma source(%dma_start3A_512 : memref<8x1024xf32, #tpu.memory_space<vmem>>) target(%dma_start3A_509 : memref<8x1024xf32, #tpu.memory_space<hbm>>) target_semaphore(%arg30 : memref<!tpu.dma_semaphore, #tpu.memory_space<semaphore_mem>>)
    %dma_wait3A_513 = arith.constant 88 : i32
    %dma_wait3A_514 = arith.constant 0 : i32
    %dma_wait3A_515 = tpu.memref_slice %arg6[%dma_wait3A_513, %dma_wait3A_514] : memref<96x1024xf32, #tpu.memory_space<vmem>> -> memref<8x1024xf32, #tpu.memory_space<vmem>>
    %dma_wait3A_516 = arith.constant 0 : i32
    %dma_wait3A_517 = tpu.memref_slice %arg4[%add3A_502, %dma_wait3A_516] : memref<5120x1024xf32, #tpu.memory_space<hbm>> -> memref<8x1024xf32, #tpu.memory_space<hbm>>
    %dma_wait3A_518 = arith.constant 0 : i32
    %dma_wait3A_519 = tpu.memref_slice %arg4[%add3A_502, %dma_wait3A_518] : memref<5120x1024xf32, #tpu.memory_space<hbm>> -> memref<8x1024xf32, #tpu.memory_space<hbm>>
    %dma_wait3A_520 = arith.constant 88 : i32
    %dma_wait3A_521 = arith.constant 0 : i32
    %dma_wait3A_522 = tpu.memref_slice %arg6[%dma_wait3A_520, %dma_wait3A_521] : memref<96x1024xf32, #tpu.memory_space<vmem>> -> memref<8x1024xf32, #tpu.memory_space<vmem>>
    tpu.wait_dma2 semaphore(%arg30 : memref<!tpu.dma_semaphore, #tpu.memory_space<semaphore_mem>>) src(%dma_wait3A_522 : memref<8x1024xf32, #tpu.memory_space<vmem>>) dst(%dma_wait3A_519 : memref<8x1024xf32, #tpu.memory_space<hbm>>)
    %dma_wait3A_523 = arith.constant 0 : i32
    %dma_wait3A_524 = arith.constant 0 : i32
    %dma_wait3A_525 = tpu.memref_slice %arg6[%dma_wait3A_523, %dma_wait3A_524] : memref<96x1024xf32, #tpu.memory_space<vmem>> -> memref<8x1024xf32, #tpu.memory_space<vmem>>
    %dma_wait3A_526 = arith.constant 96 : i32
    %dma_wait3A_527 = tpu.memref_slice %arg5[%dma_wait3A_526] : memref<160xi32, #tpu.memory_space<vmem>> -> memref<8xi32, #tpu.memory_space<vmem>>
    %dma_wait3A_528 = arith.constant 0 : i32
    %dma_wait3A_529 = arith.constant 0 : i32
    %dma_wait3A_530 = tpu.memref_slice %arg2[%dma_wait3A_528, %dma_wait3A_529] : memref<100000x1024xf32, #tpu.memory_space<hbm>> -> memref<100000x1024xf32, #tpu.memory_space<hbm>>
    tpu.wait_indirect_dma semaphore(%arg7 : memref<!tpu.dma_semaphore, #tpu.memory_space<semaphore_mem>>) src(%dma_wait3A_530 : memref<100000x1024xf32, #tpu.memory_space<hbm>>) dst(%dma_wait3A_525 : memref<8x1024xf32, #tpu.memory_space<vmem>>)
    %add3A_531 = arith.constant 96 : i32
    %add3A_532 = arith.addi %mul3A_2, %add3A_531 : i32
    %dma_start3A_533 = arith.constant 0 : i32
    %dma_start3A_534 = arith.constant 0 : i32
    %dma_start3A_535 = tpu.memref_slice %arg6[%dma_start3A_533, %dma_start3A_534] : memref<96x1024xf32, #tpu.memory_space<vmem>> -> memref<8x1024xf32, #tpu.memory_space<vmem>>
    %dma_start3A_536 = arith.constant 0 : i32
    %dma_start3A_537 = tpu.memref_slice %arg4[%add3A_532, %dma_start3A_536] : memref<5120x1024xf32, #tpu.memory_space<hbm>> -> memref<8x1024xf32, #tpu.memory_space<hbm>>
    %dma_start3A_538 = arith.constant 0 : i32
    %dma_start3A_539 = tpu.memref_slice %arg4[%add3A_532, %dma_start3A_538] : memref<5120x1024xf32, #tpu.memory_space<hbm>> -> memref<8x1024xf32, #tpu.memory_space<hbm>>
    %dma_start3A_540 = arith.constant 0 : i32
    %dma_start3A_541 = arith.constant 0 : i32
    %dma_start3A_542 = tpu.memref_slice %arg6[%dma_start3A_540, %dma_start3A_541] : memref<96x1024xf32, #tpu.memory_space<vmem>> -> memref<8x1024xf32, #tpu.memory_space<vmem>>
    tpu.enqueue_dma source(%dma_start3A_542 : memref<8x1024xf32, #tpu.memory_space<vmem>>) target(%dma_start3A_539 : memref<8x1024xf32, #tpu.memory_space<hbm>>) target_semaphore(%arg19 : memref<!tpu.dma_semaphore, #tpu.memory_space<semaphore_mem>>)
    %dma_wait3A_543 = arith.constant 0 : i32
    %dma_wait3A_544 = arith.constant 0 : i32
    %dma_wait3A_545 = tpu.memref_slice %arg6[%dma_wait3A_543, %dma_wait3A_544] : memref<96x1024xf32, #tpu.memory_space<vmem>> -> memref<8x1024xf32, #tpu.memory_space<vmem>>
    %dma_wait3A_546 = arith.constant 0 : i32
    %dma_wait3A_547 = tpu.memref_slice %arg4[%add3A_532, %dma_wait3A_546] : memref<5120x1024xf32, #tpu.memory_space<hbm>> -> memref<8x1024xf32, #tpu.memory_space<hbm>>
    %dma_wait3A_548 = arith.constant 0 : i32
    %dma_wait3A_549 = tpu.memref_slice %arg4[%add3A_532, %dma_wait3A_548] : memref<5120x1024xf32, #tpu.memory_space<hbm>> -> memref<8x1024xf32, #tpu.memory_space<hbm>>
    %dma_wait3A_550 = arith.constant 0 : i32
    %dma_wait3A_551 = arith.constant 0 : i32
    %dma_wait3A_552 = tpu.memref_slice %arg6[%dma_wait3A_550, %dma_wait3A_551] : memref<96x1024xf32, #tpu.memory_space<vmem>> -> memref<8x1024xf32, #tpu.memory_space<vmem>>
    tpu.wait_dma2 semaphore(%arg19 : memref<!tpu.dma_semaphore, #tpu.memory_space<semaphore_mem>>) src(%dma_wait3A_552 : memref<8x1024xf32, #tpu.memory_space<vmem>>) dst(%dma_wait3A_549 : memref<8x1024xf32, #tpu.memory_space<hbm>>)
    %dma_wait3A_553 = arith.constant 8 : i32
    %dma_wait3A_554 = arith.constant 0 : i32
    %dma_wait3A_555 = tpu.memref_slice %arg6[%dma_wait3A_553, %dma_wait3A_554] : memref<96x1024xf32, #tpu.memory_space<vmem>> -> memref<8x1024xf32, #tpu.memory_space<vmem>>
    %dma_wait3A_556 = arith.constant 104 : i32
    %dma_wait3A_557 = tpu.memref_slice %arg5[%dma_wait3A_556] : memref<160xi32, #tpu.memory_space<vmem>> -> memref<8xi32, #tpu.memory_space<vmem>>
    %dma_wait3A_558 = arith.constant 0 : i32
    %dma_wait3A_559 = arith.constant 0 : i32
    %dma_wait3A_560 = tpu.memref_slice %arg2[%dma_wait3A_558, %dma_wait3A_559] : memref<100000x1024xf32, #tpu.memory_space<hbm>> -> memref<100000x1024xf32, #tpu.memory_space<hbm>>
    tpu.wait_indirect_dma semaphore(%arg8 : memref<!tpu.dma_semaphore, #tpu.memory_space<semaphore_mem>>) src(%dma_wait3A_560 : memref<100000x1024xf32, #tpu.memory_space<hbm>>) dst(%dma_wait3A_555 : memref<8x1024xf32, #tpu.memory_space<vmem>>)
    %add3A_561 = arith.constant 104 : i32
    %add3A_562 = arith.addi %mul3A_2, %add3A_561 : i32
    %dma_start3A_563 = arith.constant 8 : i32
    %dma_start3A_564 = arith.constant 0 : i32
    %dma_start3A_565 = tpu.memref_slice %arg6[%dma_start3A_563, %dma_start3A_564] : memref<96x1024xf32, #tpu.memory_space<vmem>> -> memref<8x1024xf32, #tpu.memory_space<vmem>>
    %dma_start3A_566 = arith.constant 0 : i32
    %dma_start3A_567 = tpu.memref_slice %arg4[%add3A_562, %dma_start3A_566] : memref<5120x1024xf32, #tpu.memory_space<hbm>> -> memref<8x1024xf32, #tpu.memory_space<hbm>>
    %dma_start3A_568 = arith.constant 0 : i32
    %dma_start3A_569 = tpu.memref_slice %arg4[%add3A_562, %dma_start3A_568] : memref<5120x1024xf32, #tpu.memory_space<hbm>> -> memref<8x1024xf32, #tpu.memory_space<hbm>>
    %dma_start3A_570 = arith.constant 8 : i32
    %dma_start3A_571 = arith.constant 0 : i32
    %dma_start3A_572 = tpu.memref_slice %arg6[%dma_start3A_570, %dma_start3A_571] : memref<96x1024xf32, #tpu.memory_space<vmem>> -> memref<8x1024xf32, #tpu.memory_space<vmem>>
    tpu.enqueue_dma source(%dma_start3A_572 : memref<8x1024xf32, #tpu.memory_space<vmem>>) target(%dma_start3A_569 : memref<8x1024xf32, #tpu.memory_space<hbm>>) target_semaphore(%arg20 : memref<!tpu.dma_semaphore, #tpu.memory_space<semaphore_mem>>)
    %dma_wait3A_573 = arith.constant 8 : i32
    %dma_wait3A_574 = arith.constant 0 : i32
    %dma_wait3A_575 = tpu.memref_slice %arg6[%dma_wait3A_573, %dma_wait3A_574] : memref<96x1024xf32, #tpu.memory_space<vmem>> -> memref<8x1024xf32, #tpu.memory_space<vmem>>
    %dma_wait3A_576 = arith.constant 0 : i32
    %dma_wait3A_577 = tpu.memref_slice %arg4[%add3A_562, %dma_wait3A_576] : memref<5120x1024xf32, #tpu.memory_space<hbm>> -> memref<8x1024xf32, #tpu.memory_space<hbm>>
    %dma_wait3A_578 = arith.constant 0 : i32
    %dma_wait3A_579 = tpu.memref_slice %arg4[%add3A_562, %dma_wait3A_578] : memref<5120x1024xf32, #tpu.memory_space<hbm>> -> memref<8x1024xf32, #tpu.memory_space<hbm>>
    %dma_wait3A_580 = arith.constant 8 : i32
    %dma_wait3A_581 = arith.constant 0 : i32
    %dma_wait3A_582 = tpu.memref_slice %arg6[%dma_wait3A_580, %dma_wait3A_581] : memref<96x1024xf32, #tpu.memory_space<vmem>> -> memref<8x1024xf32, #tpu.memory_space<vmem>>
    tpu.wait_dma2 semaphore(%arg20 : memref<!tpu.dma_semaphore, #tpu.memory_space<semaphore_mem>>) src(%dma_wait3A_582 : memref<8x1024xf32, #tpu.memory_space<vmem>>) dst(%dma_wait3A_579 : memref<8x1024xf32, #tpu.memory_space<hbm>>)
    %dma_wait3A_583 = arith.constant 16 : i32
    %dma_wait3A_584 = arith.constant 0 : i32
    %dma_wait3A_585 = tpu.memref_slice %arg6[%dma_wait3A_583, %dma_wait3A_584] : memref<96x1024xf32, #tpu.memory_space<vmem>> -> memref<8x1024xf32, #tpu.memory_space<vmem>>
    %dma_wait3A_586 = arith.constant 112 : i32
    %dma_wait3A_587 = tpu.memref_slice %arg5[%dma_wait3A_586] : memref<160xi32, #tpu.memory_space<vmem>> -> memref<8xi32, #tpu.memory_space<vmem>>
    %dma_wait3A_588 = arith.constant 0 : i32
    %dma_wait3A_589 = arith.constant 0 : i32
    %dma_wait3A_590 = tpu.memref_slice %arg2[%dma_wait3A_588, %dma_wait3A_589] : memref<100000x1024xf32, #tpu.memory_space<hbm>> -> memref<100000x1024xf32, #tpu.memory_space<hbm>>
    tpu.wait_indirect_dma semaphore(%arg9 : memref<!tpu.dma_semaphore, #tpu.memory_space<semaphore_mem>>) src(%dma_wait3A_590 : memref<100000x1024xf32, #tpu.memory_space<hbm>>) dst(%dma_wait3A_585 : memref<8x1024xf32, #tpu.memory_space<vmem>>)
    %add3A_591 = arith.constant 112 : i32
    %add3A_592 = arith.addi %mul3A_2, %add3A_591 : i32
    %dma_start3A_593 = arith.constant 16 : i32
    %dma_start3A_594 = arith.constant 0 : i32
    %dma_start3A_595 = tpu.memref_slice %arg6[%dma_start3A_593, %dma_start3A_594] : memref<96x1024xf32, #tpu.memory_space<vmem>> -> memref<8x1024xf32, #tpu.memory_space<vmem>>
    %dma_start3A_596 = arith.constant 0 : i32
    %dma_start3A_597 = tpu.memref_slice %arg4[%add3A_592, %dma_start3A_596] : memref<5120x1024xf32, #tpu.memory_space<hbm>> -> memref<8x1024xf32, #tpu.memory_space<hbm>>
    %dma_start3A_598 = arith.constant 0 : i32
    %dma_start3A_599 = tpu.memref_slice %arg4[%add3A_592, %dma_start3A_598] : memref<5120x1024xf32, #tpu.memory_space<hbm>> -> memref<8x1024xf32, #tpu.memory_space<hbm>>
    %dma_start3A_600 = arith.constant 16 : i32
    %dma_start3A_601 = arith.constant 0 : i32
    %dma_start3A_602 = tpu.memref_slice %arg6[%dma_start3A_600, %dma_start3A_601] : memref<96x1024xf32, #tpu.memory_space<vmem>> -> memref<8x1024xf32, #tpu.memory_space<vmem>>
    tpu.enqueue_dma source(%dma_start3A_602 : memref<8x1024xf32, #tpu.memory_space<vmem>>) target(%dma_start3A_599 : memref<8x1024xf32, #tpu.memory_space<hbm>>) target_semaphore(%arg21 : memref<!tpu.dma_semaphore, #tpu.memory_space<semaphore_mem>>)
    %dma_wait3A_603 = arith.constant 16 : i32
    %dma_wait3A_604 = arith.constant 0 : i32
    %dma_wait3A_605 = tpu.memref_slice %arg6[%dma_wait3A_603, %dma_wait3A_604] : memref<96x1024xf32, #tpu.memory_space<vmem>> -> memref<8x1024xf32, #tpu.memory_space<vmem>>
    %dma_wait3A_606 = arith.constant 0 : i32
    %dma_wait3A_607 = tpu.memref_slice %arg4[%add3A_592, %dma_wait3A_606] : memref<5120x1024xf32, #tpu.memory_space<hbm>> -> memref<8x1024xf32, #tpu.memory_space<hbm>>
    %dma_wait3A_608 = arith.constant 0 : i32
    %dma_wait3A_609 = tpu.memref_slice %arg4[%add3A_592, %dma_wait3A_608] : memref<5120x1024xf32, #tpu.memory_space<hbm>> -> memref<8x1024xf32, #tpu.memory_space<hbm>>
    %dma_wait3A_610 = arith.constant 16 : i32
    %dma_wait3A_611 = arith.constant 0 : i32
    %dma_wait3A_612 = tpu.memref_slice %arg6[%dma_wait3A_610, %dma_wait3A_611] : memref<96x1024xf32, #tpu.memory_space<vmem>> -> memref<8x1024xf32, #tpu.memory_space<vmem>>
    tpu.wait_dma2 semaphore(%arg21 : memref<!tpu.dma_semaphore, #tpu.memory_space<semaphore_mem>>) src(%dma_wait3A_612 : memref<8x1024xf32, #tpu.memory_space<vmem>>) dst(%dma_wait3A_609 : memref<8x1024xf32, #tpu.memory_space<hbm>>)
    %dma_wait3A_613 = arith.constant 24 : i32
    %dma_wait3A_614 = arith.constant 0 : i32
    %dma_wait3A_615 = tpu.memref_slice %arg6[%dma_wait3A_613, %dma_wait3A_614] : memref<96x1024xf32, #tpu.memory_space<vmem>> -> memref<8x1024xf32, #tpu.memory_space<vmem>>
    %dma_wait3A_616 = arith.constant 120 : i32
    %dma_wait3A_617 = tpu.memref_slice %arg5[%dma_wait3A_616] : memref<160xi32, #tpu.memory_space<vmem>> -> memref<8xi32, #tpu.memory_space<vmem>>
    %dma_wait3A_618 = arith.constant 0 : i32
    %dma_wait3A_619 = arith.constant 0 : i32
    %dma_wait3A_620 = tpu.memref_slice %arg2[%dma_wait3A_618, %dma_wait3A_619] : memref<100000x1024xf32, #tpu.memory_space<hbm>> -> memref<100000x1024xf32, #tpu.memory_space<hbm>>
    tpu.wait_indirect_dma semaphore(%arg10 : memref<!tpu.dma_semaphore, #tpu.memory_space<semaphore_mem>>) src(%dma_wait3A_620 : memref<100000x1024xf32, #tpu.memory_space<hbm>>) dst(%dma_wait3A_615 : memref<8x1024xf32, #tpu.memory_space<vmem>>)
    %add3A_621 = arith.constant 120 : i32
    %add3A_622 = arith.addi %mul3A_2, %add3A_621 : i32
    %dma_start3A_623 = arith.constant 24 : i32
    %dma_start3A_624 = arith.constant 0 : i32
    %dma_start3A_625 = tpu.memref_slice %arg6[%dma_start3A_623, %dma_start3A_624] : memref<96x1024xf32, #tpu.memory_space<vmem>> -> memref<8x1024xf32, #tpu.memory_space<vmem>>
    %dma_start3A_626 = arith.constant 0 : i32
    %dma_start3A_627 = tpu.memref_slice %arg4[%add3A_622, %dma_start3A_626] : memref<5120x1024xf32, #tpu.memory_space<hbm>> -> memref<8x1024xf32, #tpu.memory_space<hbm>>
    %dma_start3A_628 = arith.constant 0 : i32
    %dma_start3A_629 = tpu.memref_slice %arg4[%add3A_622, %dma_start3A_628] : memref<5120x1024xf32, #tpu.memory_space<hbm>> -> memref<8x1024xf32, #tpu.memory_space<hbm>>
    %dma_start3A_630 = arith.constant 24 : i32
    %dma_start3A_631 = arith.constant 0 : i32
    %dma_start3A_632 = tpu.memref_slice %arg6[%dma_start3A_630, %dma_start3A_631] : memref<96x1024xf32, #tpu.memory_space<vmem>> -> memref<8x1024xf32, #tpu.memory_space<vmem>>
    tpu.enqueue_dma source(%dma_start3A_632 : memref<8x1024xf32, #tpu.memory_space<vmem>>) target(%dma_start3A_629 : memref<8x1024xf32, #tpu.memory_space<hbm>>) target_semaphore(%arg22 : memref<!tpu.dma_semaphore, #tpu.memory_space<semaphore_mem>>)
    %dma_wait3A_633 = arith.constant 24 : i32
    %dma_wait3A_634 = arith.constant 0 : i32
    %dma_wait3A_635 = tpu.memref_slice %arg6[%dma_wait3A_633, %dma_wait3A_634] : memref<96x1024xf32, #tpu.memory_space<vmem>> -> memref<8x1024xf32, #tpu.memory_space<vmem>>
    %dma_wait3A_636 = arith.constant 0 : i32
    %dma_wait3A_637 = tpu.memref_slice %arg4[%add3A_622, %dma_wait3A_636] : memref<5120x1024xf32, #tpu.memory_space<hbm>> -> memref<8x1024xf32, #tpu.memory_space<hbm>>
    %dma_wait3A_638 = arith.constant 0 : i32
    %dma_wait3A_639 = tpu.memref_slice %arg4[%add3A_622, %dma_wait3A_638] : memref<5120x1024xf32, #tpu.memory_space<hbm>> -> memref<8x1024xf32, #tpu.memory_space<hbm>>
    %dma_wait3A_640 = arith.constant 24 : i32
    %dma_wait3A_641 = arith.constant 0 : i32
    %dma_wait3A_642 = tpu.memref_slice %arg6[%dma_wait3A_640, %dma_wait3A_641] : memref<96x1024xf32, #tpu.memory_space<vmem>> -> memref<8x1024xf32, #tpu.memory_space<vmem>>
    tpu.wait_dma2 semaphore(%arg22 : memref<!tpu.dma_semaphore, #tpu.memory_space<semaphore_mem>>) src(%dma_wait3A_642 : memref<8x1024xf32, #tpu.memory_space<vmem>>) dst(%dma_wait3A_639 : memref<8x1024xf32, #tpu.memory_space<hbm>>)
    %dma_wait3A_643 = arith.constant 32 : i32
    %dma_wait3A_644 = arith.constant 0 : i32
    %dma_wait3A_645 = tpu.memref_slice %arg6[%dma_wait3A_643, %dma_wait3A_644] : memref<96x1024xf32, #tpu.memory_space<vmem>> -> memref<8x1024xf32, #tpu.memory_space<vmem>>
    %dma_wait3A_646 = arith.constant 128 : i32
    %dma_wait3A_647 = tpu.memref_slice %arg5[%dma_wait3A_646] : memref<160xi32, #tpu.memory_space<vmem>> -> memref<8xi32, #tpu.memory_space<vmem>>
    %dma_wait3A_648 = arith.constant 0 : i32
    %dma_wait3A_649 = arith.constant 0 : i32
    %dma_wait3A_650 = tpu.memref_slice %arg2[%dma_wait3A_648, %dma_wait3A_649] : memref<100000x1024xf32, #tpu.memory_space<hbm>> -> memref<100000x1024xf32, #tpu.memory_space<hbm>>
    tpu.wait_indirect_dma semaphore(%arg11 : memref<!tpu.dma_semaphore, #tpu.memory_space<semaphore_mem>>) src(%dma_wait3A_650 : memref<100000x1024xf32, #tpu.memory_space<hbm>>) dst(%dma_wait3A_645 : memref<8x1024xf32, #tpu.memory_space<vmem>>)
    %add3A_651 = arith.constant 128 : i32
    %add3A_652 = arith.addi %mul3A_2, %add3A_651 : i32
    %dma_start3A_653 = arith.constant 32 : i32
    %dma_start3A_654 = arith.constant 0 : i32
    %dma_start3A_655 = tpu.memref_slice %arg6[%dma_start3A_653, %dma_start3A_654] : memref<96x1024xf32, #tpu.memory_space<vmem>> -> memref<8x1024xf32, #tpu.memory_space<vmem>>
    %dma_start3A_656 = arith.constant 0 : i32
    %dma_start3A_657 = tpu.memref_slice %arg4[%add3A_652, %dma_start3A_656] : memref<5120x1024xf32, #tpu.memory_space<hbm>> -> memref<8x1024xf32, #tpu.memory_space<hbm>>
    %dma_start3A_658 = arith.constant 0 : i32
    %dma_start3A_659 = tpu.memref_slice %arg4[%add3A_652, %dma_start3A_658] : memref<5120x1024xf32, #tpu.memory_space<hbm>> -> memref<8x1024xf32, #tpu.memory_space<hbm>>
    %dma_start3A_660 = arith.constant 32 : i32
    %dma_start3A_661 = arith.constant 0 : i32
    %dma_start3A_662 = tpu.memref_slice %arg6[%dma_start3A_660, %dma_start3A_661] : memref<96x1024xf32, #tpu.memory_space<vmem>> -> memref<8x1024xf32, #tpu.memory_space<vmem>>
    tpu.enqueue_dma source(%dma_start3A_662 : memref<8x1024xf32, #tpu.memory_space<vmem>>) target(%dma_start3A_659 : memref<8x1024xf32, #tpu.memory_space<hbm>>) target_semaphore(%arg23 : memref<!tpu.dma_semaphore, #tpu.memory_space<semaphore_mem>>)
    %dma_wait3A_663 = arith.constant 32 : i32
    %dma_wait3A_664 = arith.constant 0 : i32
    %dma_wait3A_665 = tpu.memref_slice %arg6[%dma_wait3A_663, %dma_wait3A_664] : memref<96x1024xf32, #tpu.memory_space<vmem>> -> memref<8x1024xf32, #tpu.memory_space<vmem>>
    %dma_wait3A_666 = arith.constant 0 : i32
    %dma_wait3A_667 = tpu.memref_slice %arg4[%add3A_652, %dma_wait3A_666] : memref<5120x1024xf32, #tpu.memory_space<hbm>> -> memref<8x1024xf32, #tpu.memory_space<hbm>>
    %dma_wait3A_668 = arith.constant 0 : i32
    %dma_wait3A_669 = tpu.memref_slice %arg4[%add3A_652, %dma_wait3A_668] : memref<5120x1024xf32, #tpu.memory_space<hbm>> -> memref<8x1024xf32, #tpu.memory_space<hbm>>
    %dma_wait3A_670 = arith.constant 32 : i32
    %dma_wait3A_671 = arith.constant 0 : i32
    %dma_wait3A_672 = tpu.memref_slice %arg6[%dma_wait3A_670, %dma_wait3A_671] : memref<96x1024xf32, #tpu.memory_space<vmem>> -> memref<8x1024xf32, #tpu.memory_space<vmem>>
    tpu.wait_dma2 semaphore(%arg23 : memref<!tpu.dma_semaphore, #tpu.memory_space<semaphore_mem>>) src(%dma_wait3A_672 : memref<8x1024xf32, #tpu.memory_space<vmem>>) dst(%dma_wait3A_669 : memref<8x1024xf32, #tpu.memory_space<hbm>>)
    %dma_wait3A_673 = arith.constant 40 : i32
    %dma_wait3A_674 = arith.constant 0 : i32
    %dma_wait3A_675 = tpu.memref_slice %arg6[%dma_wait3A_673, %dma_wait3A_674] : memref<96x1024xf32, #tpu.memory_space<vmem>> -> memref<8x1024xf32, #tpu.memory_space<vmem>>
    %dma_wait3A_676 = arith.constant 136 : i32
    %dma_wait3A_677 = tpu.memref_slice %arg5[%dma_wait3A_676] : memref<160xi32, #tpu.memory_space<vmem>> -> memref<8xi32, #tpu.memory_space<vmem>>
    %dma_wait3A_678 = arith.constant 0 : i32
    %dma_wait3A_679 = arith.constant 0 : i32
    %dma_wait3A_680 = tpu.memref_slice %arg2[%dma_wait3A_678, %dma_wait3A_679] : memref<100000x1024xf32, #tpu.memory_space<hbm>> -> memref<100000x1024xf32, #tpu.memory_space<hbm>>
    tpu.wait_indirect_dma semaphore(%arg12 : memref<!tpu.dma_semaphore, #tpu.memory_space<semaphore_mem>>) src(%dma_wait3A_680 : memref<100000x1024xf32, #tpu.memory_space<hbm>>) dst(%dma_wait3A_675 : memref<8x1024xf32, #tpu.memory_space<vmem>>)
    %add3A_681 = arith.constant 136 : i32
    %add3A_682 = arith.addi %mul3A_2, %add3A_681 : i32
    %dma_start3A_683 = arith.constant 40 : i32
    %dma_start3A_684 = arith.constant 0 : i32
    %dma_start3A_685 = tpu.memref_slice %arg6[%dma_start3A_683, %dma_start3A_684] : memref<96x1024xf32, #tpu.memory_space<vmem>> -> memref<8x1024xf32, #tpu.memory_space<vmem>>
    %dma_start3A_686 = arith.constant 0 : i32
    %dma_start3A_687 = tpu.memref_slice %arg4[%add3A_682, %dma_start3A_686] : memref<5120x1024xf32, #tpu.memory_space<hbm>> -> memref<8x1024xf32, #tpu.memory_space<hbm>>
    %dma_start3A_688 = arith.constant 0 : i32
    %dma_start3A_689 = tpu.memref_slice %arg4[%add3A_682, %dma_start3A_688] : memref<5120x1024xf32, #tpu.memory_space<hbm>> -> memref<8x1024xf32, #tpu.memory_space<hbm>>
    %dma_start3A_690 = arith.constant 40 : i32
    %dma_start3A_691 = arith.constant 0 : i32
    %dma_start3A_692 = tpu.memref_slice %arg6[%dma_start3A_690, %dma_start3A_691] : memref<96x1024xf32, #tpu.memory_space<vmem>> -> memref<8x1024xf32, #tpu.memory_space<vmem>>
    tpu.enqueue_dma source(%dma_start3A_692 : memref<8x1024xf32, #tpu.memory_space<vmem>>) target(%dma_start3A_689 : memref<8x1024xf32, #tpu.memory_space<hbm>>) target_semaphore(%arg24 : memref<!tpu.dma_semaphore, #tpu.memory_space<semaphore_mem>>)
    %dma_wait3A_693 = arith.constant 40 : i32
    %dma_wait3A_694 = arith.constant 0 : i32
    %dma_wait3A_695 = tpu.memref_slice %arg6[%dma_wait3A_693, %dma_wait3A_694] : memref<96x1024xf32, #tpu.memory_space<vmem>> -> memref<8x1024xf32, #tpu.memory_space<vmem>>
    %dma_wait3A_696 = arith.constant 0 : i32
    %dma_wait3A_697 = tpu.memref_slice %arg4[%add3A_682, %dma_wait3A_696] : memref<5120x1024xf32, #tpu.memory_space<hbm>> -> memref<8x1024xf32, #tpu.memory_space<hbm>>
    %dma_wait3A_698 = arith.constant 0 : i32
    %dma_wait3A_699 = tpu.memref_slice %arg4[%add3A_682, %dma_wait3A_698] : memref<5120x1024xf32, #tpu.memory_space<hbm>> -> memref<8x1024xf32, #tpu.memory_space<hbm>>
    %dma_wait3A_700 = arith.constant 40 : i32
    %dma_wait3A_701 = arith.constant 0 : i32
    %dma_wait3A_702 = tpu.memref_slice %arg6[%dma_wait3A_700, %dma_wait3A_701] : memref<96x1024xf32, #tpu.memory_space<vmem>> -> memref<8x1024xf32, #tpu.memory_space<vmem>>
    tpu.wait_dma2 semaphore(%arg24 : memref<!tpu.dma_semaphore, #tpu.memory_space<semaphore_mem>>) src(%dma_wait3A_702 : memref<8x1024xf32, #tpu.memory_space<vmem>>) dst(%dma_wait3A_699 : memref<8x1024xf32, #tpu.memory_space<hbm>>)
    %dma_wait3A_703 = arith.constant 48 : i32
    %dma_wait3A_704 = arith.constant 0 : i32
    %dma_wait3A_705 = tpu.memref_slice %arg6[%dma_wait3A_703, %dma_wait3A_704] : memref<96x1024xf32, #tpu.memory_space<vmem>> -> memref<8x1024xf32, #tpu.memory_space<vmem>>
    %dma_wait3A_706 = arith.constant 144 : i32
    %dma_wait3A_707 = tpu.memref_slice %arg5[%dma_wait3A_706] : memref<160xi32, #tpu.memory_space<vmem>> -> memref<8xi32, #tpu.memory_space<vmem>>
    %dma_wait3A_708 = arith.constant 0 : i32
    %dma_wait3A_709 = arith.constant 0 : i32
    %dma_wait3A_710 = tpu.memref_slice %arg2[%dma_wait3A_708, %dma_wait3A_709] : memref<100000x1024xf32, #tpu.memory_space<hbm>> -> memref<100000x1024xf32, #tpu.memory_space<hbm>>
    tpu.wait_indirect_dma semaphore(%arg13 : memref<!tpu.dma_semaphore, #tpu.memory_space<semaphore_mem>>) src(%dma_wait3A_710 : memref<100000x1024xf32, #tpu.memory_space<hbm>>) dst(%dma_wait3A_705 : memref<8x1024xf32, #tpu.memory_space<vmem>>)
    %add3A_711 = arith.constant 144 : i32
    %add3A_712 = arith.addi %mul3A_2, %add3A_711 : i32
    %dma_start3A_713 = arith.constant 48 : i32
    %dma_start3A_714 = arith.constant 0 : i32
    %dma_start3A_715 = tpu.memref_slice %arg6[%dma_start3A_713, %dma_start3A_714] : memref<96x1024xf32, #tpu.memory_space<vmem>> -> memref<8x1024xf32, #tpu.memory_space<vmem>>
    %dma_start3A_716 = arith.constant 0 : i32
    %dma_start3A_717 = tpu.memref_slice %arg4[%add3A_712, %dma_start3A_716] : memref<5120x1024xf32, #tpu.memory_space<hbm>> -> memref<8x1024xf32, #tpu.memory_space<hbm>>
    %dma_start3A_718 = arith.constant 0 : i32
    %dma_start3A_719 = tpu.memref_slice %arg4[%add3A_712, %dma_start3A_718] : memref<5120x1024xf32, #tpu.memory_space<hbm>> -> memref<8x1024xf32, #tpu.memory_space<hbm>>
    %dma_start3A_720 = arith.constant 48 : i32
    %dma_start3A_721 = arith.constant 0 : i32
    %dma_start3A_722 = tpu.memref_slice %arg6[%dma_start3A_720, %dma_start3A_721] : memref<96x1024xf32, #tpu.memory_space<vmem>> -> memref<8x1024xf32, #tpu.memory_space<vmem>>
    tpu.enqueue_dma source(%dma_start3A_722 : memref<8x1024xf32, #tpu.memory_space<vmem>>) target(%dma_start3A_719 : memref<8x1024xf32, #tpu.memory_space<hbm>>) target_semaphore(%arg25 : memref<!tpu.dma_semaphore, #tpu.memory_space<semaphore_mem>>)
    %dma_wait3A_723 = arith.constant 48 : i32
    %dma_wait3A_724 = arith.constant 0 : i32
    %dma_wait3A_725 = tpu.memref_slice %arg6[%dma_wait3A_723, %dma_wait3A_724] : memref<96x1024xf32, #tpu.memory_space<vmem>> -> memref<8x1024xf32, #tpu.memory_space<vmem>>
    %dma_wait3A_726 = arith.constant 0 : i32
    %dma_wait3A_727 = tpu.memref_slice %arg4[%add3A_712, %dma_wait3A_726] : memref<5120x1024xf32, #tpu.memory_space<hbm>> -> memref<8x1024xf32, #tpu.memory_space<hbm>>
    %dma_wait3A_728 = arith.constant 0 : i32
    %dma_wait3A_729 = tpu.memref_slice %arg4[%add3A_712, %dma_wait3A_728] : memref<5120x1024xf32, #tpu.memory_space<hbm>> -> memref<8x1024xf32, #tpu.memory_space<hbm>>
    %dma_wait3A_730 = arith.constant 48 : i32
    %dma_wait3A_731 = arith.constant 0 : i32
    %dma_wait3A_732 = tpu.memref_slice %arg6[%dma_wait3A_730, %dma_wait3A_731] : memref<96x1024xf32, #tpu.memory_space<vmem>> -> memref<8x1024xf32, #tpu.memory_space<vmem>>
    tpu.wait_dma2 semaphore(%arg25 : memref<!tpu.dma_semaphore, #tpu.memory_space<semaphore_mem>>) src(%dma_wait3A_732 : memref<8x1024xf32, #tpu.memory_space<vmem>>) dst(%dma_wait3A_729 : memref<8x1024xf32, #tpu.memory_space<hbm>>)
    %dma_wait3A_733 = arith.constant 56 : i32
    %dma_wait3A_734 = arith.constant 0 : i32
    %dma_wait3A_735 = tpu.memref_slice %arg6[%dma_wait3A_733, %dma_wait3A_734] : memref<96x1024xf32, #tpu.memory_space<vmem>> -> memref<8x1024xf32, #tpu.memory_space<vmem>>
    %dma_wait3A_736 = arith.constant 152 : i32
    %dma_wait3A_737 = tpu.memref_slice %arg5[%dma_wait3A_736] : memref<160xi32, #tpu.memory_space<vmem>> -> memref<8xi32, #tpu.memory_space<vmem>>
    %dma_wait3A_738 = arith.constant 0 : i32
    %dma_wait3A_739 = arith.constant 0 : i32
    %dma_wait3A_740 = tpu.memref_slice %arg2[%dma_wait3A_738, %dma_wait3A_739] : memref<100000x1024xf32, #tpu.memory_space<hbm>> -> memref<100000x1024xf32, #tpu.memory_space<hbm>>
    tpu.wait_indirect_dma semaphore(%arg14 : memref<!tpu.dma_semaphore, #tpu.memory_space<semaphore_mem>>) src(%dma_wait3A_740 : memref<100000x1024xf32, #tpu.memory_space<hbm>>) dst(%dma_wait3A_735 : memref<8x1024xf32, #tpu.memory_space<vmem>>)
    %add3A_741 = arith.constant 152 : i32
    %add3A_742 = arith.addi %mul3A_2, %add3A_741 : i32
    %dma_start3A_743 = arith.constant 56 : i32
    %dma_start3A_744 = arith.constant 0 : i32
    %dma_start3A_745 = tpu.memref_slice %arg6[%dma_start3A_743, %dma_start3A_744] : memref<96x1024xf32, #tpu.memory_space<vmem>> -> memref<8x1024xf32, #tpu.memory_space<vmem>>
    %dma_start3A_746 = arith.constant 0 : i32
    %dma_start3A_747 = tpu.memref_slice %arg4[%add3A_742, %dma_start3A_746] : memref<5120x1024xf32, #tpu.memory_space<hbm>> -> memref<8x1024xf32, #tpu.memory_space<hbm>>
    %dma_start3A_748 = arith.constant 0 : i32
    %dma_start3A_749 = tpu.memref_slice %arg4[%add3A_742, %dma_start3A_748] : memref<5120x1024xf32, #tpu.memory_space<hbm>> -> memref<8x1024xf32, #tpu.memory_space<hbm>>
    %dma_start3A_750 = arith.constant 56 : i32
    %dma_start3A_751 = arith.constant 0 : i32
    %dma_start3A_752 = tpu.memref_slice %arg6[%dma_start3A_750, %dma_start3A_751] : memref<96x1024xf32, #tpu.memory_space<vmem>> -> memref<8x1024xf32, #tpu.memory_space<vmem>>
    tpu.enqueue_dma source(%dma_start3A_752 : memref<8x1024xf32, #tpu.memory_space<vmem>>) target(%dma_start3A_749 : memref<8x1024xf32, #tpu.memory_space<hbm>>) target_semaphore(%arg26 : memref<!tpu.dma_semaphore, #tpu.memory_space<semaphore_mem>>)
    %dma_wait3A_753 = arith.constant 56 : i32
    %dma_wait3A_754 = arith.constant 0 : i32
    %dma_wait3A_755 = tpu.memref_slice %arg6[%dma_wait3A_753, %dma_wait3A_754] : memref<96x1024xf32, #tpu.memory_space<vmem>> -> memref<8x1024xf32, #tpu.memory_space<vmem>>
    %dma_wait3A_756 = arith.constant 0 : i32
    %dma_wait3A_757 = tpu.memref_slice %arg4[%add3A_742, %dma_wait3A_756] : memref<5120x1024xf32, #tpu.memory_space<hbm>> -> memref<8x1024xf32, #tpu.memory_space<hbm>>
    %dma_wait3A_758 = arith.constant 0 : i32
    %dma_wait3A_759 = tpu.memref_slice %arg4[%add3A_742, %dma_wait3A_758] : memref<5120x1024xf32, #tpu.memory_space<hbm>> -> memref<8x1024xf32, #tpu.memory_space<hbm>>
    %dma_wait3A_760 = arith.constant 56 : i32
    %dma_wait3A_761 = arith.constant 0 : i32
    %dma_wait3A_762 = tpu.memref_slice %arg6[%dma_wait3A_760, %dma_wait3A_761] : memref<96x1024xf32, #tpu.memory_space<vmem>> -> memref<8x1024xf32, #tpu.memory_space<vmem>>
    tpu.wait_dma2 semaphore(%arg26 : memref<!tpu.dma_semaphore, #tpu.memory_space<semaphore_mem>>) src(%dma_wait3A_762 : memref<8x1024xf32, #tpu.memory_space<vmem>>) dst(%dma_wait3A_759 : memref<8x1024xf32, #tpu.memory_space<hbm>>)
    return
  }
}

#map = affine_map<(d0, d1) -> (0, 0)>
#map1 = affine_map<(d0, d1) -> (0)>
module attributes {stable_mosaic.version = 14 : i64} {
  func.func @gather_kernel(%arg0: i32, %arg1: i32, %arg2: memref<100000x1024xf32, #tpu.memory_space<hbm>>, %arg3: memref<8192xi32, #tpu.memory_space<hbm>>, %arg4: memref<3072x1024xf32, #tpu.memory_space<hbm>>, %arg5: memref<96xi32, #tpu.memory_space<vmem>>, %arg6: memref<96x1024xf32, #tpu.memory_space<vmem>>, %arg7: memref<!tpu.dma_semaphore, #tpu.memory_space<semaphore_mem>>, %arg8: memref<!tpu.dma_semaphore, #tpu.memory_space<semaphore_mem>>, %arg9: memref<!tpu.dma_semaphore, #tpu.memory_space<semaphore_mem>>, %arg10: memref<!tpu.dma_semaphore, #tpu.memory_space<semaphore_mem>>, %arg11: memref<!tpu.dma_semaphore, #tpu.memory_space<semaphore_mem>>, %arg12: memref<!tpu.dma_semaphore, #tpu.memory_space<semaphore_mem>>, %arg13: memref<!tpu.dma_semaphore, #tpu.memory_space<semaphore_mem>>, %arg14: memref<!tpu.dma_semaphore, #tpu.memory_space<semaphore_mem>>, %arg15: memref<!tpu.dma_semaphore, #tpu.memory_space<semaphore_mem>>, %arg16: memref<!tpu.dma_semaphore, #tpu.memory_space<semaphore_mem>>, %arg17: memref<!tpu.dma_semaphore, #tpu.memory_space<semaphore_mem>>, %arg18: memref<!tpu.dma_semaphore, #tpu.memory_space<semaphore_mem>>, %arg19: memref<!tpu.dma_semaphore, #tpu.memory_space<semaphore_mem>>, %arg20: memref<!tpu.dma_semaphore, #tpu.memory_space<semaphore_mem>>, %arg21: memref<!tpu.dma_semaphore, #tpu.memory_space<semaphore_mem>>, %arg22: memref<!tpu.dma_semaphore, #tpu.memory_space<semaphore_mem>>, %arg23: memref<!tpu.dma_semaphore, #tpu.memory_space<semaphore_mem>>, %arg24: memref<!tpu.dma_semaphore, #tpu.memory_space<semaphore_mem>>, %arg25: memref<!tpu.dma_semaphore, #tpu.memory_space<semaphore_mem>>, %arg26: memref<!tpu.dma_semaphore, #tpu.memory_space<semaphore_mem>>, %arg27: memref<!tpu.dma_semaphore, #tpu.memory_space<semaphore_mem>>, %arg28: memref<!tpu.dma_semaphore, #tpu.memory_space<semaphore_mem>>, %arg29: memref<!tpu.dma_semaphore, #tpu.memory_space<semaphore_mem>>, %arg30: memref<!tpu.dma_semaphore, #tpu.memory_space<semaphore_mem>>) attributes {dimension_semantics = [#tpu.dimension_semantics<core_parallel>, #tpu.dimension_semantics<subcore_parallel>], iteration_bounds = array<i64: 2, 16>, scalar_prefetch = 0 : i64, scratch_operands = 26 : i64, tpu.core_type = #tpu.core_type<sc_vector_subcore>, window_params = [{transform_indices = #map}, {transform_indices = #map1}, {transform_indices = #map}]} {
    %mul3A = arith.constant 2 : i32
    %mul3A_0 = arith.muli %arg1, %mul3A : i32
    %add3A = arith.addi %mul3A_0, %arg0 : i32
    %mul3A_1 = arith.constant 96 : i32
    %mul3A_2 = arith.muli %add3A, %mul3A_1 : i32
    %add3A_3 = arith.constant 0 : i32
    %add3A_4 = arith.addi %add3A_3, %mul3A_2 : i32
    "tpu.region"() ({
      %run_scoped3A = tpu.sem_alloc : memref<!tpu.dma_semaphore, #tpu.memory_space<semaphore_mem>>
      %dma_start3A_459 = tpu.memref_slice %arg3[%add3A_4] : memref<8192xi32, #tpu.memory_space<hbm>> -> memref<96xi32, #tpu.memory_space<hbm>>
      %dma_start3A_460 = tpu.memref_slice %arg3[%add3A_4] : memref<8192xi32, #tpu.memory_space<hbm>> -> memref<96xi32, #tpu.memory_space<hbm>>
      tpu.enqueue_dma source(%dma_start3A_460 : memref<96xi32, #tpu.memory_space<hbm>>) target(%arg5 : memref<96xi32, #tpu.memory_space<vmem>>) target_semaphore(%run_scoped3A : memref<!tpu.dma_semaphore, #tpu.memory_space<semaphore_mem>>)
      %dma_wait3A_461 = tpu.memref_slice %arg3[%add3A_4] : memref<8192xi32, #tpu.memory_space<hbm>> -> memref<96xi32, #tpu.memory_space<hbm>>
      %dma_wait3A_462 = tpu.memref_slice %arg3[%add3A_4] : memref<8192xi32, #tpu.memory_space<hbm>> -> memref<96xi32, #tpu.memory_space<hbm>>
      tpu.wait_dma2 semaphore(%run_scoped3A : memref<!tpu.dma_semaphore, #tpu.memory_space<semaphore_mem>>) src(%dma_wait3A_462 : memref<96xi32, #tpu.memory_space<hbm>>) dst(%arg5 : memref<96xi32, #tpu.memory_space<vmem>>)
      tpu.yield
    }) : () -> ()
    %dma_start3A = arith.constant 0 : i32
    %dma_start3A_5 = arith.constant 0 : i32
    %dma_start3A_6 = tpu.memref_slice %arg6[%dma_start3A, %dma_start3A_5] : memref<96x1024xf32, #tpu.memory_space<vmem>> -> memref<8x1024xf32, #tpu.memory_space<vmem>>
    %dma_start3A_7 = arith.constant 0 : i32
    %dma_start3A_8 = tpu.memref_slice %arg5[%dma_start3A_7] : memref<96xi32, #tpu.memory_space<vmem>> -> memref<8xi32, #tpu.memory_space<vmem>>
    %dma_start3A_9 = arith.constant 0 : i32
    %dma_start3A_10 = arith.constant 0 : i32
    %dma_start3A_11 = tpu.memref_slice %arg2[%dma_start3A_9, %dma_start3A_10] : memref<100000x1024xf32, #tpu.memory_space<hbm>> -> memref<100000x1024xf32, #tpu.memory_space<hbm>>
    tpu.enqueue_indirect_dma source(%dma_start3A_11 : memref<100000x1024xf32, #tpu.memory_space<hbm>>) target(%dma_start3A_6 : memref<8x1024xf32, #tpu.memory_space<vmem>>) offsets(%dma_start3A_8 : memref<8xi32, #tpu.memory_space<vmem>>) semaphore(%arg7 : memref<!tpu.dma_semaphore, #tpu.memory_space<semaphore_mem>>)
    %dma_start3A_12 = arith.constant 8 : i32
    %dma_start3A_13 = arith.constant 0 : i32
    %dma_start3A_14 = tpu.memref_slice %arg6[%dma_start3A_12, %dma_start3A_13] : memref<96x1024xf32, #tpu.memory_space<vmem>> -> memref<8x1024xf32, #tpu.memory_space<vmem>>
    %dma_start3A_15 = arith.constant 8 : i32
    %dma_start3A_16 = tpu.memref_slice %arg5[%dma_start3A_15] : memref<96xi32, #tpu.memory_space<vmem>> -> memref<8xi32, #tpu.memory_space<vmem>>
    %dma_start3A_17 = arith.constant 0 : i32
    %dma_start3A_18 = arith.constant 0 : i32
    %dma_start3A_19 = tpu.memref_slice %arg2[%dma_start3A_17, %dma_start3A_18] : memref<100000x1024xf32, #tpu.memory_space<hbm>> -> memref<100000x1024xf32, #tpu.memory_space<hbm>>
    tpu.enqueue_indirect_dma source(%dma_start3A_19 : memref<100000x1024xf32, #tpu.memory_space<hbm>>) target(%dma_start3A_14 : memref<8x1024xf32, #tpu.memory_space<vmem>>) offsets(%dma_start3A_16 : memref<8xi32, #tpu.memory_space<vmem>>) semaphore(%arg8 : memref<!tpu.dma_semaphore, #tpu.memory_space<semaphore_mem>>)
    %dma_start3A_20 = arith.constant 16 : i32
    %dma_start3A_21 = arith.constant 0 : i32
    %dma_start3A_22 = tpu.memref_slice %arg6[%dma_start3A_20, %dma_start3A_21] : memref<96x1024xf32, #tpu.memory_space<vmem>> -> memref<8x1024xf32, #tpu.memory_space<vmem>>
    %dma_start3A_23 = arith.constant 16 : i32
    %dma_start3A_24 = tpu.memref_slice %arg5[%dma_start3A_23] : memref<96xi32, #tpu.memory_space<vmem>> -> memref<8xi32, #tpu.memory_space<vmem>>
    %dma_start3A_25 = arith.constant 0 : i32
    %dma_start3A_26 = arith.constant 0 : i32
    %dma_start3A_27 = tpu.memref_slice %arg2[%dma_start3A_25, %dma_start3A_26] : memref<100000x1024xf32, #tpu.memory_space<hbm>> -> memref<100000x1024xf32, #tpu.memory_space<hbm>>
    tpu.enqueue_indirect_dma source(%dma_start3A_27 : memref<100000x1024xf32, #tpu.memory_space<hbm>>) target(%dma_start3A_22 : memref<8x1024xf32, #tpu.memory_space<vmem>>) offsets(%dma_start3A_24 : memref<8xi32, #tpu.memory_space<vmem>>) semaphore(%arg9 : memref<!tpu.dma_semaphore, #tpu.memory_space<semaphore_mem>>)
    %dma_start3A_28 = arith.constant 24 : i32
    %dma_start3A_29 = arith.constant 0 : i32
    %dma_start3A_30 = tpu.memref_slice %arg6[%dma_start3A_28, %dma_start3A_29] : memref<96x1024xf32, #tpu.memory_space<vmem>> -> memref<8x1024xf32, #tpu.memory_space<vmem>>
    %dma_start3A_31 = arith.constant 24 : i32
    %dma_start3A_32 = tpu.memref_slice %arg5[%dma_start3A_31] : memref<96xi32, #tpu.memory_space<vmem>> -> memref<8xi32, #tpu.memory_space<vmem>>
    %dma_start3A_33 = arith.constant 0 : i32
    %dma_start3A_34 = arith.constant 0 : i32
    %dma_start3A_35 = tpu.memref_slice %arg2[%dma_start3A_33, %dma_start3A_34] : memref<100000x1024xf32, #tpu.memory_space<hbm>> -> memref<100000x1024xf32, #tpu.memory_space<hbm>>
    tpu.enqueue_indirect_dma source(%dma_start3A_35 : memref<100000x1024xf32, #tpu.memory_space<hbm>>) target(%dma_start3A_30 : memref<8x1024xf32, #tpu.memory_space<vmem>>) offsets(%dma_start3A_32 : memref<8xi32, #tpu.memory_space<vmem>>) semaphore(%arg10 : memref<!tpu.dma_semaphore, #tpu.memory_space<semaphore_mem>>)
    %dma_start3A_36 = arith.constant 32 : i32
    %dma_start3A_37 = arith.constant 0 : i32
    %dma_start3A_38 = tpu.memref_slice %arg6[%dma_start3A_36, %dma_start3A_37] : memref<96x1024xf32, #tpu.memory_space<vmem>> -> memref<8x1024xf32, #tpu.memory_space<vmem>>
    %dma_start3A_39 = arith.constant 32 : i32
    %dma_start3A_40 = tpu.memref_slice %arg5[%dma_start3A_39] : memref<96xi32, #tpu.memory_space<vmem>> -> memref<8xi32, #tpu.memory_space<vmem>>
    %dma_start3A_41 = arith.constant 0 : i32
    %dma_start3A_42 = arith.constant 0 : i32
    %dma_start3A_43 = tpu.memref_slice %arg2[%dma_start3A_41, %dma_start3A_42] : memref<100000x1024xf32, #tpu.memory_space<hbm>> -> memref<100000x1024xf32, #tpu.memory_space<hbm>>
    tpu.enqueue_indirect_dma source(%dma_start3A_43 : memref<100000x1024xf32, #tpu.memory_space<hbm>>) target(%dma_start3A_38 : memref<8x1024xf32, #tpu.memory_space<vmem>>) offsets(%dma_start3A_40 : memref<8xi32, #tpu.memory_space<vmem>>) semaphore(%arg11 : memref<!tpu.dma_semaphore, #tpu.memory_space<semaphore_mem>>)
    %dma_start3A_44 = arith.constant 40 : i32
    %dma_start3A_45 = arith.constant 0 : i32
    %dma_start3A_46 = tpu.memref_slice %arg6[%dma_start3A_44, %dma_start3A_45] : memref<96x1024xf32, #tpu.memory_space<vmem>> -> memref<8x1024xf32, #tpu.memory_space<vmem>>
    %dma_start3A_47 = arith.constant 40 : i32
    %dma_start3A_48 = tpu.memref_slice %arg5[%dma_start3A_47] : memref<96xi32, #tpu.memory_space<vmem>> -> memref<8xi32, #tpu.memory_space<vmem>>
    %dma_start3A_49 = arith.constant 0 : i32
    %dma_start3A_50 = arith.constant 0 : i32
    %dma_start3A_51 = tpu.memref_slice %arg2[%dma_start3A_49, %dma_start3A_50] : memref<100000x1024xf32, #tpu.memory_space<hbm>> -> memref<100000x1024xf32, #tpu.memory_space<hbm>>
    tpu.enqueue_indirect_dma source(%dma_start3A_51 : memref<100000x1024xf32, #tpu.memory_space<hbm>>) target(%dma_start3A_46 : memref<8x1024xf32, #tpu.memory_space<vmem>>) offsets(%dma_start3A_48 : memref<8xi32, #tpu.memory_space<vmem>>) semaphore(%arg12 : memref<!tpu.dma_semaphore, #tpu.memory_space<semaphore_mem>>)
    %dma_start3A_52 = arith.constant 48 : i32
    %dma_start3A_53 = arith.constant 0 : i32
    %dma_start3A_54 = tpu.memref_slice %arg6[%dma_start3A_52, %dma_start3A_53] : memref<96x1024xf32, #tpu.memory_space<vmem>> -> memref<8x1024xf32, #tpu.memory_space<vmem>>
    %dma_start3A_55 = arith.constant 48 : i32
    %dma_start3A_56 = tpu.memref_slice %arg5[%dma_start3A_55] : memref<96xi32, #tpu.memory_space<vmem>> -> memref<8xi32, #tpu.memory_space<vmem>>
    %dma_start3A_57 = arith.constant 0 : i32
    %dma_start3A_58 = arith.constant 0 : i32
    %dma_start3A_59 = tpu.memref_slice %arg2[%dma_start3A_57, %dma_start3A_58] : memref<100000x1024xf32, #tpu.memory_space<hbm>> -> memref<100000x1024xf32, #tpu.memory_space<hbm>>
    tpu.enqueue_indirect_dma source(%dma_start3A_59 : memref<100000x1024xf32, #tpu.memory_space<hbm>>) target(%dma_start3A_54 : memref<8x1024xf32, #tpu.memory_space<vmem>>) offsets(%dma_start3A_56 : memref<8xi32, #tpu.memory_space<vmem>>) semaphore(%arg13 : memref<!tpu.dma_semaphore, #tpu.memory_space<semaphore_mem>>)
    %dma_start3A_60 = arith.constant 56 : i32
    %dma_start3A_61 = arith.constant 0 : i32
    %dma_start3A_62 = tpu.memref_slice %arg6[%dma_start3A_60, %dma_start3A_61] : memref<96x1024xf32, #tpu.memory_space<vmem>> -> memref<8x1024xf32, #tpu.memory_space<vmem>>
    %dma_start3A_63 = arith.constant 56 : i32
    %dma_start3A_64 = tpu.memref_slice %arg5[%dma_start3A_63] : memref<96xi32, #tpu.memory_space<vmem>> -> memref<8xi32, #tpu.memory_space<vmem>>
    %dma_start3A_65 = arith.constant 0 : i32
    %dma_start3A_66 = arith.constant 0 : i32
    %dma_start3A_67 = tpu.memref_slice %arg2[%dma_start3A_65, %dma_start3A_66] : memref<100000x1024xf32, #tpu.memory_space<hbm>> -> memref<100000x1024xf32, #tpu.memory_space<hbm>>
    tpu.enqueue_indirect_dma source(%dma_start3A_67 : memref<100000x1024xf32, #tpu.memory_space<hbm>>) target(%dma_start3A_62 : memref<8x1024xf32, #tpu.memory_space<vmem>>) offsets(%dma_start3A_64 : memref<8xi32, #tpu.memory_space<vmem>>) semaphore(%arg14 : memref<!tpu.dma_semaphore, #tpu.memory_space<semaphore_mem>>)
    %dma_start3A_68 = arith.constant 64 : i32
    %dma_start3A_69 = arith.constant 0 : i32
    %dma_start3A_70 = tpu.memref_slice %arg6[%dma_start3A_68, %dma_start3A_69] : memref<96x1024xf32, #tpu.memory_space<vmem>> -> memref<8x1024xf32, #tpu.memory_space<vmem>>
    %dma_start3A_71 = arith.constant 64 : i32
    %dma_start3A_72 = tpu.memref_slice %arg5[%dma_start3A_71] : memref<96xi32, #tpu.memory_space<vmem>> -> memref<8xi32, #tpu.memory_space<vmem>>
    %dma_start3A_73 = arith.constant 0 : i32
    %dma_start3A_74 = arith.constant 0 : i32
    %dma_start3A_75 = tpu.memref_slice %arg2[%dma_start3A_73, %dma_start3A_74] : memref<100000x1024xf32, #tpu.memory_space<hbm>> -> memref<100000x1024xf32, #tpu.memory_space<hbm>>
    tpu.enqueue_indirect_dma source(%dma_start3A_75 : memref<100000x1024xf32, #tpu.memory_space<hbm>>) target(%dma_start3A_70 : memref<8x1024xf32, #tpu.memory_space<vmem>>) offsets(%dma_start3A_72 : memref<8xi32, #tpu.memory_space<vmem>>) semaphore(%arg15 : memref<!tpu.dma_semaphore, #tpu.memory_space<semaphore_mem>>)
    %dma_start3A_76 = arith.constant 72 : i32
    %dma_start3A_77 = arith.constant 0 : i32
    %dma_start3A_78 = tpu.memref_slice %arg6[%dma_start3A_76, %dma_start3A_77] : memref<96x1024xf32, #tpu.memory_space<vmem>> -> memref<8x1024xf32, #tpu.memory_space<vmem>>
    %dma_start3A_79 = arith.constant 72 : i32
    %dma_start3A_80 = tpu.memref_slice %arg5[%dma_start3A_79] : memref<96xi32, #tpu.memory_space<vmem>> -> memref<8xi32, #tpu.memory_space<vmem>>
    %dma_start3A_81 = arith.constant 0 : i32
    %dma_start3A_82 = arith.constant 0 : i32
    %dma_start3A_83 = tpu.memref_slice %arg2[%dma_start3A_81, %dma_start3A_82] : memref<100000x1024xf32, #tpu.memory_space<hbm>> -> memref<100000x1024xf32, #tpu.memory_space<hbm>>
    tpu.enqueue_indirect_dma source(%dma_start3A_83 : memref<100000x1024xf32, #tpu.memory_space<hbm>>) target(%dma_start3A_78 : memref<8x1024xf32, #tpu.memory_space<vmem>>) offsets(%dma_start3A_80 : memref<8xi32, #tpu.memory_space<vmem>>) semaphore(%arg16 : memref<!tpu.dma_semaphore, #tpu.memory_space<semaphore_mem>>)
    %dma_start3A_84 = arith.constant 80 : i32
    %dma_start3A_85 = arith.constant 0 : i32
    %dma_start3A_86 = tpu.memref_slice %arg6[%dma_start3A_84, %dma_start3A_85] : memref<96x1024xf32, #tpu.memory_space<vmem>> -> memref<8x1024xf32, #tpu.memory_space<vmem>>
    %dma_start3A_87 = arith.constant 80 : i32
    %dma_start3A_88 = tpu.memref_slice %arg5[%dma_start3A_87] : memref<96xi32, #tpu.memory_space<vmem>> -> memref<8xi32, #tpu.memory_space<vmem>>
    %dma_start3A_89 = arith.constant 0 : i32
    %dma_start3A_90 = arith.constant 0 : i32
    %dma_start3A_91 = tpu.memref_slice %arg2[%dma_start3A_89, %dma_start3A_90] : memref<100000x1024xf32, #tpu.memory_space<hbm>> -> memref<100000x1024xf32, #tpu.memory_space<hbm>>
    tpu.enqueue_indirect_dma source(%dma_start3A_91 : memref<100000x1024xf32, #tpu.memory_space<hbm>>) target(%dma_start3A_86 : memref<8x1024xf32, #tpu.memory_space<vmem>>) offsets(%dma_start3A_88 : memref<8xi32, #tpu.memory_space<vmem>>) semaphore(%arg17 : memref<!tpu.dma_semaphore, #tpu.memory_space<semaphore_mem>>)
    %dma_start3A_92 = arith.constant 88 : i32
    %dma_start3A_93 = arith.constant 0 : i32
    %dma_start3A_94 = tpu.memref_slice %arg6[%dma_start3A_92, %dma_start3A_93] : memref<96x1024xf32, #tpu.memory_space<vmem>> -> memref<8x1024xf32, #tpu.memory_space<vmem>>
    %dma_start3A_95 = arith.constant 88 : i32
    %dma_start3A_96 = tpu.memref_slice %arg5[%dma_start3A_95] : memref<96xi32, #tpu.memory_space<vmem>> -> memref<8xi32, #tpu.memory_space<vmem>>
    %dma_start3A_97 = arith.constant 0 : i32
    %dma_start3A_98 = arith.constant 0 : i32
    %dma_start3A_99 = tpu.memref_slice %arg2[%dma_start3A_97, %dma_start3A_98] : memref<100000x1024xf32, #tpu.memory_space<hbm>> -> memref<100000x1024xf32, #tpu.memory_space<hbm>>
    tpu.enqueue_indirect_dma source(%dma_start3A_99 : memref<100000x1024xf32, #tpu.memory_space<hbm>>) target(%dma_start3A_94 : memref<8x1024xf32, #tpu.memory_space<vmem>>) offsets(%dma_start3A_96 : memref<8xi32, #tpu.memory_space<vmem>>) semaphore(%arg18 : memref<!tpu.dma_semaphore, #tpu.memory_space<semaphore_mem>>)
    %dma_wait3A = arith.constant 0 : i32
    %dma_wait3A_100 = arith.constant 0 : i32
    %dma_wait3A_101 = tpu.memref_slice %arg6[%dma_wait3A, %dma_wait3A_100] : memref<96x1024xf32, #tpu.memory_space<vmem>> -> memref<8x1024xf32, #tpu.memory_space<vmem>>
    %dma_wait3A_102 = arith.constant 0 : i32
    %dma_wait3A_103 = tpu.memref_slice %arg5[%dma_wait3A_102] : memref<96xi32, #tpu.memory_space<vmem>> -> memref<8xi32, #tpu.memory_space<vmem>>
    %dma_wait3A_104 = arith.constant 0 : i32
    %dma_wait3A_105 = arith.constant 0 : i32
    %dma_wait3A_106 = tpu.memref_slice %arg2[%dma_wait3A_104, %dma_wait3A_105] : memref<100000x1024xf32, #tpu.memory_space<hbm>> -> memref<100000x1024xf32, #tpu.memory_space<hbm>>
    tpu.wait_indirect_dma semaphore(%arg7 : memref<!tpu.dma_semaphore, #tpu.memory_space<semaphore_mem>>) src(%dma_wait3A_106 : memref<100000x1024xf32, #tpu.memory_space<hbm>>) dst(%dma_wait3A_101 : memref<8x1024xf32, #tpu.memory_space<vmem>>)
    %add3A_107 = arith.constant 0 : i32
    %add3A_108 = arith.addi %mul3A_2, %add3A_107 : i32
    %dma_start3A_109 = arith.constant 0 : i32
    %dma_start3A_110 = arith.constant 0 : i32
    %dma_start3A_111 = tpu.memref_slice %arg6[%dma_start3A_109, %dma_start3A_110] : memref<96x1024xf32, #tpu.memory_space<vmem>> -> memref<8x1024xf32, #tpu.memory_space<vmem>>
    %dma_start3A_112 = arith.constant 0 : i32
    %dma_start3A_113 = tpu.memref_slice %arg4[%add3A_108, %dma_start3A_112] : memref<3072x1024xf32, #tpu.memory_space<hbm>> -> memref<8x1024xf32, #tpu.memory_space<hbm>>
    %dma_start3A_114 = arith.constant 0 : i32
    %dma_start3A_115 = tpu.memref_slice %arg4[%add3A_108, %dma_start3A_114] : memref<3072x1024xf32, #tpu.memory_space<hbm>> -> memref<8x1024xf32, #tpu.memory_space<hbm>>
    %dma_start3A_116 = arith.constant 0 : i32
    %dma_start3A_117 = arith.constant 0 : i32
    %dma_start3A_118 = tpu.memref_slice %arg6[%dma_start3A_116, %dma_start3A_117] : memref<96x1024xf32, #tpu.memory_space<vmem>> -> memref<8x1024xf32, #tpu.memory_space<vmem>>
    tpu.enqueue_dma source(%dma_start3A_118 : memref<8x1024xf32, #tpu.memory_space<vmem>>) target(%dma_start3A_115 : memref<8x1024xf32, #tpu.memory_space<hbm>>) target_semaphore(%arg19 : memref<!tpu.dma_semaphore, #tpu.memory_space<semaphore_mem>>)
    %dma_wait3A_119 = arith.constant 0 : i32
    %dma_wait3A_120 = arith.constant 0 : i32
    %dma_wait3A_121 = tpu.memref_slice %arg6[%dma_wait3A_119, %dma_wait3A_120] : memref<96x1024xf32, #tpu.memory_space<vmem>> -> memref<8x1024xf32, #tpu.memory_space<vmem>>
    %dma_wait3A_122 = arith.constant 0 : i32
    %dma_wait3A_123 = tpu.memref_slice %arg4[%add3A_108, %dma_wait3A_122] : memref<3072x1024xf32, #tpu.memory_space<hbm>> -> memref<8x1024xf32, #tpu.memory_space<hbm>>
    %dma_wait3A_124 = arith.constant 0 : i32
    %dma_wait3A_125 = tpu.memref_slice %arg4[%add3A_108, %dma_wait3A_124] : memref<3072x1024xf32, #tpu.memory_space<hbm>> -> memref<8x1024xf32, #tpu.memory_space<hbm>>
    %dma_wait3A_126 = arith.constant 0 : i32
    %dma_wait3A_127 = arith.constant 0 : i32
    %dma_wait3A_128 = tpu.memref_slice %arg6[%dma_wait3A_126, %dma_wait3A_127] : memref<96x1024xf32, #tpu.memory_space<vmem>> -> memref<8x1024xf32, #tpu.memory_space<vmem>>
    tpu.wait_dma2 semaphore(%arg19 : memref<!tpu.dma_semaphore, #tpu.memory_space<semaphore_mem>>) src(%dma_wait3A_128 : memref<8x1024xf32, #tpu.memory_space<vmem>>) dst(%dma_wait3A_125 : memref<8x1024xf32, #tpu.memory_space<hbm>>)
    %dma_wait3A_129 = arith.constant 8 : i32
    %dma_wait3A_130 = arith.constant 0 : i32
    %dma_wait3A_131 = tpu.memref_slice %arg6[%dma_wait3A_129, %dma_wait3A_130] : memref<96x1024xf32, #tpu.memory_space<vmem>> -> memref<8x1024xf32, #tpu.memory_space<vmem>>
    %dma_wait3A_132 = arith.constant 8 : i32
    %dma_wait3A_133 = tpu.memref_slice %arg5[%dma_wait3A_132] : memref<96xi32, #tpu.memory_space<vmem>> -> memref<8xi32, #tpu.memory_space<vmem>>
    %dma_wait3A_134 = arith.constant 0 : i32
    %dma_wait3A_135 = arith.constant 0 : i32
    %dma_wait3A_136 = tpu.memref_slice %arg2[%dma_wait3A_134, %dma_wait3A_135] : memref<100000x1024xf32, #tpu.memory_space<hbm>> -> memref<100000x1024xf32, #tpu.memory_space<hbm>>
    tpu.wait_indirect_dma semaphore(%arg8 : memref<!tpu.dma_semaphore, #tpu.memory_space<semaphore_mem>>) src(%dma_wait3A_136 : memref<100000x1024xf32, #tpu.memory_space<hbm>>) dst(%dma_wait3A_131 : memref<8x1024xf32, #tpu.memory_space<vmem>>)
    %add3A_137 = arith.constant 8 : i32
    %add3A_138 = arith.addi %mul3A_2, %add3A_137 : i32
    %dma_start3A_139 = arith.constant 8 : i32
    %dma_start3A_140 = arith.constant 0 : i32
    %dma_start3A_141 = tpu.memref_slice %arg6[%dma_start3A_139, %dma_start3A_140] : memref<96x1024xf32, #tpu.memory_space<vmem>> -> memref<8x1024xf32, #tpu.memory_space<vmem>>
    %dma_start3A_142 = arith.constant 0 : i32
    %dma_start3A_143 = tpu.memref_slice %arg4[%add3A_138, %dma_start3A_142] : memref<3072x1024xf32, #tpu.memory_space<hbm>> -> memref<8x1024xf32, #tpu.memory_space<hbm>>
    %dma_start3A_144 = arith.constant 0 : i32
    %dma_start3A_145 = tpu.memref_slice %arg4[%add3A_138, %dma_start3A_144] : memref<3072x1024xf32, #tpu.memory_space<hbm>> -> memref<8x1024xf32, #tpu.memory_space<hbm>>
    %dma_start3A_146 = arith.constant 8 : i32
    %dma_start3A_147 = arith.constant 0 : i32
    %dma_start3A_148 = tpu.memref_slice %arg6[%dma_start3A_146, %dma_start3A_147] : memref<96x1024xf32, #tpu.memory_space<vmem>> -> memref<8x1024xf32, #tpu.memory_space<vmem>>
    tpu.enqueue_dma source(%dma_start3A_148 : memref<8x1024xf32, #tpu.memory_space<vmem>>) target(%dma_start3A_145 : memref<8x1024xf32, #tpu.memory_space<hbm>>) target_semaphore(%arg20 : memref<!tpu.dma_semaphore, #tpu.memory_space<semaphore_mem>>)
    %dma_wait3A_149 = arith.constant 8 : i32
    %dma_wait3A_150 = arith.constant 0 : i32
    %dma_wait3A_151 = tpu.memref_slice %arg6[%dma_wait3A_149, %dma_wait3A_150] : memref<96x1024xf32, #tpu.memory_space<vmem>> -> memref<8x1024xf32, #tpu.memory_space<vmem>>
    %dma_wait3A_152 = arith.constant 0 : i32
    %dma_wait3A_153 = tpu.memref_slice %arg4[%add3A_138, %dma_wait3A_152] : memref<3072x1024xf32, #tpu.memory_space<hbm>> -> memref<8x1024xf32, #tpu.memory_space<hbm>>
    %dma_wait3A_154 = arith.constant 0 : i32
    %dma_wait3A_155 = tpu.memref_slice %arg4[%add3A_138, %dma_wait3A_154] : memref<3072x1024xf32, #tpu.memory_space<hbm>> -> memref<8x1024xf32, #tpu.memory_space<hbm>>
    %dma_wait3A_156 = arith.constant 8 : i32
    %dma_wait3A_157 = arith.constant 0 : i32
    %dma_wait3A_158 = tpu.memref_slice %arg6[%dma_wait3A_156, %dma_wait3A_157] : memref<96x1024xf32, #tpu.memory_space<vmem>> -> memref<8x1024xf32, #tpu.memory_space<vmem>>
    tpu.wait_dma2 semaphore(%arg20 : memref<!tpu.dma_semaphore, #tpu.memory_space<semaphore_mem>>) src(%dma_wait3A_158 : memref<8x1024xf32, #tpu.memory_space<vmem>>) dst(%dma_wait3A_155 : memref<8x1024xf32, #tpu.memory_space<hbm>>)
    %dma_wait3A_159 = arith.constant 16 : i32
    %dma_wait3A_160 = arith.constant 0 : i32
    %dma_wait3A_161 = tpu.memref_slice %arg6[%dma_wait3A_159, %dma_wait3A_160] : memref<96x1024xf32, #tpu.memory_space<vmem>> -> memref<8x1024xf32, #tpu.memory_space<vmem>>
    %dma_wait3A_162 = arith.constant 16 : i32
    %dma_wait3A_163 = tpu.memref_slice %arg5[%dma_wait3A_162] : memref<96xi32, #tpu.memory_space<vmem>> -> memref<8xi32, #tpu.memory_space<vmem>>
    %dma_wait3A_164 = arith.constant 0 : i32
    %dma_wait3A_165 = arith.constant 0 : i32
    %dma_wait3A_166 = tpu.memref_slice %arg2[%dma_wait3A_164, %dma_wait3A_165] : memref<100000x1024xf32, #tpu.memory_space<hbm>> -> memref<100000x1024xf32, #tpu.memory_space<hbm>>
    tpu.wait_indirect_dma semaphore(%arg9 : memref<!tpu.dma_semaphore, #tpu.memory_space<semaphore_mem>>) src(%dma_wait3A_166 : memref<100000x1024xf32, #tpu.memory_space<hbm>>) dst(%dma_wait3A_161 : memref<8x1024xf32, #tpu.memory_space<vmem>>)
    %add3A_167 = arith.constant 16 : i32
    %add3A_168 = arith.addi %mul3A_2, %add3A_167 : i32
    %dma_start3A_169 = arith.constant 16 : i32
    %dma_start3A_170 = arith.constant 0 : i32
    %dma_start3A_171 = tpu.memref_slice %arg6[%dma_start3A_169, %dma_start3A_170] : memref<96x1024xf32, #tpu.memory_space<vmem>> -> memref<8x1024xf32, #tpu.memory_space<vmem>>
    %dma_start3A_172 = arith.constant 0 : i32
    %dma_start3A_173 = tpu.memref_slice %arg4[%add3A_168, %dma_start3A_172] : memref<3072x1024xf32, #tpu.memory_space<hbm>> -> memref<8x1024xf32, #tpu.memory_space<hbm>>
    %dma_start3A_174 = arith.constant 0 : i32
    %dma_start3A_175 = tpu.memref_slice %arg4[%add3A_168, %dma_start3A_174] : memref<3072x1024xf32, #tpu.memory_space<hbm>> -> memref<8x1024xf32, #tpu.memory_space<hbm>>
    %dma_start3A_176 = arith.constant 16 : i32
    %dma_start3A_177 = arith.constant 0 : i32
    %dma_start3A_178 = tpu.memref_slice %arg6[%dma_start3A_176, %dma_start3A_177] : memref<96x1024xf32, #tpu.memory_space<vmem>> -> memref<8x1024xf32, #tpu.memory_space<vmem>>
    tpu.enqueue_dma source(%dma_start3A_178 : memref<8x1024xf32, #tpu.memory_space<vmem>>) target(%dma_start3A_175 : memref<8x1024xf32, #tpu.memory_space<hbm>>) target_semaphore(%arg21 : memref<!tpu.dma_semaphore, #tpu.memory_space<semaphore_mem>>)
    %dma_wait3A_179 = arith.constant 16 : i32
    %dma_wait3A_180 = arith.constant 0 : i32
    %dma_wait3A_181 = tpu.memref_slice %arg6[%dma_wait3A_179, %dma_wait3A_180] : memref<96x1024xf32, #tpu.memory_space<vmem>> -> memref<8x1024xf32, #tpu.memory_space<vmem>>
    %dma_wait3A_182 = arith.constant 0 : i32
    %dma_wait3A_183 = tpu.memref_slice %arg4[%add3A_168, %dma_wait3A_182] : memref<3072x1024xf32, #tpu.memory_space<hbm>> -> memref<8x1024xf32, #tpu.memory_space<hbm>>
    %dma_wait3A_184 = arith.constant 0 : i32
    %dma_wait3A_185 = tpu.memref_slice %arg4[%add3A_168, %dma_wait3A_184] : memref<3072x1024xf32, #tpu.memory_space<hbm>> -> memref<8x1024xf32, #tpu.memory_space<hbm>>
    %dma_wait3A_186 = arith.constant 16 : i32
    %dma_wait3A_187 = arith.constant 0 : i32
    %dma_wait3A_188 = tpu.memref_slice %arg6[%dma_wait3A_186, %dma_wait3A_187] : memref<96x1024xf32, #tpu.memory_space<vmem>> -> memref<8x1024xf32, #tpu.memory_space<vmem>>
    tpu.wait_dma2 semaphore(%arg21 : memref<!tpu.dma_semaphore, #tpu.memory_space<semaphore_mem>>) src(%dma_wait3A_188 : memref<8x1024xf32, #tpu.memory_space<vmem>>) dst(%dma_wait3A_185 : memref<8x1024xf32, #tpu.memory_space<hbm>>)
    %dma_wait3A_189 = arith.constant 24 : i32
    %dma_wait3A_190 = arith.constant 0 : i32
    %dma_wait3A_191 = tpu.memref_slice %arg6[%dma_wait3A_189, %dma_wait3A_190] : memref<96x1024xf32, #tpu.memory_space<vmem>> -> memref<8x1024xf32, #tpu.memory_space<vmem>>
    %dma_wait3A_192 = arith.constant 24 : i32
    %dma_wait3A_193 = tpu.memref_slice %arg5[%dma_wait3A_192] : memref<96xi32, #tpu.memory_space<vmem>> -> memref<8xi32, #tpu.memory_space<vmem>>
    %dma_wait3A_194 = arith.constant 0 : i32
    %dma_wait3A_195 = arith.constant 0 : i32
    %dma_wait3A_196 = tpu.memref_slice %arg2[%dma_wait3A_194, %dma_wait3A_195] : memref<100000x1024xf32, #tpu.memory_space<hbm>> -> memref<100000x1024xf32, #tpu.memory_space<hbm>>
    tpu.wait_indirect_dma semaphore(%arg10 : memref<!tpu.dma_semaphore, #tpu.memory_space<semaphore_mem>>) src(%dma_wait3A_196 : memref<100000x1024xf32, #tpu.memory_space<hbm>>) dst(%dma_wait3A_191 : memref<8x1024xf32, #tpu.memory_space<vmem>>)
    %add3A_197 = arith.constant 24 : i32
    %add3A_198 = arith.addi %mul3A_2, %add3A_197 : i32
    %dma_start3A_199 = arith.constant 24 : i32
    %dma_start3A_200 = arith.constant 0 : i32
    %dma_start3A_201 = tpu.memref_slice %arg6[%dma_start3A_199, %dma_start3A_200] : memref<96x1024xf32, #tpu.memory_space<vmem>> -> memref<8x1024xf32, #tpu.memory_space<vmem>>
    %dma_start3A_202 = arith.constant 0 : i32
    %dma_start3A_203 = tpu.memref_slice %arg4[%add3A_198, %dma_start3A_202] : memref<3072x1024xf32, #tpu.memory_space<hbm>> -> memref<8x1024xf32, #tpu.memory_space<hbm>>
    %dma_start3A_204 = arith.constant 0 : i32
    %dma_start3A_205 = tpu.memref_slice %arg4[%add3A_198, %dma_start3A_204] : memref<3072x1024xf32, #tpu.memory_space<hbm>> -> memref<8x1024xf32, #tpu.memory_space<hbm>>
    %dma_start3A_206 = arith.constant 24 : i32
    %dma_start3A_207 = arith.constant 0 : i32
    %dma_start3A_208 = tpu.memref_slice %arg6[%dma_start3A_206, %dma_start3A_207] : memref<96x1024xf32, #tpu.memory_space<vmem>> -> memref<8x1024xf32, #tpu.memory_space<vmem>>
    tpu.enqueue_dma source(%dma_start3A_208 : memref<8x1024xf32, #tpu.memory_space<vmem>>) target(%dma_start3A_205 : memref<8x1024xf32, #tpu.memory_space<hbm>>) target_semaphore(%arg22 : memref<!tpu.dma_semaphore, #tpu.memory_space<semaphore_mem>>)
    %dma_wait3A_209 = arith.constant 24 : i32
    %dma_wait3A_210 = arith.constant 0 : i32
    %dma_wait3A_211 = tpu.memref_slice %arg6[%dma_wait3A_209, %dma_wait3A_210] : memref<96x1024xf32, #tpu.memory_space<vmem>> -> memref<8x1024xf32, #tpu.memory_space<vmem>>
    %dma_wait3A_212 = arith.constant 0 : i32
    %dma_wait3A_213 = tpu.memref_slice %arg4[%add3A_198, %dma_wait3A_212] : memref<3072x1024xf32, #tpu.memory_space<hbm>> -> memref<8x1024xf32, #tpu.memory_space<hbm>>
    %dma_wait3A_214 = arith.constant 0 : i32
    %dma_wait3A_215 = tpu.memref_slice %arg4[%add3A_198, %dma_wait3A_214] : memref<3072x1024xf32, #tpu.memory_space<hbm>> -> memref<8x1024xf32, #tpu.memory_space<hbm>>
    %dma_wait3A_216 = arith.constant 24 : i32
    %dma_wait3A_217 = arith.constant 0 : i32
    %dma_wait3A_218 = tpu.memref_slice %arg6[%dma_wait3A_216, %dma_wait3A_217] : memref<96x1024xf32, #tpu.memory_space<vmem>> -> memref<8x1024xf32, #tpu.memory_space<vmem>>
    tpu.wait_dma2 semaphore(%arg22 : memref<!tpu.dma_semaphore, #tpu.memory_space<semaphore_mem>>) src(%dma_wait3A_218 : memref<8x1024xf32, #tpu.memory_space<vmem>>) dst(%dma_wait3A_215 : memref<8x1024xf32, #tpu.memory_space<hbm>>)
    %dma_wait3A_219 = arith.constant 32 : i32
    %dma_wait3A_220 = arith.constant 0 : i32
    %dma_wait3A_221 = tpu.memref_slice %arg6[%dma_wait3A_219, %dma_wait3A_220] : memref<96x1024xf32, #tpu.memory_space<vmem>> -> memref<8x1024xf32, #tpu.memory_space<vmem>>
    %dma_wait3A_222 = arith.constant 32 : i32
    %dma_wait3A_223 = tpu.memref_slice %arg5[%dma_wait3A_222] : memref<96xi32, #tpu.memory_space<vmem>> -> memref<8xi32, #tpu.memory_space<vmem>>
    %dma_wait3A_224 = arith.constant 0 : i32
    %dma_wait3A_225 = arith.constant 0 : i32
    %dma_wait3A_226 = tpu.memref_slice %arg2[%dma_wait3A_224, %dma_wait3A_225] : memref<100000x1024xf32, #tpu.memory_space<hbm>> -> memref<100000x1024xf32, #tpu.memory_space<hbm>>
    tpu.wait_indirect_dma semaphore(%arg11 : memref<!tpu.dma_semaphore, #tpu.memory_space<semaphore_mem>>) src(%dma_wait3A_226 : memref<100000x1024xf32, #tpu.memory_space<hbm>>) dst(%dma_wait3A_221 : memref<8x1024xf32, #tpu.memory_space<vmem>>)
    %add3A_227 = arith.constant 32 : i32
    %add3A_228 = arith.addi %mul3A_2, %add3A_227 : i32
    %dma_start3A_229 = arith.constant 32 : i32
    %dma_start3A_230 = arith.constant 0 : i32
    %dma_start3A_231 = tpu.memref_slice %arg6[%dma_start3A_229, %dma_start3A_230] : memref<96x1024xf32, #tpu.memory_space<vmem>> -> memref<8x1024xf32, #tpu.memory_space<vmem>>
    %dma_start3A_232 = arith.constant 0 : i32
    %dma_start3A_233 = tpu.memref_slice %arg4[%add3A_228, %dma_start3A_232] : memref<3072x1024xf32, #tpu.memory_space<hbm>> -> memref<8x1024xf32, #tpu.memory_space<hbm>>
    %dma_start3A_234 = arith.constant 0 : i32
    %dma_start3A_235 = tpu.memref_slice %arg4[%add3A_228, %dma_start3A_234] : memref<3072x1024xf32, #tpu.memory_space<hbm>> -> memref<8x1024xf32, #tpu.memory_space<hbm>>
    %dma_start3A_236 = arith.constant 32 : i32
    %dma_start3A_237 = arith.constant 0 : i32
    %dma_start3A_238 = tpu.memref_slice %arg6[%dma_start3A_236, %dma_start3A_237] : memref<96x1024xf32, #tpu.memory_space<vmem>> -> memref<8x1024xf32, #tpu.memory_space<vmem>>
    tpu.enqueue_dma source(%dma_start3A_238 : memref<8x1024xf32, #tpu.memory_space<vmem>>) target(%dma_start3A_235 : memref<8x1024xf32, #tpu.memory_space<hbm>>) target_semaphore(%arg23 : memref<!tpu.dma_semaphore, #tpu.memory_space<semaphore_mem>>)
    %dma_wait3A_239 = arith.constant 32 : i32
    %dma_wait3A_240 = arith.constant 0 : i32
    %dma_wait3A_241 = tpu.memref_slice %arg6[%dma_wait3A_239, %dma_wait3A_240] : memref<96x1024xf32, #tpu.memory_space<vmem>> -> memref<8x1024xf32, #tpu.memory_space<vmem>>
    %dma_wait3A_242 = arith.constant 0 : i32
    %dma_wait3A_243 = tpu.memref_slice %arg4[%add3A_228, %dma_wait3A_242] : memref<3072x1024xf32, #tpu.memory_space<hbm>> -> memref<8x1024xf32, #tpu.memory_space<hbm>>
    %dma_wait3A_244 = arith.constant 0 : i32
    %dma_wait3A_245 = tpu.memref_slice %arg4[%add3A_228, %dma_wait3A_244] : memref<3072x1024xf32, #tpu.memory_space<hbm>> -> memref<8x1024xf32, #tpu.memory_space<hbm>>
    %dma_wait3A_246 = arith.constant 32 : i32
    %dma_wait3A_247 = arith.constant 0 : i32
    %dma_wait3A_248 = tpu.memref_slice %arg6[%dma_wait3A_246, %dma_wait3A_247] : memref<96x1024xf32, #tpu.memory_space<vmem>> -> memref<8x1024xf32, #tpu.memory_space<vmem>>
    tpu.wait_dma2 semaphore(%arg23 : memref<!tpu.dma_semaphore, #tpu.memory_space<semaphore_mem>>) src(%dma_wait3A_248 : memref<8x1024xf32, #tpu.memory_space<vmem>>) dst(%dma_wait3A_245 : memref<8x1024xf32, #tpu.memory_space<hbm>>)
    %dma_wait3A_249 = arith.constant 40 : i32
    %dma_wait3A_250 = arith.constant 0 : i32
    %dma_wait3A_251 = tpu.memref_slice %arg6[%dma_wait3A_249, %dma_wait3A_250] : memref<96x1024xf32, #tpu.memory_space<vmem>> -> memref<8x1024xf32, #tpu.memory_space<vmem>>
    %dma_wait3A_252 = arith.constant 40 : i32
    %dma_wait3A_253 = tpu.memref_slice %arg5[%dma_wait3A_252] : memref<96xi32, #tpu.memory_space<vmem>> -> memref<8xi32, #tpu.memory_space<vmem>>
    %dma_wait3A_254 = arith.constant 0 : i32
    %dma_wait3A_255 = arith.constant 0 : i32
    %dma_wait3A_256 = tpu.memref_slice %arg2[%dma_wait3A_254, %dma_wait3A_255] : memref<100000x1024xf32, #tpu.memory_space<hbm>> -> memref<100000x1024xf32, #tpu.memory_space<hbm>>
    tpu.wait_indirect_dma semaphore(%arg12 : memref<!tpu.dma_semaphore, #tpu.memory_space<semaphore_mem>>) src(%dma_wait3A_256 : memref<100000x1024xf32, #tpu.memory_space<hbm>>) dst(%dma_wait3A_251 : memref<8x1024xf32, #tpu.memory_space<vmem>>)
    %add3A_257 = arith.constant 40 : i32
    %add3A_258 = arith.addi %mul3A_2, %add3A_257 : i32
    %dma_start3A_259 = arith.constant 40 : i32
    %dma_start3A_260 = arith.constant 0 : i32
    %dma_start3A_261 = tpu.memref_slice %arg6[%dma_start3A_259, %dma_start3A_260] : memref<96x1024xf32, #tpu.memory_space<vmem>> -> memref<8x1024xf32, #tpu.memory_space<vmem>>
    %dma_start3A_262 = arith.constant 0 : i32
    %dma_start3A_263 = tpu.memref_slice %arg4[%add3A_258, %dma_start3A_262] : memref<3072x1024xf32, #tpu.memory_space<hbm>> -> memref<8x1024xf32, #tpu.memory_space<hbm>>
    %dma_start3A_264 = arith.constant 0 : i32
    %dma_start3A_265 = tpu.memref_slice %arg4[%add3A_258, %dma_start3A_264] : memref<3072x1024xf32, #tpu.memory_space<hbm>> -> memref<8x1024xf32, #tpu.memory_space<hbm>>
    %dma_start3A_266 = arith.constant 40 : i32
    %dma_start3A_267 = arith.constant 0 : i32
    %dma_start3A_268 = tpu.memref_slice %arg6[%dma_start3A_266, %dma_start3A_267] : memref<96x1024xf32, #tpu.memory_space<vmem>> -> memref<8x1024xf32, #tpu.memory_space<vmem>>
    tpu.enqueue_dma source(%dma_start3A_268 : memref<8x1024xf32, #tpu.memory_space<vmem>>) target(%dma_start3A_265 : memref<8x1024xf32, #tpu.memory_space<hbm>>) target_semaphore(%arg24 : memref<!tpu.dma_semaphore, #tpu.memory_space<semaphore_mem>>)
    %dma_wait3A_269 = arith.constant 40 : i32
    %dma_wait3A_270 = arith.constant 0 : i32
    %dma_wait3A_271 = tpu.memref_slice %arg6[%dma_wait3A_269, %dma_wait3A_270] : memref<96x1024xf32, #tpu.memory_space<vmem>> -> memref<8x1024xf32, #tpu.memory_space<vmem>>
    %dma_wait3A_272 = arith.constant 0 : i32
    %dma_wait3A_273 = tpu.memref_slice %arg4[%add3A_258, %dma_wait3A_272] : memref<3072x1024xf32, #tpu.memory_space<hbm>> -> memref<8x1024xf32, #tpu.memory_space<hbm>>
    %dma_wait3A_274 = arith.constant 0 : i32
    %dma_wait3A_275 = tpu.memref_slice %arg4[%add3A_258, %dma_wait3A_274] : memref<3072x1024xf32, #tpu.memory_space<hbm>> -> memref<8x1024xf32, #tpu.memory_space<hbm>>
    %dma_wait3A_276 = arith.constant 40 : i32
    %dma_wait3A_277 = arith.constant 0 : i32
    %dma_wait3A_278 = tpu.memref_slice %arg6[%dma_wait3A_276, %dma_wait3A_277] : memref<96x1024xf32, #tpu.memory_space<vmem>> -> memref<8x1024xf32, #tpu.memory_space<vmem>>
    tpu.wait_dma2 semaphore(%arg24 : memref<!tpu.dma_semaphore, #tpu.memory_space<semaphore_mem>>) src(%dma_wait3A_278 : memref<8x1024xf32, #tpu.memory_space<vmem>>) dst(%dma_wait3A_275 : memref<8x1024xf32, #tpu.memory_space<hbm>>)
    %dma_wait3A_279 = arith.constant 48 : i32
    %dma_wait3A_280 = arith.constant 0 : i32
    %dma_wait3A_281 = tpu.memref_slice %arg6[%dma_wait3A_279, %dma_wait3A_280] : memref<96x1024xf32, #tpu.memory_space<vmem>> -> memref<8x1024xf32, #tpu.memory_space<vmem>>
    %dma_wait3A_282 = arith.constant 48 : i32
    %dma_wait3A_283 = tpu.memref_slice %arg5[%dma_wait3A_282] : memref<96xi32, #tpu.memory_space<vmem>> -> memref<8xi32, #tpu.memory_space<vmem>>
    %dma_wait3A_284 = arith.constant 0 : i32
    %dma_wait3A_285 = arith.constant 0 : i32
    %dma_wait3A_286 = tpu.memref_slice %arg2[%dma_wait3A_284, %dma_wait3A_285] : memref<100000x1024xf32, #tpu.memory_space<hbm>> -> memref<100000x1024xf32, #tpu.memory_space<hbm>>
    tpu.wait_indirect_dma semaphore(%arg13 : memref<!tpu.dma_semaphore, #tpu.memory_space<semaphore_mem>>) src(%dma_wait3A_286 : memref<100000x1024xf32, #tpu.memory_space<hbm>>) dst(%dma_wait3A_281 : memref<8x1024xf32, #tpu.memory_space<vmem>>)
    %add3A_287 = arith.constant 48 : i32
    %add3A_288 = arith.addi %mul3A_2, %add3A_287 : i32
    %dma_start3A_289 = arith.constant 48 : i32
    %dma_start3A_290 = arith.constant 0 : i32
    %dma_start3A_291 = tpu.memref_slice %arg6[%dma_start3A_289, %dma_start3A_290] : memref<96x1024xf32, #tpu.memory_space<vmem>> -> memref<8x1024xf32, #tpu.memory_space<vmem>>
    %dma_start3A_292 = arith.constant 0 : i32
    %dma_start3A_293 = tpu.memref_slice %arg4[%add3A_288, %dma_start3A_292] : memref<3072x1024xf32, #tpu.memory_space<hbm>> -> memref<8x1024xf32, #tpu.memory_space<hbm>>
    %dma_start3A_294 = arith.constant 0 : i32
    %dma_start3A_295 = tpu.memref_slice %arg4[%add3A_288, %dma_start3A_294] : memref<3072x1024xf32, #tpu.memory_space<hbm>> -> memref<8x1024xf32, #tpu.memory_space<hbm>>
    %dma_start3A_296 = arith.constant 48 : i32
    %dma_start3A_297 = arith.constant 0 : i32
    %dma_start3A_298 = tpu.memref_slice %arg6[%dma_start3A_296, %dma_start3A_297] : memref<96x1024xf32, #tpu.memory_space<vmem>> -> memref<8x1024xf32, #tpu.memory_space<vmem>>
    tpu.enqueue_dma source(%dma_start3A_298 : memref<8x1024xf32, #tpu.memory_space<vmem>>) target(%dma_start3A_295 : memref<8x1024xf32, #tpu.memory_space<hbm>>) target_semaphore(%arg25 : memref<!tpu.dma_semaphore, #tpu.memory_space<semaphore_mem>>)
    %dma_wait3A_299 = arith.constant 48 : i32
    %dma_wait3A_300 = arith.constant 0 : i32
    %dma_wait3A_301 = tpu.memref_slice %arg6[%dma_wait3A_299, %dma_wait3A_300] : memref<96x1024xf32, #tpu.memory_space<vmem>> -> memref<8x1024xf32, #tpu.memory_space<vmem>>
    %dma_wait3A_302 = arith.constant 0 : i32
    %dma_wait3A_303 = tpu.memref_slice %arg4[%add3A_288, %dma_wait3A_302] : memref<3072x1024xf32, #tpu.memory_space<hbm>> -> memref<8x1024xf32, #tpu.memory_space<hbm>>
    %dma_wait3A_304 = arith.constant 0 : i32
    %dma_wait3A_305 = tpu.memref_slice %arg4[%add3A_288, %dma_wait3A_304] : memref<3072x1024xf32, #tpu.memory_space<hbm>> -> memref<8x1024xf32, #tpu.memory_space<hbm>>
    %dma_wait3A_306 = arith.constant 48 : i32
    %dma_wait3A_307 = arith.constant 0 : i32
    %dma_wait3A_308 = tpu.memref_slice %arg6[%dma_wait3A_306, %dma_wait3A_307] : memref<96x1024xf32, #tpu.memory_space<vmem>> -> memref<8x1024xf32, #tpu.memory_space<vmem>>
    tpu.wait_dma2 semaphore(%arg25 : memref<!tpu.dma_semaphore, #tpu.memory_space<semaphore_mem>>) src(%dma_wait3A_308 : memref<8x1024xf32, #tpu.memory_space<vmem>>) dst(%dma_wait3A_305 : memref<8x1024xf32, #tpu.memory_space<hbm>>)
    %dma_wait3A_309 = arith.constant 56 : i32
    %dma_wait3A_310 = arith.constant 0 : i32
    %dma_wait3A_311 = tpu.memref_slice %arg6[%dma_wait3A_309, %dma_wait3A_310] : memref<96x1024xf32, #tpu.memory_space<vmem>> -> memref<8x1024xf32, #tpu.memory_space<vmem>>
    %dma_wait3A_312 = arith.constant 56 : i32
    %dma_wait3A_313 = tpu.memref_slice %arg5[%dma_wait3A_312] : memref<96xi32, #tpu.memory_space<vmem>> -> memref<8xi32, #tpu.memory_space<vmem>>
    %dma_wait3A_314 = arith.constant 0 : i32
    %dma_wait3A_315 = arith.constant 0 : i32
    %dma_wait3A_316 = tpu.memref_slice %arg2[%dma_wait3A_314, %dma_wait3A_315] : memref<100000x1024xf32, #tpu.memory_space<hbm>> -> memref<100000x1024xf32, #tpu.memory_space<hbm>>
    tpu.wait_indirect_dma semaphore(%arg14 : memref<!tpu.dma_semaphore, #tpu.memory_space<semaphore_mem>>) src(%dma_wait3A_316 : memref<100000x1024xf32, #tpu.memory_space<hbm>>) dst(%dma_wait3A_311 : memref<8x1024xf32, #tpu.memory_space<vmem>>)
    %add3A_317 = arith.constant 56 : i32
    %add3A_318 = arith.addi %mul3A_2, %add3A_317 : i32
    %dma_start3A_319 = arith.constant 56 : i32
    %dma_start3A_320 = arith.constant 0 : i32
    %dma_start3A_321 = tpu.memref_slice %arg6[%dma_start3A_319, %dma_start3A_320] : memref<96x1024xf32, #tpu.memory_space<vmem>> -> memref<8x1024xf32, #tpu.memory_space<vmem>>
    %dma_start3A_322 = arith.constant 0 : i32
    %dma_start3A_323 = tpu.memref_slice %arg4[%add3A_318, %dma_start3A_322] : memref<3072x1024xf32, #tpu.memory_space<hbm>> -> memref<8x1024xf32, #tpu.memory_space<hbm>>
    %dma_start3A_324 = arith.constant 0 : i32
    %dma_start3A_325 = tpu.memref_slice %arg4[%add3A_318, %dma_start3A_324] : memref<3072x1024xf32, #tpu.memory_space<hbm>> -> memref<8x1024xf32, #tpu.memory_space<hbm>>
    %dma_start3A_326 = arith.constant 56 : i32
    %dma_start3A_327 = arith.constant 0 : i32
    %dma_start3A_328 = tpu.memref_slice %arg6[%dma_start3A_326, %dma_start3A_327] : memref<96x1024xf32, #tpu.memory_space<vmem>> -> memref<8x1024xf32, #tpu.memory_space<vmem>>
    tpu.enqueue_dma source(%dma_start3A_328 : memref<8x1024xf32, #tpu.memory_space<vmem>>) target(%dma_start3A_325 : memref<8x1024xf32, #tpu.memory_space<hbm>>) target_semaphore(%arg26 : memref<!tpu.dma_semaphore, #tpu.memory_space<semaphore_mem>>)
    %dma_wait3A_329 = arith.constant 56 : i32
    %dma_wait3A_330 = arith.constant 0 : i32
    %dma_wait3A_331 = tpu.memref_slice %arg6[%dma_wait3A_329, %dma_wait3A_330] : memref<96x1024xf32, #tpu.memory_space<vmem>> -> memref<8x1024xf32, #tpu.memory_space<vmem>>
    %dma_wait3A_332 = arith.constant 0 : i32
    %dma_wait3A_333 = tpu.memref_slice %arg4[%add3A_318, %dma_wait3A_332] : memref<3072x1024xf32, #tpu.memory_space<hbm>> -> memref<8x1024xf32, #tpu.memory_space<hbm>>
    %dma_wait3A_334 = arith.constant 0 : i32
    %dma_wait3A_335 = tpu.memref_slice %arg4[%add3A_318, %dma_wait3A_334] : memref<3072x1024xf32, #tpu.memory_space<hbm>> -> memref<8x1024xf32, #tpu.memory_space<hbm>>
    %dma_wait3A_336 = arith.constant 56 : i32
    %dma_wait3A_337 = arith.constant 0 : i32
    %dma_wait3A_338 = tpu.memref_slice %arg6[%dma_wait3A_336, %dma_wait3A_337] : memref<96x1024xf32, #tpu.memory_space<vmem>> -> memref<8x1024xf32, #tpu.memory_space<vmem>>
    tpu.wait_dma2 semaphore(%arg26 : memref<!tpu.dma_semaphore, #tpu.memory_space<semaphore_mem>>) src(%dma_wait3A_338 : memref<8x1024xf32, #tpu.memory_space<vmem>>) dst(%dma_wait3A_335 : memref<8x1024xf32, #tpu.memory_space<hbm>>)
    %dma_wait3A_339 = arith.constant 64 : i32
    %dma_wait3A_340 = arith.constant 0 : i32
    %dma_wait3A_341 = tpu.memref_slice %arg6[%dma_wait3A_339, %dma_wait3A_340] : memref<96x1024xf32, #tpu.memory_space<vmem>> -> memref<8x1024xf32, #tpu.memory_space<vmem>>
    %dma_wait3A_342 = arith.constant 64 : i32
    %dma_wait3A_343 = tpu.memref_slice %arg5[%dma_wait3A_342] : memref<96xi32, #tpu.memory_space<vmem>> -> memref<8xi32, #tpu.memory_space<vmem>>
    %dma_wait3A_344 = arith.constant 0 : i32
    %dma_wait3A_345 = arith.constant 0 : i32
    %dma_wait3A_346 = tpu.memref_slice %arg2[%dma_wait3A_344, %dma_wait3A_345] : memref<100000x1024xf32, #tpu.memory_space<hbm>> -> memref<100000x1024xf32, #tpu.memory_space<hbm>>
    tpu.wait_indirect_dma semaphore(%arg15 : memref<!tpu.dma_semaphore, #tpu.memory_space<semaphore_mem>>) src(%dma_wait3A_346 : memref<100000x1024xf32, #tpu.memory_space<hbm>>) dst(%dma_wait3A_341 : memref<8x1024xf32, #tpu.memory_space<vmem>>)
    %add3A_347 = arith.constant 64 : i32
    %add3A_348 = arith.addi %mul3A_2, %add3A_347 : i32
    %dma_start3A_349 = arith.constant 64 : i32
    %dma_start3A_350 = arith.constant 0 : i32
    %dma_start3A_351 = tpu.memref_slice %arg6[%dma_start3A_349, %dma_start3A_350] : memref<96x1024xf32, #tpu.memory_space<vmem>> -> memref<8x1024xf32, #tpu.memory_space<vmem>>
    %dma_start3A_352 = arith.constant 0 : i32
    %dma_start3A_353 = tpu.memref_slice %arg4[%add3A_348, %dma_start3A_352] : memref<3072x1024xf32, #tpu.memory_space<hbm>> -> memref<8x1024xf32, #tpu.memory_space<hbm>>
    %dma_start3A_354 = arith.constant 0 : i32
    %dma_start3A_355 = tpu.memref_slice %arg4[%add3A_348, %dma_start3A_354] : memref<3072x1024xf32, #tpu.memory_space<hbm>> -> memref<8x1024xf32, #tpu.memory_space<hbm>>
    %dma_start3A_356 = arith.constant 64 : i32
    %dma_start3A_357 = arith.constant 0 : i32
    %dma_start3A_358 = tpu.memref_slice %arg6[%dma_start3A_356, %dma_start3A_357] : memref<96x1024xf32, #tpu.memory_space<vmem>> -> memref<8x1024xf32, #tpu.memory_space<vmem>>
    tpu.enqueue_dma source(%dma_start3A_358 : memref<8x1024xf32, #tpu.memory_space<vmem>>) target(%dma_start3A_355 : memref<8x1024xf32, #tpu.memory_space<hbm>>) target_semaphore(%arg27 : memref<!tpu.dma_semaphore, #tpu.memory_space<semaphore_mem>>)
    %dma_wait3A_359 = arith.constant 64 : i32
    %dma_wait3A_360 = arith.constant 0 : i32
    %dma_wait3A_361 = tpu.memref_slice %arg6[%dma_wait3A_359, %dma_wait3A_360] : memref<96x1024xf32, #tpu.memory_space<vmem>> -> memref<8x1024xf32, #tpu.memory_space<vmem>>
    %dma_wait3A_362 = arith.constant 0 : i32
    %dma_wait3A_363 = tpu.memref_slice %arg4[%add3A_348, %dma_wait3A_362] : memref<3072x1024xf32, #tpu.memory_space<hbm>> -> memref<8x1024xf32, #tpu.memory_space<hbm>>
    %dma_wait3A_364 = arith.constant 0 : i32
    %dma_wait3A_365 = tpu.memref_slice %arg4[%add3A_348, %dma_wait3A_364] : memref<3072x1024xf32, #tpu.memory_space<hbm>> -> memref<8x1024xf32, #tpu.memory_space<hbm>>
    %dma_wait3A_366 = arith.constant 64 : i32
    %dma_wait3A_367 = arith.constant 0 : i32
    %dma_wait3A_368 = tpu.memref_slice %arg6[%dma_wait3A_366, %dma_wait3A_367] : memref<96x1024xf32, #tpu.memory_space<vmem>> -> memref<8x1024xf32, #tpu.memory_space<vmem>>
    tpu.wait_dma2 semaphore(%arg27 : memref<!tpu.dma_semaphore, #tpu.memory_space<semaphore_mem>>) src(%dma_wait3A_368 : memref<8x1024xf32, #tpu.memory_space<vmem>>) dst(%dma_wait3A_365 : memref<8x1024xf32, #tpu.memory_space<hbm>>)
    %dma_wait3A_369 = arith.constant 72 : i32
    %dma_wait3A_370 = arith.constant 0 : i32
    %dma_wait3A_371 = tpu.memref_slice %arg6[%dma_wait3A_369, %dma_wait3A_370] : memref<96x1024xf32, #tpu.memory_space<vmem>> -> memref<8x1024xf32, #tpu.memory_space<vmem>>
    %dma_wait3A_372 = arith.constant 72 : i32
    %dma_wait3A_373 = tpu.memref_slice %arg5[%dma_wait3A_372] : memref<96xi32, #tpu.memory_space<vmem>> -> memref<8xi32, #tpu.memory_space<vmem>>
    %dma_wait3A_374 = arith.constant 0 : i32
    %dma_wait3A_375 = arith.constant 0 : i32
    %dma_wait3A_376 = tpu.memref_slice %arg2[%dma_wait3A_374, %dma_wait3A_375] : memref<100000x1024xf32, #tpu.memory_space<hbm>> -> memref<100000x1024xf32, #tpu.memory_space<hbm>>
    tpu.wait_indirect_dma semaphore(%arg16 : memref<!tpu.dma_semaphore, #tpu.memory_space<semaphore_mem>>) src(%dma_wait3A_376 : memref<100000x1024xf32, #tpu.memory_space<hbm>>) dst(%dma_wait3A_371 : memref<8x1024xf32, #tpu.memory_space<vmem>>)
    %add3A_377 = arith.constant 72 : i32
    %add3A_378 = arith.addi %mul3A_2, %add3A_377 : i32
    %dma_start3A_379 = arith.constant 72 : i32
    %dma_start3A_380 = arith.constant 0 : i32
    %dma_start3A_381 = tpu.memref_slice %arg6[%dma_start3A_379, %dma_start3A_380] : memref<96x1024xf32, #tpu.memory_space<vmem>> -> memref<8x1024xf32, #tpu.memory_space<vmem>>
    %dma_start3A_382 = arith.constant 0 : i32
    %dma_start3A_383 = tpu.memref_slice %arg4[%add3A_378, %dma_start3A_382] : memref<3072x1024xf32, #tpu.memory_space<hbm>> -> memref<8x1024xf32, #tpu.memory_space<hbm>>
    %dma_start3A_384 = arith.constant 0 : i32
    %dma_start3A_385 = tpu.memref_slice %arg4[%add3A_378, %dma_start3A_384] : memref<3072x1024xf32, #tpu.memory_space<hbm>> -> memref<8x1024xf32, #tpu.memory_space<hbm>>
    %dma_start3A_386 = arith.constant 72 : i32
    %dma_start3A_387 = arith.constant 0 : i32
    %dma_start3A_388 = tpu.memref_slice %arg6[%dma_start3A_386, %dma_start3A_387] : memref<96x1024xf32, #tpu.memory_space<vmem>> -> memref<8x1024xf32, #tpu.memory_space<vmem>>
    tpu.enqueue_dma source(%dma_start3A_388 : memref<8x1024xf32, #tpu.memory_space<vmem>>) target(%dma_start3A_385 : memref<8x1024xf32, #tpu.memory_space<hbm>>) target_semaphore(%arg28 : memref<!tpu.dma_semaphore, #tpu.memory_space<semaphore_mem>>)
    %dma_wait3A_389 = arith.constant 72 : i32
    %dma_wait3A_390 = arith.constant 0 : i32
    %dma_wait3A_391 = tpu.memref_slice %arg6[%dma_wait3A_389, %dma_wait3A_390] : memref<96x1024xf32, #tpu.memory_space<vmem>> -> memref<8x1024xf32, #tpu.memory_space<vmem>>
    %dma_wait3A_392 = arith.constant 0 : i32
    %dma_wait3A_393 = tpu.memref_slice %arg4[%add3A_378, %dma_wait3A_392] : memref<3072x1024xf32, #tpu.memory_space<hbm>> -> memref<8x1024xf32, #tpu.memory_space<hbm>>
    %dma_wait3A_394 = arith.constant 0 : i32
    %dma_wait3A_395 = tpu.memref_slice %arg4[%add3A_378, %dma_wait3A_394] : memref<3072x1024xf32, #tpu.memory_space<hbm>> -> memref<8x1024xf32, #tpu.memory_space<hbm>>
    %dma_wait3A_396 = arith.constant 72 : i32
    %dma_wait3A_397 = arith.constant 0 : i32
    %dma_wait3A_398 = tpu.memref_slice %arg6[%dma_wait3A_396, %dma_wait3A_397] : memref<96x1024xf32, #tpu.memory_space<vmem>> -> memref<8x1024xf32, #tpu.memory_space<vmem>>
    tpu.wait_dma2 semaphore(%arg28 : memref<!tpu.dma_semaphore, #tpu.memory_space<semaphore_mem>>) src(%dma_wait3A_398 : memref<8x1024xf32, #tpu.memory_space<vmem>>) dst(%dma_wait3A_395 : memref<8x1024xf32, #tpu.memory_space<hbm>>)
    %dma_wait3A_399 = arith.constant 80 : i32
    %dma_wait3A_400 = arith.constant 0 : i32
    %dma_wait3A_401 = tpu.memref_slice %arg6[%dma_wait3A_399, %dma_wait3A_400] : memref<96x1024xf32, #tpu.memory_space<vmem>> -> memref<8x1024xf32, #tpu.memory_space<vmem>>
    %dma_wait3A_402 = arith.constant 80 : i32
    %dma_wait3A_403 = tpu.memref_slice %arg5[%dma_wait3A_402] : memref<96xi32, #tpu.memory_space<vmem>> -> memref<8xi32, #tpu.memory_space<vmem>>
    %dma_wait3A_404 = arith.constant 0 : i32
    %dma_wait3A_405 = arith.constant 0 : i32
    %dma_wait3A_406 = tpu.memref_slice %arg2[%dma_wait3A_404, %dma_wait3A_405] : memref<100000x1024xf32, #tpu.memory_space<hbm>> -> memref<100000x1024xf32, #tpu.memory_space<hbm>>
    tpu.wait_indirect_dma semaphore(%arg17 : memref<!tpu.dma_semaphore, #tpu.memory_space<semaphore_mem>>) src(%dma_wait3A_406 : memref<100000x1024xf32, #tpu.memory_space<hbm>>) dst(%dma_wait3A_401 : memref<8x1024xf32, #tpu.memory_space<vmem>>)
    %add3A_407 = arith.constant 80 : i32
    %add3A_408 = arith.addi %mul3A_2, %add3A_407 : i32
    %dma_start3A_409 = arith.constant 80 : i32
    %dma_start3A_410 = arith.constant 0 : i32
    %dma_start3A_411 = tpu.memref_slice %arg6[%dma_start3A_409, %dma_start3A_410] : memref<96x1024xf32, #tpu.memory_space<vmem>> -> memref<8x1024xf32, #tpu.memory_space<vmem>>
    %dma_start3A_412 = arith.constant 0 : i32
    %dma_start3A_413 = tpu.memref_slice %arg4[%add3A_408, %dma_start3A_412] : memref<3072x1024xf32, #tpu.memory_space<hbm>> -> memref<8x1024xf32, #tpu.memory_space<hbm>>
    %dma_start3A_414 = arith.constant 0 : i32
    %dma_start3A_415 = tpu.memref_slice %arg4[%add3A_408, %dma_start3A_414] : memref<3072x1024xf32, #tpu.memory_space<hbm>> -> memref<8x1024xf32, #tpu.memory_space<hbm>>
    %dma_start3A_416 = arith.constant 80 : i32
    %dma_start3A_417 = arith.constant 0 : i32
    %dma_start3A_418 = tpu.memref_slice %arg6[%dma_start3A_416, %dma_start3A_417] : memref<96x1024xf32, #tpu.memory_space<vmem>> -> memref<8x1024xf32, #tpu.memory_space<vmem>>
    tpu.enqueue_dma source(%dma_start3A_418 : memref<8x1024xf32, #tpu.memory_space<vmem>>) target(%dma_start3A_415 : memref<8x1024xf32, #tpu.memory_space<hbm>>) target_semaphore(%arg29 : memref<!tpu.dma_semaphore, #tpu.memory_space<semaphore_mem>>)
    %dma_wait3A_419 = arith.constant 80 : i32
    %dma_wait3A_420 = arith.constant 0 : i32
    %dma_wait3A_421 = tpu.memref_slice %arg6[%dma_wait3A_419, %dma_wait3A_420] : memref<96x1024xf32, #tpu.memory_space<vmem>> -> memref<8x1024xf32, #tpu.memory_space<vmem>>
    %dma_wait3A_422 = arith.constant 0 : i32
    %dma_wait3A_423 = tpu.memref_slice %arg4[%add3A_408, %dma_wait3A_422] : memref<3072x1024xf32, #tpu.memory_space<hbm>> -> memref<8x1024xf32, #tpu.memory_space<hbm>>
    %dma_wait3A_424 = arith.constant 0 : i32
    %dma_wait3A_425 = tpu.memref_slice %arg4[%add3A_408, %dma_wait3A_424] : memref<3072x1024xf32, #tpu.memory_space<hbm>> -> memref<8x1024xf32, #tpu.memory_space<hbm>>
    %dma_wait3A_426 = arith.constant 80 : i32
    %dma_wait3A_427 = arith.constant 0 : i32
    %dma_wait3A_428 = tpu.memref_slice %arg6[%dma_wait3A_426, %dma_wait3A_427] : memref<96x1024xf32, #tpu.memory_space<vmem>> -> memref<8x1024xf32, #tpu.memory_space<vmem>>
    tpu.wait_dma2 semaphore(%arg29 : memref<!tpu.dma_semaphore, #tpu.memory_space<semaphore_mem>>) src(%dma_wait3A_428 : memref<8x1024xf32, #tpu.memory_space<vmem>>) dst(%dma_wait3A_425 : memref<8x1024xf32, #tpu.memory_space<hbm>>)
    %dma_wait3A_429 = arith.constant 88 : i32
    %dma_wait3A_430 = arith.constant 0 : i32
    %dma_wait3A_431 = tpu.memref_slice %arg6[%dma_wait3A_429, %dma_wait3A_430] : memref<96x1024xf32, #tpu.memory_space<vmem>> -> memref<8x1024xf32, #tpu.memory_space<vmem>>
    %dma_wait3A_432 = arith.constant 88 : i32
    %dma_wait3A_433 = tpu.memref_slice %arg5[%dma_wait3A_432] : memref<96xi32, #tpu.memory_space<vmem>> -> memref<8xi32, #tpu.memory_space<vmem>>
    %dma_wait3A_434 = arith.constant 0 : i32
    %dma_wait3A_435 = arith.constant 0 : i32
    %dma_wait3A_436 = tpu.memref_slice %arg2[%dma_wait3A_434, %dma_wait3A_435] : memref<100000x1024xf32, #tpu.memory_space<hbm>> -> memref<100000x1024xf32, #tpu.memory_space<hbm>>
    tpu.wait_indirect_dma semaphore(%arg18 : memref<!tpu.dma_semaphore, #tpu.memory_space<semaphore_mem>>) src(%dma_wait3A_436 : memref<100000x1024xf32, #tpu.memory_space<hbm>>) dst(%dma_wait3A_431 : memref<8x1024xf32, #tpu.memory_space<vmem>>)
    %add3A_437 = arith.constant 88 : i32
    %add3A_438 = arith.addi %mul3A_2, %add3A_437 : i32
    %dma_start3A_439 = arith.constant 88 : i32
    %dma_start3A_440 = arith.constant 0 : i32
    %dma_start3A_441 = tpu.memref_slice %arg6[%dma_start3A_439, %dma_start3A_440] : memref<96x1024xf32, #tpu.memory_space<vmem>> -> memref<8x1024xf32, #tpu.memory_space<vmem>>
    %dma_start3A_442 = arith.constant 0 : i32
    %dma_start3A_443 = tpu.memref_slice %arg4[%add3A_438, %dma_start3A_442] : memref<3072x1024xf32, #tpu.memory_space<hbm>> -> memref<8x1024xf32, #tpu.memory_space<hbm>>
    %dma_start3A_444 = arith.constant 0 : i32
    %dma_start3A_445 = tpu.memref_slice %arg4[%add3A_438, %dma_start3A_444] : memref<3072x1024xf32, #tpu.memory_space<hbm>> -> memref<8x1024xf32, #tpu.memory_space<hbm>>
    %dma_start3A_446 = arith.constant 88 : i32
    %dma_start3A_447 = arith.constant 0 : i32
    %dma_start3A_448 = tpu.memref_slice %arg6[%dma_start3A_446, %dma_start3A_447] : memref<96x1024xf32, #tpu.memory_space<vmem>> -> memref<8x1024xf32, #tpu.memory_space<vmem>>
    tpu.enqueue_dma source(%dma_start3A_448 : memref<8x1024xf32, #tpu.memory_space<vmem>>) target(%dma_start3A_445 : memref<8x1024xf32, #tpu.memory_space<hbm>>) target_semaphore(%arg30 : memref<!tpu.dma_semaphore, #tpu.memory_space<semaphore_mem>>)
    %dma_wait3A_449 = arith.constant 88 : i32
    %dma_wait3A_450 = arith.constant 0 : i32
    %dma_wait3A_451 = tpu.memref_slice %arg6[%dma_wait3A_449, %dma_wait3A_450] : memref<96x1024xf32, #tpu.memory_space<vmem>> -> memref<8x1024xf32, #tpu.memory_space<vmem>>
    %dma_wait3A_452 = arith.constant 0 : i32
    %dma_wait3A_453 = tpu.memref_slice %arg4[%add3A_438, %dma_wait3A_452] : memref<3072x1024xf32, #tpu.memory_space<hbm>> -> memref<8x1024xf32, #tpu.memory_space<hbm>>
    %dma_wait3A_454 = arith.constant 0 : i32
    %dma_wait3A_455 = tpu.memref_slice %arg4[%add3A_438, %dma_wait3A_454] : memref<3072x1024xf32, #tpu.memory_space<hbm>> -> memref<8x1024xf32, #tpu.memory_space<hbm>>
    %dma_wait3A_456 = arith.constant 88 : i32
    %dma_wait3A_457 = arith.constant 0 : i32
    %dma_wait3A_458 = tpu.memref_slice %arg6[%dma_wait3A_456, %dma_wait3A_457] : memref<96x1024xf32, #tpu.memory_space<vmem>> -> memref<8x1024xf32, #tpu.memory_space<vmem>>
    tpu.wait_dma2 semaphore(%arg30 : memref<!tpu.dma_semaphore, #tpu.memory_space<semaphore_mem>>) src(%dma_wait3A_458 : memref<8x1024xf32, #tpu.memory_space<vmem>>) dst(%dma_wait3A_455 : memref<8x1024xf32, #tpu.memory_space<hbm>>)
    return
  }
}

module attributes {stable_mosaic.version = 14 : i64} {
  func.func @_proj_kernel_next(%arg0: i32, %arg1: memref<8192x2048xf32, #tpu.memory_space<any>>, %arg2: memref<1024x1024xf32, #tpu.memory_space<vmem>>, %arg3: memref<1024x128xf32, #tpu.memory_space<vmem>>, %arg4: memref<128x1024xf32, #tpu.memory_space<vmem>>, %arg5: memref<2048x1024xbf16, #tpu.memory_space<vmem>>, %arg6: memref<1024x2048xf32, #tpu.memory_space<vmem>>) attributes {dimension_semantics = [#tpu.dimension_semantics<arbitrary>], iteration_bounds = array<i64: 5>, scalar_prefetch = 0 : i64, scratch_operands = 0 : i64, tpu.core_type = #tpu.core_type<tc>, window_params = [{}, {transform_indices = @transform_1, window_bounds = array<i64: 1024, 1024>}, {transform_indices = @transform_2, window_bounds = array<i64: 1024, 128>}, {pipeline_mode = #tpu.pipeline_mode<synchronous>, transform_indices = @transform_3, window_bounds = array<i64: 128, 1024>}, {pipeline_mode = #tpu.pipeline_mode<synchronous>, transform_indices = @transform_4, window_bounds = array<i64: 2048, 1024>}, {transform_indices = @transform_5, window_bounds = array<i64: 1024, 2048>}]} {
    %get3A = arith.constant 0 : index
    %get3A_0 = arith.constant 0 : index
    %get3A_1 = vector.load %arg2[%get3A, %get3A_0] : memref<1024x1024xf32, #tpu.memory_space<vmem>>, vector<1024x1024xf32>
    %get3A_2 = arith.constant 0 : index
    %get3A_3 = arith.constant 0 : index
    %get3A_4 = vector.load %arg3[%get3A_2, %get3A_3] : memref<1024x128xf32, #tpu.memory_space<vmem>>, vector<1024x128xf32>
    %get3A_5 = arith.constant 0 : index
    %get3A_6 = arith.constant 0 : index
    %get3A_7 = vector.load %arg4[%get3A_5, %get3A_6] : memref<128x1024xf32, #tpu.memory_space<vmem>>, vector<128x1024xf32>
    %dot_general3A = arith.constant dense<0.000000e+00> : vector<1024x1024xf32>
    %dot_general3A_8 = tpu.matmul %get3A_4, %get3A_7, %dot_general3A {dimension_numbers = #tpu.dot_dimension_numbers<[1], [0], [0], [1], [0, 0, 1, 1], [], []>, transpose_lhs_hint = false} : vector<1024x128xf32>, vector<128x1024xf32>, vector<1024x1024xf32> -> vector<1024x1024xf32>
    %add3A = arith.addf %get3A_1, %dot_general3A_8 : vector<1024x1024xf32>
    %convert_element_type3A = arith.truncf %add3A : vector<1024x1024xf32> to vector<1024x1024xbf16>
    %get3A_9 = arith.constant 0 : index
    %get3A_10 = arith.constant 0 : index
    %get3A_11 = vector.load %arg5[%get3A_9, %get3A_10] : memref<2048x1024xbf16, #tpu.memory_space<vmem>>, vector<2048x1024xbf16>
    %dot_general3A_12 = arith.constant dense<0.000000e+00> : vector<1024x2048xf32>
    %dot_general3A_13 = tpu.matmul %convert_element_type3A, %get3A_11, %dot_general3A_12 {dimension_numbers = #tpu.dot_dimension_numbers<[1], [1], [0], [0], [0, 0, 1, 0], [], []>, transpose_lhs_hint = false} : vector<1024x1024xbf16>, vector<2048x1024xbf16>, vector<1024x2048xf32> -> vector<1024x2048xf32>
    %mul3A = arith.constant 45.2548332 : f32
    %mul3A_14 = vector.broadcast %mul3A : f32 to vector<1024x2048xf32>
    %mul3A_15 = arith.mulf %dot_general3A_13, %mul3A_14 : vector<1024x2048xf32>
    %swap3A = arith.constant 0 : index
    %swap3A_16 = arith.constant 0 : index
    %swap3A_17 = vector.load %arg6[%swap3A, %swap3A_16] : memref<1024x2048xf32, #tpu.memory_space<vmem>>, vector<1024x2048xf32>
    tpu.vector_store %arg6[%swap3A, %swap3A_16], %mul3A_15 {strides = array<i32>} : memref<1024x2048xf32, #tpu.memory_space<vmem>>, vector<1024x2048xf32>,
    return
  }
  func.func @transform_1(%arg0: i32) -> (i32, i32) {
    %c0_i32 = arith.constant 0 : i32
    %c0_i32_0 = arith.constant 0 : i32
    return %arg0, %c0_i32 : i32, i32
  }
  func.func @transform_2(%arg0: i32) -> (i32, i32) {
    %add3A = arith.constant 3 : i32
    %add3A_0 = arith.addi %add3A, %arg0 : i32
    %c0_i32 = arith.constant 0 : i32
    %c0_i32_1 = arith.constant 0 : i32
    return %add3A_0, %c0_i32 : i32, i32
  }
  func.func @transform_3(%arg0: i32) -> (i32, i32) {
    %c0_i32 = arith.constant 0 : i32
    %c0_i32_0 = arith.constant 0 : i32
    %c0_i32_1 = arith.constant 0 : i32
    return %c0_i32, %c0_i32_0 : i32, i32
  }
  func.func @transform_4(%arg0: i32) -> (i32, i32) {
    %c0_i32 = arith.constant 0 : i32
    %c0_i32_0 = arith.constant 0 : i32
    %c0_i32_1 = arith.constant 0 : i32
    return %c0_i32, %c0_i32_0 : i32, i32
  }
  func.func @transform_5(%arg0: i32) -> (i32, i32) {
    %add3A = arith.constant 3 : i32
    %add3A_0 = arith.addi %add3A, %arg0 : i32
    %c0_i32 = arith.constant 0 : i32
    %c0_i32_1 = arith.constant 0 : i32
    return %add3A_0, %c0_i32 : i32, i32
  }
}

module attributes {stable_mosaic.version = 14 : i64} {
  func.func @_proj_kernel_first(%arg0: i32, %arg1: memref<1024x1024xf32, #tpu.memory_space<vmem>>, %arg2: memref<1024x128xf32, #tpu.memory_space<vmem>>, %arg3: memref<128x1024xf32, #tpu.memory_space<vmem>>, %arg4: memref<2048x1024xbf16, #tpu.memory_space<vmem>>, %arg5: memref<1024x2048xf32, #tpu.memory_space<vmem>>) attributes {dimension_semantics = [#tpu.dimension_semantics<arbitrary>], iteration_bounds = array<i64: 3>, scalar_prefetch = 0 : i64, scratch_operands = 0 : i64, tpu.core_type = #tpu.core_type<tc>, window_params = [{transform_indices = @transform_0, window_bounds = array<i64: 1024, 1024>}, {transform_indices = @transform_1, window_bounds = array<i64: 1024, 128>}, {pipeline_mode = #tpu.pipeline_mode<synchronous>, transform_indices = @transform_2, window_bounds = array<i64: 128, 1024>}, {pipeline_mode = #tpu.pipeline_mode<synchronous>, transform_indices = @transform_3, window_bounds = array<i64: 2048, 1024>}, {transform_indices = @transform_4, window_bounds = array<i64: 1024, 2048>}]} {
    %get3A = arith.constant 0 : index
    %get3A_0 = arith.constant 0 : index
    %get3A_1 = vector.load %arg1[%get3A, %get3A_0] : memref<1024x1024xf32, #tpu.memory_space<vmem>>, vector<1024x1024xf32>
    %get3A_2 = arith.constant 0 : index
    %get3A_3 = arith.constant 0 : index
    %get3A_4 = vector.load %arg2[%get3A_2, %get3A_3] : memref<1024x128xf32, #tpu.memory_space<vmem>>, vector<1024x128xf32>
    %get3A_5 = arith.constant 0 : index
    %get3A_6 = arith.constant 0 : index
    %get3A_7 = vector.load %arg3[%get3A_5, %get3A_6] : memref<128x1024xf32, #tpu.memory_space<vmem>>, vector<128x1024xf32>
    %dot_general3A = arith.constant dense<0.000000e+00> : vector<1024x1024xf32>
    %dot_general3A_8 = tpu.matmul %get3A_4, %get3A_7, %dot_general3A {dimension_numbers = #tpu.dot_dimension_numbers<[1], [0], [0], [1], [0, 0, 1, 1], [], []>, transpose_lhs_hint = false} : vector<1024x128xf32>, vector<128x1024xf32>, vector<1024x1024xf32> -> vector<1024x1024xf32>
    %add3A = arith.addf %get3A_1, %dot_general3A_8 : vector<1024x1024xf32>
    %convert_element_type3A = arith.truncf %add3A : vector<1024x1024xf32> to vector<1024x1024xbf16>
    %get3A_9 = arith.constant 0 : index
    %get3A_10 = arith.constant 0 : index
    %get3A_11 = vector.load %arg4[%get3A_9, %get3A_10] : memref<2048x1024xbf16, #tpu.memory_space<vmem>>, vector<2048x1024xbf16>
    %dot_general3A_12 = arith.constant dense<0.000000e+00> : vector<1024x2048xf32>
    %dot_general3A_13 = tpu.matmul %convert_element_type3A, %get3A_11, %dot_general3A_12 {dimension_numbers = #tpu.dot_dimension_numbers<[1], [1], [0], [0], [0, 0, 1, 0], [], []>, transpose_lhs_hint = false} : vector<1024x1024xbf16>, vector<2048x1024xbf16>, vector<1024x2048xf32> -> vector<1024x2048xf32>
    %mul3A = arith.constant 45.2548332 : f32
    %mul3A_14 = vector.broadcast %mul3A : f32 to vector<1024x2048xf32>
    %mul3A_15 = arith.mulf %dot_general3A_13, %mul3A_14 : vector<1024x2048xf32>
    %swap3A = arith.constant 0 : index
    %swap3A_16 = arith.constant 0 : index
    %swap3A_17 = vector.load %arg5[%swap3A, %swap3A_16] : memref<1024x2048xf32, #tpu.memory_space<vmem>>, vector<1024x2048xf32>
    tpu.vector_store %arg5[%swap3A, %swap3A_16], %mul3A_15 {strides = array<i32>} : memref<1024x2048xf32, #tpu.memory_space<vmem>>, vector<1024x2048xf32>,
    return
  }
  func.func @transform_0(%arg0: i32) -> (i32, i32) {
    %c0_i32 = arith.constant 0 : i32
    %c0_i32_0 = arith.constant 0 : i32
    return %arg0, %c0_i32 : i32, i32
  }
  func.func @transform_1(%arg0: i32) -> (i32, i32) {
    %add3A = arith.constant 0 : i32
    %add3A_0 = arith.addi %add3A, %arg0 : i32
    %c0_i32 = arith.constant 0 : i32
    %c0_i32_1 = arith.constant 0 : i32
    return %add3A_0, %c0_i32 : i32, i32
  }
  func.func @transform_2(%arg0: i32) -> (i32, i32) {
    %c0_i32 = arith.constant 0 : i32
    %c0_i32_0 = arith.constant 0 : i32
    %c0_i32_1 = arith.constant 0 : i32
    return %c0_i32, %c0_i32_0 : i32, i32
  }
  func.func @transform_3(%arg0: i32) -> (i32, i32) {
    %c0_i32 = arith.constant 0 : i32
    %c0_i32_0 = arith.constant 0 : i32
    %c0_i32_1 = arith.constant 0 : i32
    return %c0_i32, %c0_i32_0 : i32, i32
  }
  func.func @transform_4(%arg0: i32) -> (i32, i32) {
    %add3A = arith.constant 0 : i32
    %add3A_0 = arith.addi %add3A, %arg0 : i32
    %c0_i32 = arith.constant 0 : i32
    %c0_i32_1 = arith.constant 0 : i32
    return %add3A_0, %c0_i32 : i32, i32
  }
}

</mosaic_0001>

<sc_bundles>
// kernel: kernel.6.cloned.1.call-start
scs
__scs_entry_jumppad:
0x0: {  	(pc) =	sbr.rel $0x88, $3  }
0x1: {  	(tag) =	ssettag $0x0;
	lr =	simm.s32 $0x1  }
0x2: {  	[smem:$0x3F9C] =	sst lr;
	_ =	strace $0xD0000000  }
0x3: {  	_ = 	snop  }
0x4: {  	_ = 	snop  }
0x5: {  	_ = 	snop  }
0x6: {  	_ = 	snop  }
0x7: {  	_ = 	snop  }
__scs_overlays_trampoline_lowered:
0x8: {  	[smem:$0x3FAB] =	sst s0  }
0x9: {  	[smem:$0x3FAC] =	sst s1  }
0xa: {  	[smem:$0x3FAD] =	sst s2  }
0xb: {  	[smem:$0x3FAE] =	sst s3  }
0xc: {  	[smem:$0x3FAF] =	sst s4  }
0xd: {  	[smem:$0x3FB0] =	sst s5  }
0xe: {  	[smem:$0x3FB1] =	sst s6  }
0xf: {  	[smem:$0x3FB2] =	sst s7  }
0x10: {  	[smem:$0x3FB3] =	sst s8  }
0x11: {  	[smem:$0x3FB4] =	sst s9;
	s0 =	simm.s32 @!p0 $0x0  }
0x12: {  	s1 =	sld [smem:$0x3F9A];
	s0 =	simm.s32 @p0 $0x1  }
0x13: {  	[smem:$0x3FB5] =	sst s0;
	s0 =	simm.s32 @!p1 $0x0  }
0x14: {  	s2 =	sld [smem:$0x3F99];
	s0 =	simm.s32 @p1 $0x1  }
0x15: {  	[smem:$0x3FB6] =	sst s0;
	s0 =	simm.s32 @!p2 $0x0  }
0x16: {  	s3 =	sld [smem:$0x3FDB];
	s0 =	simm.s32 @p2 $0x1  }
0x17: {  	s4 =	simm.s32 $0x1BF5;
	[smem:$0x3FB8] =	sst s0  }
0x18: {  	s0 =	sld [smem:$0x3F9B];
	_ =	swait.ge [sflag:s4], $0x0  }
0x19: {  	s7 =	sld [smem:$0x3F9C]  }
0x1a: {  	s8 =	sadd.s32 $0xFFFFE003, lr  }
0x1b: {  	s9 =	sadd.s32 $0xFFFFFEF7, lr;
	s5 =	simm.s32 $0xFFFFFFFF;
	p2 =	slt.u32 s8, $0xFFFFF086  }
0x1c: {  	p1 =	slt.u32 s9, $0xF7A;
	s5 =	simm.s32 @!p2 $0x0  }
0x1d: {  	s5 =	simm.s32 @p1 $0x1;
	p0 =	seq.s32 s7, s2  }
0x1e: {  	s7 =	smul.u32 @!p0 $0xF7A, s2;
	p2 =	seq.s32 @!p0 s5, $0x0  }
0x1f: {  	s9 =	smul.u32 $0xF7A, s1;
	s8 =	simm.s32 @!p0 $0x1BF5;
	p2 =	por !p2, p0  }
0x20: {  	[sflag:s8] =	ssyncset.s32 @!p0 $0xFFFFF086;
	s6 =	sadd.s32 @!p0 s3, s7;
	s7 =	simm.s32 @!p0 $0x108  }
0x21: {  	s3 =	sadd.s32 s3, s9;
	s6 =	sadd.s32 @!p0 $0x88, s6;
	s7 =	simm.s32 @p2 $0x1082  }
0x22: {  	[simem:s7], [sflag:s8] =	dma.local @!p0 [hbm:s6], $0xF7A  }
0x23: {  	s9 =	sor.u32 $0xD0000000, s2;
	s6 =	simm.s32 $0x108;
	_ =	swait.ge @!p0 [sflag:s8], $0x0  }
0x24: {  	s3 =	sadd.s32 $0x88, s3;
	s6 =	simm.s32 @!p1 $0x1082;
	[sflag:s4] =	ssyncset.s32 $0xFFFFF086  }
0x25: {  	[simem:s6], [sflag:s4] =	dma.local [hbm:s3], $0xF7A  }
0x26: {  	[smem:$0x3F9C] =	sst s1;
	(tag) =	ssettag s2;
	_ =	strace s9  }
0x27: {  	s1 =	sld [smem:$0x3FAC]  }
0x28: {  	s2 =	sld [smem:$0x3FAD]  }
0x29: {  	s4 =	sld [smem:$0x3FAF]  }
0x2a: {  	p0 =	seq.s32 s5, $0x0;
	s5 =	sld [smem:$0x3FB0]  }
0x2b: {  	s6 =	sld [smem:$0x3FB1]  }
0x2c: {  	s7 =	sld [smem:$0x3FB2]  }
0x2d: {  	s3 =	simm.s32 $0x108;
	s8 =	sld [smem:$0x3FB3]  }
0x2e: {  	s3 =	simm.s32 @!p0 $0x1082;
	s9 =	sld [smem:$0x3FB4]  }
0x2f: {  	lr =	sadd.s32 s0, s3;
	s0 =	sld [smem:$0x3FAB]  }
0x30: {  	s3 =	sld [smem:$0x3FAE]  }
0x31: {  	[smem:$0x3FB7] =	sst s10  }
0x32: {  	s10 =	sld [smem:$0x3FB5];
	_ =	sdelay $0x3  }
0x33: {  	p0 =	seq.s32 s10, $0x1;
	s10 =	sld [smem:$0x3FB7];
	_ =	sdelay $0x3  }
0x34: {  	[smem:$0x3FB7] =	sst s10  }
0x35: {  	s10 =	sld [smem:$0x3FB6];
	_ =	sdelay $0x3  }
0x36: {  	p1 =	seq.s32 s10, $0x1;
	s10 =	sld [smem:$0x3FB7];
	_ =	sdelay $0x3  }
0x37: {  	[smem:$0x3FB7] =	sst s10  }
0x38: {  	s10 =	sld [smem:$0x3FB8]  }
0x39: {  	_ = 	snop;
	(pc) =	sbr.ind lr, $3  }
0x3a: {  	_ = 	snop  }
0x3b: {  	_ = 	snop  }
0x3c: {  	p2 =	seq.s32 s10, $0x1;
	s10 =	sld [smem:$0x3FB7]  }
0x3d: {  	_ =	shalt  }
0x3e: {  	_ =	shalt  }
0x3f: {  	_ =	shalt  }
0x40: {  	_ =	shalt  }
0x41: {  	_ =	shalt  }
0x42: {  	_ =	shalt  }
0x43: {  	_ =	shalt  }
0x44: {  	_ =	shalt  }
0x45: {  	_ =	shalt  }
0x46: {  	_ =	shalt  }
0x47: {  	_ =	shalt  }
0x48: {  	_ =	shalt  }
0x49: {  	_ =	shalt  }
0x4a: {  	_ =	shalt  }
0x4b: {  	_ =	shalt  }
0x4c: {  	_ =	shalt  }
0x4d: {  	_ =	shalt  }
0x4e: {  	_ =	shalt  }
0x4f: {  	_ =	shalt  }
0x50: {  	_ =	shalt  }
0x51: {  	_ =	shalt  }
0x52: {  	_ =	shalt  }
0x53: {  	_ =	shalt  }
0x54: {  	_ =	shalt  }
0x55: {  	_ =	shalt  }
0x56: {  	_ =	shalt  }
0x57: {  	_ =	shalt  }
0x58: {  	_ =	shalt  }
0x59: {  	_ =	shalt  }
0x5a: {  	_ =	shalt  }
0x5b: {  	_ =	shalt  }
0x5c: {  	_ =	shalt  }
0x5d: {  	_ =	shalt  }
0x5e: {  	_ =	shalt  }
0x5f: {  	_ =	shalt  }
0x60: {  	_ =	shalt  }
0x61: {  	_ =	shalt  }
0x62: {  	_ =	shalt  }
0x63: {  	_ =	shalt  }
0x64: {  	_ =	shalt  }
0x65: {  	_ =	shalt  }
0x66: {  	_ =	shalt  }
0x67: {  	_ =	shalt  }
0x68: {  	_ =	shalt  }
0x69: {  	_ =	shalt  }
0x6a: {  	_ =	shalt  }
0x6b: {  	_ =	shalt  }
0x6c: {  	_ =	shalt  }
0x6d: {  	_ =	shalt  }
0x6e: {  	_ =	shalt  }
0x6f: {  	_ =	shalt  }
0x70: {  	_ =	shalt  }
0x71: {  	_ =	shalt  }
0x72: {  	_ =	shalt  }
0x73: {  	_ =	shalt  }
0x74: {  	_ =	shalt  }
0x75: {  	_ =	shalt  }
0x76: {  	_ =	shalt  }
0x77: {  	_ =	shalt  }
0x78: {  	_ =	shalt  }
0x79: {  	_ =	shalt  }
0x7a: {  	_ =	shalt  }
0x7b: {  	_ =	shalt  }
0x7c: {  	_ =	shalt  }
0x7d: {  	_ =	shalt  }
0x7e: {  	_ =	shalt  }
0x7f: {  	_ =	shalt  }
0x80: {  	_ =	shalt  }
0x81: {  	_ =	shalt  }
0x82: {  	_ =	shalt  }
0x83: {  	_ =	shalt  }
0x84: {  	_ =	shalt  }
0x85: {  	_ =	shalt  }
0x86: {  	_ =	shalt  }
0x87: {  	_ =	shalt  }
.Lfunc_end0:
.L_simem_size_0:
called_computation_lowered:
.L_overlay_start_0:
0x88: {  	s2 =	sld [smem:$0x3FD9]  }
0x89: {  	s3 =	sld [smem:$0x3FFE];
	_ =	sdelay $0x1  }
0x8a: {  	s1 =	srdreg.scid  }
0x8b: {  	s0 =	sand.u32 $0x1, s1  }
0x8c: {  	s17 =	sshll.u32 s0, $0xA;
	s2 =	sadd.s32 s3, s2  }
0x8d: {  	s2 =	sadd.s32 s2, s17  }
0x8e: {  	[smem:$0x3FC3] =	sst s2  }
0x8f: {  	_ = 	snop  }
0x90: {  	s2 =	sld [smem:$0x3FC7]  }
0x91: {  	s18 =	sld [smem:$0x3FD0];
	(tm) =	ssettm $0x1  }
0x92: {  	s4 =	sld [smem:$0x3FFB];
	_ =	sdelay $0x3  }
0x93: {  	_ =	strace s4  }
0x94: {  	s4 =	sld [smem:$0x3FFC];
	_ =	sdelay $0x3  }
0x95: {  	_ =	strace s4  }
0x96: {  	s4 =	sld [smem:$0x3FFD];
	_ =	sdelay $0x3  }
0x97: {  	_ =	strace s4  }
0x98: {  	_ =	strace $0x8FFFFFFF  }
0x99: {  	s19 =	sld [smem:$0x3FDB];
	_ =	sdelay $0x1  }
0x9a: {  	s5 =	simm.s32 $_scs_section_size  }
0x9b: {  	s6 =	simm.s32 $_size__tile_overlayer_lowered;
	s7 =	simm.s32 $_tile_overlayer_lowered  }
0x9c: {  	s22 =	simm.s32 $0x1BFF;
	s21 =	sshll.u32 s7, $0x1;
	s4 =	sadd.s32 s5, s19  }
0x9d: {  	s8 =	simm.s32 $0x0;
	s20 =	sshll.u32 s6, $0x1;
	s6 =	sadd.s32 s21, s4  }
0x9e: {  	[timem:s8], [sflag:s22] =	dma.local [hbm:s6], s20  }
0x9f: {  	_ =	swait.ge [sflag:s22], s20  }
0xa0: {  	s5 =	ssub.s32 $0x0, s20;
	[sflag:s22] =	ssyncset.done $0x0  }
0xa1: {  	[sflag:s22] =	ssyncadd.s32 s5;
	_ =	sdelay $0x1  }
0xa2: {  	s23 =	simm.s32 $0x1B8B  }
0xa3: {  	_ =	swait.ge [sflag:s23], $0x1  }
0xa4: {  	[sflag:s23] =	ssyncset.done $0x0  }
0xa5: {  	s25 =	simm.s32 $0x1B8E;
	s24 =	sld [smem:$0x3FFE];
	[sflag:s23] =	ssyncadd.s32 $0xFFFFFFFF  }
0xa6: {  	s26 =	simm.s32 $execute0_lowered;
	[smem:$0x3FD2] =	sst s25  }
0xa7: {  	s6 =	sshll.u32 s26, $0x1;
	_ =	strace $0x80000046;
	[dreg:$0x1] =	wrdreg $0xFFFFFFFF  }
0xa8: {  	s28 =	simm.s32 $_size_execute0_lowered;
	s4 =	sadd.s32 s4, s6;
	[dreg:$0x0] =	wrdreg $0x0  }
0xa9: {  	s6 =	sshll.u32 s28, $0x1;
	[dreg:$0x2] =	wrdreg s4  }
0xaa: {  	[dreg:$0x3] =	wrdreg s6  }
0xab: {  	[dreg:$0x4] =	wrdreg $0xC0  }
0xac: {  	_ =	task [dreg:s8], $0x5FFFF  }
0xad: {  	[dreg:$0x1] =	wrdreg $0xFFFFFFFF  }
0xae: {  	[dreg:$0x0] =	wrdreg $0x60  }
0xaf: {  	[dreg:$0x2] =	wrdreg s2  }
0xb0: {  	[dreg:$0x3] =	wrdreg s24  }
0xb1: {  	[dreg:$0x4] =	wrdreg s18  }
0xb2: {  	[dreg:$0x5] =	wrdreg $0x9  }
0xb3: {  	_ =	task.clear_ibuf [dreg:s8], $0x6FFFF;
	_ =	strace $0x90000046  }
0xb4: {  	s29 =	simm.s32 $0x9;
	_ =	strace $0x80000048  }
0xb5: {  	_ =	swait.ge [sflag:s29], $0x1  }
0xb6: {  	[sflag:s29] =	ssyncadd.s32 $0xFFFFFFFF  }
0xb7: {  	_ =	strace $0x90000048  }
0xb8: {  	_ =	sfence  }
0xb9: {  	s30 =	sld [smem:$0x0];
	_ =	sdelay $0x2  }
0xba: {  	s31 =	sshll.u32 s1, $0xD;
	s1 =	sshrl.u32 s1, $0x2  }
0xbb: {  	s3 =	sand.u32 $0x4000, s31;
	s1 =	sadd.s32 s1, s30  }
0xbc: {  	s0 =	sor.u32 s3, s0;
	s1 =	sshll.u32 s1, $0x11  }
0xbd: {  	s0 =	sor.u32 s1, s0  }
0xbe: {  	s0 =	sadd.s32 $0x8F2B, s0  }
0xbf: {  	[sflag:s0] =	ssyncadd.remote.s32 $0x1  }
0xc0: {  	_ =	sfence.sel $0xFFFF  }
0xc1: {  	[dreg:$0x0] =	wrdreg $0xFFFFFFFF;
	(pc) =	sbr.abs _section_cstart, $3  }
0xc2: {  	[dreg:$0x1] =	wrdreg $0xFFFFFFFF  }
0xc3: {  	_ =	task.clear_ibuf [dreg:s8], $0x2FFFF;
	_ =	strace $0x9FFFFFFF  }
0xc4: {  	(tm) =	ssettm $0x7FFFFFFF  }
0xc5: {  	_ =	shalt  }
tec
execute0_lowered:
.L_overlay_start_1:
0x0: {  	(tag) =	ssettag $0x1  }
0x1: {  	s1 =	rddreg [dreg:$0x0]  }
0x2: {  	s0 =	srdreg.scid;
	s3 =	stileid.u32  }
0x3: {  	s2 =	rddreg [dreg:$0x1];
	s0 =	sand.u32 $0x1, s0;
	s3 =	sshll.u32 s3, $0x1  }
0x4: {  	s4 =	rddreg [dreg:$0x2];
	s5 =	sor.u32 s0, s3;
	s3 =	simm.s32 $0x0  }
0x5: {  	s13 =	simm.s32 $0x880;
	[smem:$0x7FF] =	sst s3  }
0x6: {  	s14 =	simm.s32 $0x1080;
	_ =	strace $0x80000047;
	[dreg:$0x10] =	wrdreg s13  }
0x7: {  	s15 =	simm.s32 $0x1880;
	[dreg:$0x11] =	wrdreg s14  }
0x8: {  	s16 =	simm.s32 $0x2880;
	[dreg:$0x12] =	wrdreg s15  }
0x9: {  	s17 =	simm.s32 $0x3080;
	[dreg:$0x13] =	wrdreg s16  }
0xa: {  	s18 =	simm.s32 $0x3880;
	[dreg:$0x14] =	wrdreg s17  }
0xb: {  	s19 =	simm.s32 $0x4880;
	[dreg:$0x15] =	wrdreg s18  }
0xc: {  	s20 =	simm.s32 $0x5080;
	[dreg:$0x16] =	wrdreg s19  }
0xd: {  	s21 =	simm.s32 $0x5880;
	[dreg:$0x17] =	wrdreg s20  }
0xe: {  	s22 =	simm.s32 $0x6880;
	[dreg:$0x18] =	wrdreg s21  }
0xf: {  	[dreg:$0x19] =	wrdreg s22;
	s13 =	simm.s32 $0xF080  }
0x10: {  	s14 =	simm.s32 $0xF880;
	[smem:$0x7F0] =	sst s13  }
0x11: {  	s15 =	simm.s32 $0x10880;
	[smem:$0x7F1] =	sst s14  }
0x12: {  	s16 =	simm.s32 $0x11080;
	[smem:$0x7F2] =	sst s15  }
0x13: {  	s17 =	simm.s32 $0x11880;
	[smem:$0x7F3] =	sst s16  }
0x14: {  	s18 =	simm.s32 $0x12880;
	[smem:$0x7F4] =	sst s17  }
0x15: {  	s19 =	simm.s32 $0x13080;
	[smem:$0x7F5] =	sst s18  }
0x16: {  	s6 =	smul.u32 $0xC, s5;
	s20 =	simm.s32 $0x13880;
	[smem:$0x7F6] =	sst s19  }
0x17: {  	s7 =	smul.u32 $0x3000, s5;
	s21 =	simm.s32 $0x14880;
	[smem:$0x7F7] =	sst s20  }
0x18: {  	s22 =	simm.s32 $0x15080;
	[smem:$0x7F8] =	sst s21  }
0x19: {  	s2 =	sadd.s32 s6, s2;
	s23 =	sadd.s32 s4, s7;
	[smem:$0x7F9] =	sst s22  }
0x1a: {  	s2 =	sadd.s32 $0x1000, s2;
	[smem:$0x7E9] =	sst s23  }
0x1b: {  	s5 =	smul.u32 $0x18000, s5;
	s24 =	sadd.s32 $0x400, s23;
	[dreg:$0x4] =	wrdreg s2  }
0x1c: {  	s25 =	sadd.s32 $0x800, s23;
	[dreg:$0x5] =	wrdreg s24  }
0x1d: {  	s5 =	sshrl.u32 s5, $0x3;
	s26 =	sadd.s32 $0xC00, s23;
	[dreg:$0x6] =	wrdreg s25  }
0x1e: {  	s4 =	sadd.s32 s4, s5;
	s23 =	simm.s32 $0x7080;
	[dreg:$0x7] =	wrdreg s26  }
0x1f: {  	s5 =	sadd.s32 $0x1000, s4;
	[dreg:$0x1a] =	wrdreg s23  }
0x20: {  	s28 =	simm.s32 $0x8080;
	s6 =	sadd.s32 $0x1400, s4;
	[dreg:$0x8] =	wrdreg s5  }
0x21: {  	s29 =	simm.s32 $0xA080;
	s7 =	sadd.s32 $0x1800, s4;
	[dreg:$0x9] =	wrdreg s6  }
0x22: {  	s30 =	simm.s32 $0xC080;
	s8 =	sadd.s32 $0x1C00, s4;
	[dreg:$0xa] =	wrdreg s7  }
0x23: {  	s31 =	simm.s32 $0xE080;
	s9 =	sadd.s32 $0x2000, s4;
	[dreg:$0xb] =	wrdreg s8  }
0x24: {  	s0 =	ssub.s32 $0x2, s0;
	s10 =	sadd.s32 $0x2400, s4;
	[dreg:$0xc] =	wrdreg s9  }
0x25: {  	s13 =	simm.s32 $0x14;
	s11 =	sadd.s32 $0x2800, s4;
	[dreg:$0xd] =	wrdreg s10  }
0x26: {  	s14 =	simm.s32 $0x9;
	s12 =	sadd.s32 $0x2C00, s4;
	[dreg:$0xe] =	wrdreg s11  }
0x27: {  	s15 =	simm.s32 $0x15;
	s24 =	simm.s32 $0x7880;
	[dreg:$0xf] =	wrdreg s12  }
0x28: {  	s16 =	simm.s32 $0xA;
	s25 =	simm.s32 $0x8880;
	[dreg:$0x1b] =	wrdreg s24  }
0x29: {  	s17 =	simm.s32 $0x16;
	s26 =	simm.s32 $0x9080;
	[dreg:$0x1c] =	wrdreg s25  }
0x2a: {  	s18 =	simm.s32 $0xB;
	s4 =	simm.s32 $0x9880;
	[dreg:$0x1d] =	wrdreg s26  }
0x2b: {  	s19 =	simm.s32 $0x17;
	s23 =	simm.s32 $0x15880;
	[dreg:$0x1e] =	wrdreg s4  }
0x2c: {  	s20 =	simm.s32 $0xC;
	s5 =	simm.s32 $0xA880;
	[smem:$0x7FA] =	sst s23  }
0x2d: {  	s21 =	simm.s32 $0x18;
	s6 =	simm.s32 $0xB080;
	[dreg:$0x1f] =	wrdreg s5  }
0x2e: {  	s2 =	simm.s32 $0x10080;
	s7 =	simm.s32 $0xB880;
	[smem:$0x7EA] =	sst s6  }
0x2f: {  	s8 =	simm.s32 $0xC880;
	s9 =	sshrl.u32 s0, $0x1;
	[smem:$0x7EB] =	sst s7  }
0x30: {  	s10 =	simm.s32 $0xD080;
	s11 =	simm.s32 $0xD880;
	[smem:$0x7EC] =	sst s8  }
0x31: {  	s12 =	simm.s32 $0xE880;
	s24 =	simm.s32 $0x16880;
	[smem:$0x7ED] =	sst s10  }
0x32: {  	s25 =	simm.s32 $0x17080;
	s26 =	simm.s32 $0x17880;
	[smem:$0x7EE] =	sst s11  }
0x33: {  	s23 =	simm.s32 $0x80;
	s4 =	simm.s32 $0x14080;
	[smem:$0x7EF] =	sst s12  }
0x34: {  	s0 =	ssub.s32 s0, s9;
	s5 =	sadd.s32 $0x100, s1;
	[smem:$0x7FB] =	sst s24  }
0x35: {  	s6 =	sadd.s32 $0x200, s1;
	s7 =	sadd.s32 $0x300, s1;
	[smem:$0x7FC] =	sst s25  }
0x36: {  	v0 =	vlaneseq.u32;
	[smem:$0x7FD] =	sst s26;
	s11 =	simm.s32 $0x13;
	s12 =	simm.s32 $0x8  }
0x37: {  	v1 =	vshrl.u32 v0, $0x3;
	s24 =	simm.s32 $0x2080;
	s25 =	simm.s32 $0x4080;
	s26 =	simm.s32 $0x6080  }
0x38: {  	vm0 =	vmmov $0xffff;
	v0 =	vand.u32 $0x7, v0;
	v1 =	vmul.u32 $0x8, v1;
	s10 =	simm.s32 $0x16080;
	s8 =	smax.u32 s0, $0x1;
	s0 =	simm.s32 $0x12080  }
.LBB2_1:
0x39: {  	s9 =	rddreg [dreg:$0x4];
	s22 =	simm.s32 $0x19  }
0x3a: {  	[tilespmem:s3], [sflag:$0x19] =	stream.linear.gather [hbm4b:s9+s3], $0x60, $0x38;
	[tilespmem:$0x18080] =	vst v63  }
0x3b: {  	_ =	swait.ge [sflag:s22], $0x60  }
0x3c: {  	[sflag:s22] =	ssyncset.done $0x0  }
0x3d: {  	[sflag:s22] =	ssyncadd.s32 $0xFFFFFFA0  }
0x3e: {  	v2 =	vld.msk [tilespmem:$0x0], $0xff;
	_ =	sdelay $0x4  }
0x3f: {  	v3 =	vshll.u32 v2, $0x3  }
0x40: {  	v2 =	vand.u32 $0x7, v2;
	v3 =	vand.u32 $0xFFFFFFC0, v3  }
0x41: {  	v2 =	vor.u32 v2, v3  }
0x42: {  	v2 =	vperm.xlane v2, v0;
	_ =	sdelay $0x1  }
0x43: {  	v2 =	vadd.s32 v1, v2;
	_ =	sdelay $0x4  }
0x44: {  	[tilespmem:s23], [sflag:$0x1] =	stream.indirect_vreg.gather [hbm4b:s1+s3], $0x80, v2, vm0, $0xb8;
	[tilespmem:$0x18080] =	vst v63  }
0x45: {  	s9 =	rddreg [dreg:$0x10]  }
0x46: {  	[tilespmem:s9], [sflag:$0x1] =	stream.indirect_vreg.gather [hbm4b:s5+s3], $0x80, v2, vm0, $0xb8;
	[tilespmem:$0x18080] =	vst v63  }
0x47: {  	s22 =	rddreg [dreg:$0x11]  }
0x48: {  	[tilespmem:s22], [sflag:$0x1] =	stream.indirect_vreg.gather [hbm4b:s6+s3], $0x80, v2, vm0, $0xb8;
	[tilespmem:$0x18080] =	vst v63  }
0x49: {  	s9 =	rddreg [dreg:$0x12]  }
0x4a: {  	[tilespmem:s9], [sflag:$0x1] =	stream.indirect_vreg.gather [hbm4b:s7+s3], $0x80, v2, vm0, $0xb8;
	[tilespmem:$0x18080] =	vst v63  }
0x4b: {  	v2 =	vld.msk [tilespmem:$0x8], $0xff;
	_ =	sdelay $0x4  }
0x4c: {  	v3 =	vshll.u32 v2, $0x3  }
0x4d: {  	v2 =	vand.u32 $0x7, v2;
	v3 =	vand.u32 $0xFFFFFFC0, v3  }
0x4e: {  	v2 =	vor.u32 v2, v3  }
0x4f: {  	v2 =	vperm.xlane v2, v0;
	_ =	sdelay $0x1  }
0x50: {  	v2 =	vadd.s32 v1, v2;
	_ =	sdelay $0x4  }
0x51: {  	[tilespmem:s24], [sflag:$0x2] =	stream.indirect_vreg.gather [hbm4b:s1+s3], $0x80, v2, vm0, $0xb8;
	[tilespmem:$0x18080] =	vst v63  }
0x52: {  	s9 =	rddreg [dreg:$0x13]  }
0x53: {  	[tilespmem:s9], [sflag:$0x2] =	stream.indirect_vreg.gather [hbm4b:s5+s3], $0x80, v2, vm0, $0xb8;
	[tilespmem:$0x18080] =	vst v63  }
0x54: {  	s22 =	rddreg [dreg:$0x14]  }
0x55: {  	[tilespmem:s22], [sflag:$0x2] =	stream.indirect_vreg.gather [hbm4b:s6+s3], $0x80, v2, vm0, $0xb8;
	[tilespmem:$0x18080] =	vst v63  }
0x56: {  	s9 =	rddreg [dreg:$0x15]  }
0x57: {  	[tilespmem:s9], [sflag:$0x2] =	stream.indirect_vreg.gather [hbm4b:s7+s3], $0x80, v2, vm0, $0xb8;
	[tilespmem:$0x18080] =	vst v63  }
0x58: {  	v2 =	vld.msk [tilespmem:$0x10], $0xff;
	_ =	sdelay $0x4  }
0x59: {  	v3 =	vshll.u32 v2, $0x3  }
0x5a: {  	v2 =	vand.u32 $0x7, v2;
	v3 =	vand.u32 $0xFFFFFFC0, v3  }
0x5b: {  	v2 =	vor.u32 v2, v3  }
0x5c: {  	v2 =	vperm.xlane v2, v0;
	_ =	sdelay $0x1  }
0x5d: {  	v2 =	vadd.s32 v1, v2;
	_ =	sdelay $0x4  }
0x5e: {  	[tilespmem:s25], [sflag:$0x3] =	stream.indirect_vreg.gather [hbm4b:s1+s3], $0x80, v2, vm0, $0xb8;
	[tilespmem:$0x18080] =	vst v63  }
0x5f: {  	s9 =	rddreg [dreg:$0x16]  }
0x60: {  	[tilespmem:s9], [sflag:$0x3] =	stream.indirect_vreg.gather [hbm4b:s5+s3], $0x80, v2, vm0, $0xb8;
	[tilespmem:$0x18080] =	vst v63  }
0x61: {  	s22 =	rddreg [dreg:$0x17]  }
0x62: {  	[tilespmem:s22], [sflag:$0x3] =	stream.indirect_vreg.gather [hbm4b:s6+s3], $0x80, v2, vm0, $0xb8;
	[tilespmem:$0x18080] =	vst v63  }
0x63: {  	s9 =	rddreg [dreg:$0x18]  }
0x64: {  	[tilespmem:s9], [sflag:$0x3] =	stream.indirect_vreg.gather [hbm4b:s7+s3], $0x80, v2, vm0, $0xb8;
	[tilespmem:$0x18080] =	vst v63  }
0x65: {  	v2 =	vld.msk [tilespmem:$0x18], $0xff;
	_ =	sdelay $0x4  }
0x66: {  	v3 =	vshll.u32 v2, $0x3  }
0x67: {  	v2 =	vand.u32 $0x7, v2;
	v3 =	vand.u32 $0xFFFFFFC0, v3  }
0x68: {  	v2 =	vor.u32 v2, v3  }
0x69: {  	v2 =	vperm.xlane v2, v0;
	_ =	sdelay $0x1  }
0x6a: {  	v2 =	vadd.s32 v1, v2;
	_ =	sdelay $0x4  }
0x6b: {  	[tilespmem:s26], [sflag:$0x4] =	stream.indirect_vreg.gather [hbm4b:s1+s3], $0x80, v2, vm0, $0xb8;
	[tilespmem:$0x18080] =	vst v63  }
0x6c: {  	s9 =	rddreg [dreg:$0x19]  }
0x6d: {  	[tilespmem:s9], [sflag:$0x4] =	stream.indirect_vreg.gather [hbm4b:s5+s3], $0x80, v2, vm0, $0xb8;
	[tilespmem:$0x18080] =	vst v63  }
0x6e: {  	s22 =	rddreg [dreg:$0x1a]  }
0x6f: {  	[tilespmem:s22], [sflag:$0x4] =	stream.indirect_vreg.gather [hbm4b:s6+s3], $0x80, v2, vm0, $0xb8;
	[tilespmem:$0x18080] =	vst v63  }
0x70: {  	s9 =	rddreg [dreg:$0x1b]  }
0x71: {  	[tilespmem:s9], [sflag:$0x4] =	stream.indirect_vreg.gather [hbm4b:s7+s3], $0x80, v2, vm0, $0xb8;
	[tilespmem:$0x18080] =	vst v63  }
0x72: {  	v2 =	vld.msk [tilespmem:$0x20], $0xff;
	_ =	sdelay $0x4  }
0x73: {  	v3 =	vshll.u32 v2, $0x3  }
0x74: {  	v2 =	vand.u32 $0x7, v2;
	v3 =	vand.u32 $0xFFFFFFC0, v3  }
0x75: {  	v2 =	vor.u32 v2, v3  }
0x76: {  	v2 =	vperm.xlane v2, v0;
	_ =	sdelay $0x1  }
0x77: {  	v2 =	vadd.s32 v1, v2;
	_ =	sdelay $0x4  }
0x78: {  	[tilespmem:s28], [sflag:$0x5] =	stream.indirect_vreg.gather [hbm4b:s1+s3], $0x80, v2, vm0, $0xb8;
	[tilespmem:$0x18080] =	vst v63  }
0x79: {  	s9 =	rddreg [dreg:$0x1c]  }
0x7a: {  	[tilespmem:s9], [sflag:$0x5] =	stream.indirect_vreg.gather [hbm4b:s5+s3], $0x80, v2, vm0, $0xb8;
	[tilespmem:$0x18080] =	vst v63  }
0x7b: {  	s22 =	rddreg [dreg:$0x1d]  }
0x7c: {  	[tilespmem:s22], [sflag:$0x5] =	stream.indirect_vreg.gather [hbm4b:s6+s3], $0x80, v2, vm0, $0xb8;
	[tilespmem:$0x18080] =	vst v63  }
0x7d: {  	s9 =	rddreg [dreg:$0x1e]  }
0x7e: {  	[tilespmem:s9], [sflag:$0x5] =	stream.indirect_vreg.gather [hbm4b:s7+s3], $0x80, v2, vm0, $0xb8;
	[tilespmem:$0x18080] =	vst v63  }
0x7f: {  	v2 =	vld.msk [tilespmem:$0x28], $0xff;
	_ =	sdelay $0x4  }
0x80: {  	v3 =	vshll.u32 v2, $0x3  }
0x81: {  	v2 =	vand.u32 $0x7, v2;
	v3 =	vand.u32 $0xFFFFFFC0, v3  }
0x82: {  	v2 =	vor.u32 v2, v3  }
0x83: {  	v2 =	vperm.xlane v2, v0;
	_ =	sdelay $0x1  }
0x84: {  	v2 =	vadd.s32 v1, v2;
	_ =	sdelay $0x3  }
0x85: {  	s22 =	sld [smem:$0x7EA]  }
0x86: {  	[tilespmem:s29], [sflag:$0x6] =	stream.indirect_vreg.gather [hbm4b:s1+s3], $0x80, v2, vm0, $0xb8;
	[tilespmem:$0x18080] =	vst v63  }
0x87: {  	s9 =	rddreg [dreg:$0x1f]  }
0x88: {  	[tilespmem:s9], [sflag:$0x6] =	stream.indirect_vreg.gather [hbm4b:s5+s3], $0x80, v2, vm0, $0xb8;
	[tilespmem:$0x18080] =	vst v63  }
0x89: {  	s9 =	sld [smem:$0x7EB]  }
0x8a: {  	[tilespmem:s22], [sflag:$0x6] =	stream.indirect_vreg.gather [hbm4b:s6+s3], $0x80, v2, vm0, $0xb8;
	[tilespmem:$0x18080] =	vst v63  }
0x8b: {  	_ = 	snop  }
0x8c: {  	[tilespmem:s9], [sflag:$0x6] =	stream.indirect_vreg.gather [hbm4b:s7+s3], $0x80, v2, vm0, $0xb8;
	[tilespmem:$0x18080] =	vst v63  }
0x8d: {  	v2 =	vld.msk [tilespmem:$0x30], $0xff;
	_ =	sdelay $0x4  }
0x8e: {  	v3 =	vshll.u32 v2, $0x3  }
0x8f: {  	v2 =	vand.u32 $0x7, v2;
	v3 =	vand.u32 $0xFFFFFFC0, v3  }
0x90: {  	v2 =	vor.u32 v2, v3  }
0x91: {  	v2 =	vperm.xlane v2, v0;
	_ =	sdelay $0x1  }
0x92: {  	v2 =	vadd.s32 v1, v2;
	_ =	sdelay $0x3  }
0x93: {  	s9 =	sld [smem:$0x7EC]  }
0x94: {  	[tilespmem:s30], [sflag:$0x7] =	stream.indirect_vreg.gather [hbm4b:s1+s3], $0x80, v2, vm0, $0xb8;
	[tilespmem:$0x18080] =	vst v63  }
0x95: {  	s22 =	sld [smem:$0x7ED]  }
0x96: {  	[tilespmem:s9], [sflag:$0x7] =	stream.indirect_vreg.gather [hbm4b:s5+s3], $0x80, v2, vm0, $0xb8;
	[tilespmem:$0x18080] =	vst v63  }
0x97: {  	s9 =	sld [smem:$0x7EE]  }
0x98: {  	[tilespmem:s22], [sflag:$0x7] =	stream.indirect_vreg.gather [hbm4b:s6+s3], $0x80, v2, vm0, $0xb8;
	[tilespmem:$0x18080] =	vst v63  }
0x99: {  	_ = 	snop  }
0x9a: {  	[tilespmem:s9], [sflag:$0x7] =	stream.indirect_vreg.gather [hbm4b:s7+s3], $0x80, v2, vm0, $0xb8;
	[tilespmem:$0x18080] =	vst v63  }
0x9b: {  	v2 =	vld.msk [tilespmem:$0x38], $0xff;
	_ =	sdelay $0x4  }
0x9c: {  	v3 =	vshll.u32 v2, $0x3  }
0x9d: {  	v2 =	vand.u32 $0x7, v2;
	v3 =	vand.u32 $0xFFFFFFC0, v3  }
0x9e: {  	v2 =	vor.u32 v2, v3  }
0x9f: {  	v2 =	vperm.xlane v2, v0;
	_ =	sdelay $0x1  }
0xa0: {  	v2 =	vadd.s32 v1, v2;
	_ =	sdelay $0x3  }
0xa1: {  	s9 =	sld [smem:$0x7EF]  }
0xa2: {  	[tilespmem:s31], [sflag:$0x8] =	stream.indirect_vreg.gather [hbm4b:s1+s3], $0x80, v2, vm0, $0xb8;
	[tilespmem:$0x18080] =	vst v63  }
0xa3: {  	s22 =	sld [smem:$0x7F0]  }
0xa4: {  	[tilespmem:s9], [sflag:$0x8] =	stream.indirect_vreg.gather [hbm4b:s5+s3], $0x80, v2, vm0, $0xb8;
	[tilespmem:$0x18080] =	vst v63  }
0xa5: {  	s9 =	sld [smem:$0x7F1]  }
0xa6: {  	[tilespmem:s22], [sflag:$0x8] =	stream.indirect_vreg.gather [hbm4b:s6+s3], $0x80, v2, vm0, $0xb8;
	[tilespmem:$0x18080] =	vst v63  }
0xa7: {  	_ = 	snop  }
0xa8: {  	[tilespmem:s9], [sflag:$0x8] =	stream.indirect_vreg.gather [hbm4b:s7+s3], $0x80, v2, vm0, $0xb8;
	[tilespmem:$0x18080] =	vst v63  }
0xa9: {  	v2 =	vld.msk [tilespmem:$0x40], $0xff;
	_ =	sdelay $0x4  }
0xaa: {  	v3 =	vshll.u32 v2, $0x3  }
0xab: {  	v2 =	vand.u32 $0x7, v2;
	v3 =	vand.u32 $0xFFFFFFC0, v3  }
0xac: {  	v2 =	vor.u32 v2, v3  }
0xad: {  	v2 =	vperm.xlane v2, v0;
	_ =	sdelay $0x1  }
0xae: {  	v2 =	vadd.s32 v1, v2;
	_ =	sdelay $0x3  }
0xaf: {  	s9 =	sld [smem:$0x7F2]  }
0xb0: {  	[tilespmem:s2], [sflag:$0x9] =	stream.indirect_vreg.gather [hbm4b:s1+s3], $0x80, v2, vm0, $0xb8;
	[tilespmem:$0x18080] =	vst v63  }
0xb1: {  	s22 =	sld [smem:$0x7F3]  }
0xb2: {  	[tilespmem:s9], [sflag:$0x9] =	stream.indirect_vreg.gather [hbm4b:s5+s3], $0x80, v2, vm0, $0xb8;
	[tilespmem:$0x18080] =	vst v63  }
0xb3: {  	s9 =	sld [smem:$0x7F4]  }
0xb4: {  	[tilespmem:s22], [sflag:$0x9] =	stream.indirect_vreg.gather [hbm4b:s6+s3], $0x80, v2, vm0, $0xb8;
	[tilespmem:$0x18080] =	vst v63  }
0xb5: {  	_ = 	snop  }
0xb6: {  	[tilespmem:s9], [sflag:$0x9] =	stream.indirect_vreg.gather [hbm4b:s7+s3], $0x80, v2, vm0, $0xb8;
	[tilespmem:$0x18080] =	vst v63  }
0xb7: {  	v2 =	vld.msk [tilespmem:$0x48], $0xff;
	_ =	sdelay $0x4  }
0xb8: {  	v3 =	vshll.u32 v2, $0x3  }
0xb9: {  	v2 =	vand.u32 $0x7, v2;
	v3 =	vand.u32 $0xFFFFFFC0, v3  }
0xba: {  	v2 =	vor.u32 v2, v3  }
0xbb: {  	v2 =	vperm.xlane v2, v0;
	_ =	sdelay $0x1  }
0xbc: {  	v2 =	vadd.s32 v1, v2;
	_ =	sdelay $0x3  }
0xbd: {  	s9 =	sld [smem:$0x7F5]  }
0xbe: {  	[tilespmem:s0], [sflag:$0xA] =	stream.indirect_vreg.gather [hbm4b:s1+s3], $0x80, v2, vm0, $0xb8;
	[tilespmem:$0x18080] =	vst v63  }
0xbf: {  	s22 =	sld [smem:$0x7F6]  }
0xc0: {  	[tilespmem:s9], [sflag:$0xA] =	stream.indirect_vreg.gather [hbm4b:s5+s3], $0x80, v2, vm0, $0xb8;
	[tilespmem:$0x18080] =	vst v63  }
0xc1: {  	s9 =	sld [smem:$0x7F7]  }
0xc2: {  	[tilespmem:s22], [sflag:$0xA] =	stream.indirect_vreg.gather [hbm4b:s6+s3], $0x80, v2, vm0, $0xb8;
	[tilespmem:$0x18080] =	vst v63  }
0xc3: {  	_ = 	snop  }
0xc4: {  	[tilespmem:s9], [sflag:$0xA] =	stream.indirect_vreg.gather [hbm4b:s7+s3], $0x80, v2, vm0, $0xb8;
	[tilespmem:$0x18080] =	vst v63  }
0xc5: {  	v2 =	vld.msk [tilespmem:$0x50], $0xff;
	_ =	sdelay $0x4  }
0xc6: {  	v3 =	vshll.u32 v2, $0x3  }
0xc7: {  	v2 =	vand.u32 $0x7, v2;
	v3 =	vand.u32 $0xFFFFFFC0, v3  }
0xc8: {  	v2 =	vor.u32 v2, v3  }
0xc9: {  	v2 =	vperm.xlane v2, v0;
	_ =	sdelay $0x1  }
0xca: {  	v2 =	vadd.s32 v1, v2;
	_ =	sdelay $0x3  }
0xcb: {  	s9 =	sld [smem:$0x7F8]  }
0xcc: {  	[tilespmem:s4], [sflag:$0xB] =	stream.indirect_vreg.gather [hbm4b:s1+s3], $0x80, v2, vm0, $0xb8;
	[tilespmem:$0x18080] =	vst v63  }
0xcd: {  	s22 =	sld [smem:$0x7F9]  }
0xce: {  	[tilespmem:s9], [sflag:$0xB] =	stream.indirect_vreg.gather [hbm4b:s5+s3], $0x80, v2, vm0, $0xb8;
	[tilespmem:$0x18080] =	vst v63  }
0xcf: {  	s9 =	sld [smem:$0x7FA]  }
0xd0: {  	[tilespmem:s22], [sflag:$0xB] =	stream.indirect_vreg.gather [hbm4b:s6+s3], $0x80, v2, vm0, $0xb8;
	[tilespmem:$0x18080] =	vst v63  }
0xd1: {  	_ = 	snop  }
0xd2: {  	[tilespmem:s9], [sflag:$0xB] =	stream.indirect_vreg.gather [hbm4b:s7+s3], $0x80, v2, vm0, $0xb8;
	[tilespmem:$0x18080] =	vst v63  }
0xd3: {  	v2 =	vld.msk [tilespmem:$0x58], $0xff;
	_ =	sdelay $0x4  }
0xd4: {  	v3 =	vshll.u32 v2, $0x3  }
0xd5: {  	v2 =	vand.u32 $0x7, v2;
	v3 =	vand.u32 $0xFFFFFFC0, v3  }
0xd6: {  	v2 =	vor.u32 v2, v3  }
0xd7: {  	v2 =	vperm.xlane v2, v0;
	_ =	sdelay $0x1  }
0xd8: {  	v2 =	vadd.s32 v1, v2;
	_ =	sdelay $0x3  }
0xd9: {  	s9 =	sld [smem:$0x7FB]  }
0xda: {  	[tilespmem:s10], [sflag:$0xC] =	stream.indirect_vreg.gather [hbm4b:s1+s3], $0x80, v2, vm0, $0xb8;
	[tilespmem:$0x18080] =	vst v63  }
0xdb: {  	s22 =	sld [smem:$0x7FC]  }
0xdc: {  	[tilespmem:s9], [sflag:$0xC] =	stream.indirect_vreg.gather [hbm4b:s5+s3], $0x80, v2, vm0, $0xb8;
	[tilespmem:$0x18080] =	vst v63  }
0xdd: {  	s9 =	sld [smem:$0x7FD]  }
0xde: {  	[tilespmem:s22], [sflag:$0xC] =	stream.indirect_vreg.gather [hbm4b:s6+s3], $0x80, v2, vm0, $0xb8;
	[tilespmem:$0x18080] =	vst v63  }
0xdf: {  	s22 =	simm.s32 $0x1  }
0xe0: {  	[tilespmem:s9], [sflag:$0xC] =	stream.indirect_vreg.gather [hbm4b:s7+s3], $0x80, v2, vm0, $0xb8;
	[tilespmem:$0x18080] =	vst v63  }
0xe1: {  	_ =	swait.ge [sflag:s22], $0x2000  }
0xe2: {  	[sflag:s22] =	ssyncset.done $0x0  }
0xe3: {  	[sflag:s22] =	ssyncadd.s32 $0xFFFFE000;
	s22 =	sld [smem:$0x7E9];
	_ =	sdelay $0x2  }
0xe4: {  	[hbm4b:s22+s3] =	stream.linear.scatter [tilespmem:s23], [sflag:$0xD], $0x2000, $0x38;
	[tilespmem:$0x18080] =	vst v63  }
0xe5: {  	s22 =	simm.s32 $0xD  }
0xe6: {  	_ =	swait.ge [sflag:s22], $0x2000  }
0xe7: {  	[sflag:s22] =	ssyncset.done $0x0  }
0xe8: {  	[sflag:s22] =	ssyncadd.s32 $0xFFFFE000;
	s22 =	simm.s32 $0x2  }
0xe9: {  	_ =	swait.ge [sflag:s22], $0x2000  }
0xea: {  	[sflag:s22] =	ssyncset.done $0x0  }
0xeb: {  	s9 =	rddreg [dreg:$0x5];
	[sflag:s22] =	ssyncadd.s32 $0xFFFFE000;
	s22 =	simm.s32 $0xE  }
0xec: {  	[hbm4b:s9+s3] =	stream.linear.scatter [tilespmem:s24], [sflag:$0xE], $0x2000, $0x38;
	[tilespmem:$0x18080] =	vst v63  }
0xed: {  	_ =	swait.ge [sflag:s22], $0x2000  }
0xee: {  	[sflag:s22] =	ssyncset.done $0x0  }
0xef: {  	[sflag:s22] =	ssyncadd.s32 $0xFFFFE000;
	s22 =	simm.s32 $0x3  }
0xf0: {  	_ =	swait.ge [sflag:s22], $0x2000  }
0xf1: {  	[sflag:s22] =	ssyncset.done $0x0  }
0xf2: {  	s9 =	rddreg [dreg:$0x6];
	[sflag:s22] =	ssyncadd.s32 $0xFFFFE000;
	s22 =	simm.s32 $0xF  }
0xf3: {  	[hbm4b:s9+s3] =	stream.linear.scatter [tilespmem:s25], [sflag:$0xF], $0x2000, $0x38;
	[tilespmem:$0x18080] =	vst v63  }
0xf4: {  	_ =	swait.ge [sflag:s22], $0x2000  }
0xf5: {  	[sflag:s22] =	ssyncset.done $0x0  }
0xf6: {  	[sflag:s22] =	ssyncadd.s32 $0xFFFFE000;
	s22 =	simm.s32 $0x4  }
0xf7: {  	_ =	swait.ge [sflag:s22], $0x2000  }
0xf8: {  	[sflag:s22] =	ssyncset.done $0x0  }
0xf9: {  	s9 =	rddreg [dreg:$0x7];
	[sflag:s22] =	ssyncadd.s32 $0xFFFFE000;
	s22 =	simm.s32 $0x10  }
0xfa: {  	[hbm4b:s9+s3] =	stream.linear.scatter [tilespmem:s26], [sflag:$0x10], $0x2000, $0x38;
	[tilespmem:$0x18080] =	vst v63  }
0xfb: {  	_ =	swait.ge [sflag:s22], $0x2000  }
0xfc: {  	[sflag:s22] =	ssyncset.done $0x0  }
0xfd: {  	[sflag:s22] =	ssyncadd.s32 $0xFFFFE000;
	s22 =	simm.s32 $0x5  }
0xfe: {  	_ =	swait.ge [sflag:s22], $0x2000  }
0xff: {  	[sflag:s22] =	ssyncset.done $0x0  }
0x100: {  	s9 =	rddreg [dreg:$0x8];
	[sflag:s22] =	ssyncadd.s32 $0xFFFFE000;
	s22 =	simm.s32 $0x11  }
0x101: {  	[hbm4b:s9+s3] =	stream.linear.scatter [tilespmem:s28], [sflag:$0x11], $0x2000, $0x38;
	[tilespmem:$0x18080] =	vst v63  }
0x102: {  	_ =	swait.ge [sflag:s22], $0x2000  }
0x103: {  	[sflag:s22] =	ssyncset.done $0x0  }
0x104: {  	[sflag:s22] =	ssyncadd.s32 $0xFFFFE000;
	s22 =	simm.s32 $0x6  }
0x105: {  	_ =	swait.ge [sflag:s22], $0x2000  }
0x106: {  	[sflag:s22] =	ssyncset.done $0x0  }
0x107: {  	s9 =	rddreg [dreg:$0x9];
	[sflag:s22] =	ssyncadd.s32 $0xFFFFE000;
	s22 =	simm.s32 $0x12  }
0x108: {  	[hbm4b:s9+s3] =	stream.linear.scatter [tilespmem:s29], [sflag:$0x12], $0x2000, $0x38;
	[tilespmem:$0x18080] =	vst v63  }
0x109: {  	_ =	swait.ge [sflag:s22], $0x2000  }
0x10a: {  	[sflag:s22] =	ssyncset.done $0x0  }
0x10b: {  	[sflag:s22] =	ssyncadd.s32 $0xFFFFE000;
	s22 =	simm.s32 $0x7  }
0x10c: {  	_ =	swait.ge [sflag:s22], $0x2000  }
0x10d: {  	[sflag:s22] =	ssyncset.done $0x0  }
0x10e: {  	s9 =	rddreg [dreg:$0xa];
	[sflag:s22] =	ssyncadd.s32 $0xFFFFE000  }
0x10f: {  	[hbm4b:s9+s3] =	stream.linear.scatter [tilespmem:s30], [sflag:$0x13], $0x2000, $0x38;
	[tilespmem:$0x18080] =	vst v63  }
0x110: {  	_ =	swait.ge [sflag:s11], $0x2000  }
0x111: {  	[sflag:s11] =	ssyncset.done $0x0  }
0x112: {  	[sflag:s11] =	ssyncadd.s32 $0xFFFFE000  }
0x113: {  	_ =	swait.ge [sflag:s12], $0x2000  }
0x114: {  	[sflag:s12] =	ssyncset.done $0x0  }
0x115: {  	s22 =	rddreg [dreg:$0xb];
	[sflag:s12] =	ssyncadd.s32 $0xFFFFE000  }
0x116: {  	[hbm4b:s22+s3] =	stream.linear.scatter [tilespmem:s31], [sflag:$0x14], $0x2000, $0x38;
	[tilespmem:$0x18080] =	vst v63  }
0x117: {  	_ =	swait.ge [sflag:s13], $0x2000  }
0x118: {  	[sflag:s13] =	ssyncset.done $0x0  }
0x119: {  	[sflag:s13] =	ssyncadd.s32 $0xFFFFE000  }
0x11a: {  	_ =	swait.ge [sflag:s14], $0x2000  }
0x11b: {  	[sflag:s14] =	ssyncset.done $0x0  }
0x11c: {  	s22 =	rddreg [dreg:$0xc];
	[sflag:s14] =	ssyncadd.s32 $0xFFFFE000  }
0x11d: {  	[hbm4b:s22+s3] =	stream.linear.scatter [tilespmem:s2], [sflag:$0x15], $0x2000, $0x38;
	[tilespmem:$0x18080] =	vst v63  }
0x11e: {  	_ =	swait.ge [sflag:s15], $0x2000  }
0x11f: {  	[sflag:s15] =	ssyncset.done $0x0  }
0x120: {  	[sflag:s15] =	ssyncadd.s32 $0xFFFFE000  }
0x121: {  	_ =	swait.ge [sflag:s16], $0x2000  }
0x122: {  	[sflag:s16] =	ssyncset.done $0x0  }
0x123: {  	s22 =	rddreg [dreg:$0xd];
	[sflag:s16] =	ssyncadd.s32 $0xFFFFE000  }
0x124: {  	[hbm4b:s22+s3] =	stream.linear.scatter [tilespmem:s0], [sflag:$0x16], $0x2000, $0x38;
	[tilespmem:$0x18080] =	vst v63  }
0x125: {  	_ =	swait.ge [sflag:s17], $0x2000  }
0x126: {  	[sflag:s17] =	ssyncset.done $0x0  }
0x127: {  	[sflag:s17] =	ssyncadd.s32 $0xFFFFE000  }
0x128: {  	_ =	swait.ge [sflag:s18], $0x2000  }
0x129: {  	[sflag:s18] =	ssyncset.done $0x0  }
0x12a: {  	s22 =	rddreg [dreg:$0xe];
	[sflag:s18] =	ssyncadd.s32 $0xFFFFE000  }
0x12b: {  	[hbm4b:s22+s3] =	stream.linear.scatter [tilespmem:s4], [sflag:$0x17], $0x2000, $0x38;
	[tilespmem:$0x18080] =	vst v63  }
0x12c: {  	_ =	swait.ge [sflag:s19], $0x2000  }
0x12d: {  	[sflag:s19] =	ssyncset.done $0x0  }
0x12e: {  	[sflag:s19] =	ssyncadd.s32 $0xFFFFE000  }
0x12f: {  	_ =	swait.ge [sflag:s20], $0x2000  }
0x130: {  	p0 =	sne.s32 s8, $0x1;
	[sflag:s20] =	ssyncset.done $0x0  }
.Ltmp0:
0x131: {  	s22 =	rddreg [dreg:$0xf];
	[sflag:s20] =	ssyncadd.s32 $0xFFFFE000;
	(pc) =	sbr.rel @p0 .LBB2_1-.Ltmp0, $4  }
0x132: {  	[hbm4b:s22+s3] =	stream.linear.scatter [tilespmem:s10], [sflag:$0x18], $0x2000, $0x38;
	[tilespmem:$0x18080] =	vst v63  }
0x133: {  	_ =	swait.ge [sflag:s21], $0x2000  }
0x134: {  	[sflag:s21] =	ssyncset.done $0x0  }
0x135: {  	s8 =	sadd.s32 $0xFFFFFFFF, s8;
	[sflag:s21] =	ssyncadd.s32 $0xFFFFE000  }
0x136: {  	_ =	sfence.sel $0x180000  }
0x137: {  	[bflag:$0x0] =	sbarrier.arrive $0xFFFF  }
0x138: {  	_ =	strace $0x90000047  }
0x139: {  	s0 =	stileid.u32;
	[bflag:$0x2] =	sbarrier.arrive $0xFFFF  }
0x13a: {  	p0 =	sne.s32 s0, $0x0;
	s0 =	rddreg [dreg:$0x3]  }
0x13b: {  	s0 =	sadd.s32 @!p0 $0x100000, s0  }
0x13c: {  	[sflag:s0] =	ssyncadd.tile.s32 @!p0 $0x1;
	_ =	shalt  }
.Lfunc_end2:
_tile_overlayer_lowered:
.L_overlay_start_2:
0x13d: {  	(tag) =	ssettag $0x2  }
0x13e: {  	s0 =	rddreg [dreg:$0x0];
	s2 =	stileid.u32  }
0x13f: {  	s1 =	rddreg [dreg:$0x1];
	p0 =	sne.s32 s2, $0x0  }
0x140: {  	s3 =	rddreg [dreg:$0x2];
	[bflag:$0x3] =	sbarrier.arrive $0xFFFF;
	s2 =	simm.s32 @!p0 $0x1C19  }
0x141: {  	[timem:s3], [sflag:s2] =	dma.local @!p0 [hbm:s0], s1  }
0x142: {  	s0 =	simm.s32 @!p0 $0x19  }
0x143: {  	_ =	swait.ge @!p0 [sflag:s0], s1  }
0x144: {  	s1 =	ssub.s32 @!p0 $0x0, s1;
	[sflag:s0] =	ssyncset.done @!p0 $0x0  }
0x145: {  	[sflag:s0] =	ssyncadd.s32 @!p0 s1  }
0x146: {  	[bflag:$0x3] =	sbarrier.arrive $0xFFFF  }
0x147: {  	_ =	shalt  }

// kernel: kernel.9.cloned.1.call-start
scs
__scs_entry_jumppad:
0x0: {  	(pc) =	sbr.rel $0x88, $3  }
0x1: {  	(tag) =	ssettag $0x0;
	lr =	simm.s32 $0x1  }
0x2: {  	[smem:$0x3F9C] =	sst lr;
	_ =	strace $0xD0000000  }
0x3: {  	_ = 	snop  }
0x4: {  	_ = 	snop  }
0x5: {  	_ = 	snop  }
0x6: {  	_ = 	snop  }
0x7: {  	_ = 	snop  }
__scs_overlays_trampoline_lowered:
0x8: {  	[smem:$0x3FAB] =	sst s0  }
0x9: {  	[smem:$0x3FAC] =	sst s1  }
0xa: {  	[smem:$0x3FAD] =	sst s2  }
0xb: {  	[smem:$0x3FAE] =	sst s3  }
0xc: {  	[smem:$0x3FAF] =	sst s4  }
0xd: {  	[smem:$0x3FB0] =	sst s5  }
0xe: {  	[smem:$0x3FB1] =	sst s6  }
0xf: {  	[smem:$0x3FB2] =	sst s7  }
0x10: {  	[smem:$0x3FB3] =	sst s8  }
0x11: {  	[smem:$0x3FB4] =	sst s9;
	s0 =	simm.s32 @!p0 $0x0  }
0x12: {  	s1 =	sld [smem:$0x3F9A];
	s0 =	simm.s32 @p0 $0x1  }
0x13: {  	[smem:$0x3FB5] =	sst s0;
	s0 =	simm.s32 @!p1 $0x0  }
0x14: {  	s2 =	sld [smem:$0x3F99];
	s0 =	simm.s32 @p1 $0x1  }
0x15: {  	[smem:$0x3FB6] =	sst s0;
	s0 =	simm.s32 @!p2 $0x0  }
0x16: {  	s3 =	sld [smem:$0x3FDB];
	s0 =	simm.s32 @p2 $0x1  }
0x17: {  	s4 =	simm.s32 $0x1BF5;
	[smem:$0x3FB8] =	sst s0  }
0x18: {  	s0 =	sld [smem:$0x3F9B];
	_ =	swait.ge [sflag:s4], $0x0  }
0x19: {  	s7 =	sld [smem:$0x3F9C]  }
0x1a: {  	s8 =	sadd.s32 $0xFFFFE003, lr  }
0x1b: {  	s9 =	sadd.s32 $0xFFFFFEF7, lr;
	s5 =	simm.s32 $0xFFFFFFFF;
	p2 =	slt.u32 s8, $0xFFFFF086  }
0x1c: {  	p1 =	slt.u32 s9, $0xF7A;
	s5 =	simm.s32 @!p2 $0x0  }
0x1d: {  	s5 =	simm.s32 @p1 $0x1;
	p0 =	seq.s32 s7, s2  }
0x1e: {  	s7 =	smul.u32 @!p0 $0xF7A, s2;
	p2 =	seq.s32 @!p0 s5, $0x0  }
0x1f: {  	s9 =	smul.u32 $0xF7A, s1;
	s8 =	simm.s32 @!p0 $0x1BF5;
	p2 =	por !p2, p0  }
0x20: {  	[sflag:s8] =	ssyncset.s32 @!p0 $0xFFFFF086;
	s6 =	sadd.s32 @!p0 s3, s7;
	s7 =	simm.s32 @!p0 $0x108  }
0x21: {  	s3 =	sadd.s32 s3, s9;
	s6 =	sadd.s32 @!p0 $0x88, s6;
	s7 =	simm.s32 @p2 $0x1082  }
0x22: {  	[simem:s7], [sflag:s8] =	dma.local @!p0 [hbm:s6], $0xF7A  }
0x23: {  	s9 =	sor.u32 $0xD0000000, s2;
	s6 =	simm.s32 $0x108;
	_ =	swait.ge @!p0 [sflag:s8], $0x0  }
0x24: {  	s3 =	sadd.s32 $0x88, s3;
	s6 =	simm.s32 @!p1 $0x1082;
	[sflag:s4] =	ssyncset.s32 $0xFFFFF086  }
0x25: {  	[simem:s6], [sflag:s4] =	dma.local [hbm:s3], $0xF7A  }
0x26: {  	[smem:$0x3F9C] =	sst s1;
	(tag) =	ssettag s2;
	_ =	strace s9  }
0x27: {  	s1 =	sld [smem:$0x3FAC]  }
0x28: {  	s2 =	sld [smem:$0x3FAD]  }
0x29: {  	s4 =	sld [smem:$0x3FAF]  }
0x2a: {  	p0 =	seq.s32 s5, $0x0;
	s5 =	sld [smem:$0x3FB0]  }
0x2b: {  	s6 =	sld [smem:$0x3FB1]  }
0x2c: {  	s7 =	sld [smem:$0x3FB2]  }
0x2d: {  	s3 =	simm.s32 $0x108;
	s8 =	sld [smem:$0x3FB3]  }
0x2e: {  	s3 =	simm.s32 @!p0 $0x1082;
	s9 =	sld [smem:$0x3FB4]  }
0x2f: {  	lr =	sadd.s32 s0, s3;
	s0 =	sld [smem:$0x3FAB]  }
0x30: {  	s3 =	sld [smem:$0x3FAE]  }
0x31: {  	[smem:$0x3FB7] =	sst s10  }
0x32: {  	s10 =	sld [smem:$0x3FB5];
	_ =	sdelay $0x3  }
0x33: {  	p0 =	seq.s32 s10, $0x1;
	s10 =	sld [smem:$0x3FB7];
	_ =	sdelay $0x3  }
0x34: {  	[smem:$0x3FB7] =	sst s10  }
0x35: {  	s10 =	sld [smem:$0x3FB6];
	_ =	sdelay $0x3  }
0x36: {  	p1 =	seq.s32 s10, $0x1;
	s10 =	sld [smem:$0x3FB7];
	_ =	sdelay $0x3  }
0x37: {  	[smem:$0x3FB7] =	sst s10  }
0x38: {  	s10 =	sld [smem:$0x3FB8]  }
0x39: {  	_ = 	snop;
	(pc) =	sbr.ind lr, $3  }
0x3a: {  	_ = 	snop  }
0x3b: {  	_ = 	snop  }
0x3c: {  	p2 =	seq.s32 s10, $0x1;
	s10 =	sld [smem:$0x3FB7]  }
0x3d: {  	_ =	shalt  }
0x3e: {  	_ =	shalt  }
0x3f: {  	_ =	shalt  }
0x40: {  	_ =	shalt  }
0x41: {  	_ =	shalt  }
0x42: {  	_ =	shalt  }
0x43: {  	_ =	shalt  }
0x44: {  	_ =	shalt  }
0x45: {  	_ =	shalt  }
0x46: {  	_ =	shalt  }
0x47: {  	_ =	shalt  }
0x48: {  	_ =	shalt  }
0x49: {  	_ =	shalt  }
0x4a: {  	_ =	shalt  }
0x4b: {  	_ =	shalt  }
0x4c: {  	_ =	shalt  }
0x4d: {  	_ =	shalt  }
0x4e: {  	_ =	shalt  }
0x4f: {  	_ =	shalt  }
0x50: {  	_ =	shalt  }
0x51: {  	_ =	shalt  }
0x52: {  	_ =	shalt  }
0x53: {  	_ =	shalt  }
0x54: {  	_ =	shalt  }
0x55: {  	_ =	shalt  }
0x56: {  	_ =	shalt  }
0x57: {  	_ =	shalt  }
0x58: {  	_ =	shalt  }
0x59: {  	_ =	shalt  }
0x5a: {  	_ =	shalt  }
0x5b: {  	_ =	shalt  }
0x5c: {  	_ =	shalt  }
0x5d: {  	_ =	shalt  }
0x5e: {  	_ =	shalt  }
0x5f: {  	_ =	shalt  }
0x60: {  	_ =	shalt  }
0x61: {  	_ =	shalt  }
0x62: {  	_ =	shalt  }
0x63: {  	_ =	shalt  }
0x64: {  	_ =	shalt  }
0x65: {  	_ =	shalt  }
0x66: {  	_ =	shalt  }
0x67: {  	_ =	shalt  }
0x68: {  	_ =	shalt  }
0x69: {  	_ =	shalt  }
0x6a: {  	_ =	shalt  }
0x6b: {  	_ =	shalt  }
0x6c: {  	_ =	shalt  }
0x6d: {  	_ =	shalt  }
0x6e: {  	_ =	shalt  }
0x6f: {  	_ =	shalt  }
0x70: {  	_ =	shalt  }
0x71: {  	_ =	shalt  }
0x72: {  	_ =	shalt  }
0x73: {  	_ =	shalt  }
0x74: {  	_ =	shalt  }
0x75: {  	_ =	shalt  }
0x76: {  	_ =	shalt  }
0x77: {  	_ =	shalt  }
0x78: {  	_ =	shalt  }
0x79: {  	_ =	shalt  }
0x7a: {  	_ =	shalt  }
0x7b: {  	_ =	shalt  }
0x7c: {  	_ =	shalt  }
0x7d: {  	_ =	shalt  }
0x7e: {  	_ =	shalt  }
0x7f: {  	_ =	shalt  }
0x80: {  	_ =	shalt  }
0x81: {  	_ =	shalt  }
0x82: {  	_ =	shalt  }
0x83: {  	_ =	shalt  }
0x84: {  	_ =	shalt  }
0x85: {  	_ =	shalt  }
0x86: {  	_ =	shalt  }
0x87: {  	_ =	shalt  }
.Lfunc_end0:
.L_simem_size_0:
called_computation.1_lowered:
.L_overlay_start_0:
0x88: {  	s2 =	sld [smem:$0x3FD9]  }
0x89: {  	s3 =	sld [smem:$0x3FFE];
	_ =	sdelay $0x1  }
0x8a: {  	s1 =	srdreg.scid  }
0x8b: {  	s0 =	sand.u32 $0x1, s1  }
0x8c: {  	s17 =	sshll.u32 s0, $0xA;
	s2 =	sadd.s32 s3, s2  }
0x8d: {  	s2 =	sadd.s32 s2, s17  }
0x8e: {  	[smem:$0x3FC3] =	sst s2  }
0x8f: {  	_ = 	snop  }
0x90: {  	s18 =	sld [smem:$0x3FC7];
	(tm) =	ssettm $0x1  }
0x91: {  	s19 =	sld [smem:$0x3FFB];
	_ =	sdelay $0x3  }
0x92: {  	_ =	strace s19  }
0x93: {  	s2 =	sld [smem:$0x3FFC];
	_ =	sdelay $0x3  }
0x94: {  	_ =	strace s2  }
0x95: {  	s2 =	sld [smem:$0x3FFD];
	_ =	sdelay $0x3  }
0x96: {  	_ =	strace s2  }
0x97: {  	_ =	strace $0x8FFFFFFF  }
0x98: {  	s20 =	sld [smem:$0x3FDB];
	_ =	sdelay $0x1  }
0x99: {  	s4 =	simm.s32 $_scs_section_size  }
0x9a: {  	s5 =	simm.s32 $_size__tile_overlayer_lowered;
	s6 =	simm.s32 $_tile_overlayer_lowered  }
0x9b: {  	s7 =	simm.s32 $0x1BFF;
	s21 =	sshll.u32 s6, $0x1;
	s4 =	sadd.s32 s4, s20  }
0x9c: {  	s22 =	simm.s32 $0x0;
	s5 =	sshll.u32 s5, $0x1;
	s6 =	sadd.s32 s21, s4  }
0x9d: {  	[timem:s22], [sflag:s7] =	dma.local [hbm:s6], s5  }
0x9e: {  	_ =	swait.ge [sflag:s7], s5  }
0x9f: {  	s5 =	ssub.s32 $0x0, s5;
	[sflag:s7] =	ssyncset.done $0x0  }
0xa0: {  	[sflag:s7] =	ssyncadd.s32 s5;
	_ =	sdelay $0x1  }
0xa1: {  	s23 =	simm.s32 $0x1B8B  }
0xa2: {  	_ =	swait.ge [sflag:s23], $0x1  }
0xa3: {  	[sflag:s23] =	ssyncset.done $0x0  }
0xa4: {  	[sflag:s23] =	ssyncadd.s32 $0xFFFFFFFF  }
0xa5: {  	s5 =	sld [smem:$0x0]  }
0xa6: {  	s6 =	sand.u32 $0xFFFFFFFE, s1  }
0xa7: {  	p0 =	sne.s32 s1, s6  }
0xa8: {  	s6 =	sshll.u32 @p0 s6, $0xE  }
0xa9: {  	s6 =	sadd.s32 @p0 $0x11B8D, s6;
	s7 =	sshll.u32 @p0 s5, $0x11  }
0xaa: {  	s6 =	sor.u32 @p0 s7, s6  }
0xab: {  	[sflag:s6] =	ssyncadd.remote.s32 @p0 $0x1;
	_ =	sdelay $0x1  }
0xac: {  	s6 =	simm.s32 @p0 $0x1B8D  }
0xad: {  	_ =	swait.eq @p0 [sflag:s6], $0x1  }
0xae: {  	[sflag:s6] =	ssyncadd.s32 @p0 $0xFFFFFFFF  }
0xaf: {  	s7 =	sshll.u32 @!p0 s1, $0xE  }
0xb0: {  	s7 =	sor.u32 @!p0 $0x4000, s7;
	s6 =	simm.s32 @!p0 $0x1B8D  }
0xb1: {  	s5 =	sshll.u32 @!p0 s5, $0x11;
	s7 =	sadd.s32 @!p0 $0x11B8D, s7;
	_ =	swait.eq @!p0 [sflag:s6], $0x1  }
0xb2: {  	s5 =	sor.u32 @!p0 s5, s7;
	[sflag:s6] =	ssyncadd.s32 @!p0 $0xFFFFFFFF  }
0xb3: {  	s25 =	simm.s32 $0x1B8E;
	s24 =	sld [smem:$0x3FFE];
	[sflag:s5] =	ssyncadd.remote.s32 @!p0 $0x1  }
0xb4: {  	s26 =	simm.s32 $execute0_lowered;
	[smem:$0x3FD2] =	sst s25  }
0xb5: {  	s6 =	sshll.u32 s26, $0x1;
	_ =	strace $0x80000049;
	[dreg:$0x1] =	wrdreg $0xFFFFFFFF  }
0xb6: {  	s28 =	simm.s32 $_size_execute0_lowered;
	s4 =	sadd.s32 s4, s6;
	[dreg:$0x0] =	wrdreg $0x0  }
0xb7: {  	s6 =	sshll.u32 s28, $0x1;
	[dreg:$0x2] =	wrdreg s4  }
0xb8: {  	[dreg:$0x3] =	wrdreg s6  }
0xb9: {  	[dreg:$0x4] =	wrdreg $0xC0  }
0xba: {  	_ =	task [dreg:s22], $0x5FFFF  }
0xbb: {  	[dreg:$0x1] =	wrdreg $0xFFFFFFFF  }
0xbc: {  	[dreg:$0x0] =	wrdreg $0x60  }
0xbd: {  	[dreg:$0x2] =	wrdreg s18  }
0xbe: {  	[dreg:$0x3] =	wrdreg s24  }
0xbf: {  	[dreg:$0x4] =	wrdreg $0xA  }
0xc0: {  	_ =	task.clear_ibuf [dreg:s22], $0x5FFFF;
	_ =	strace $0x90000049  }
0xc1: {  	s29 =	simm.s32 $0xA;
	_ =	strace $0x8000004B  }
0xc2: {  	_ =	swait.ge [sflag:s29], $0x1  }
0xc3: {  	[sflag:s29] =	ssyncadd.s32 $0xFFFFFFFF  }
0xc4: {  	_ =	strace $0x9000004B  }
0xc5: {  	_ =	sfence  }
0xc6: {  	s30 =	sld [smem:$0x0];
	_ =	sdelay $0x2  }
0xc7: {  	s31 =	sshll.u32 s1, $0xD;
	s1 =	sshrl.u32 s1, $0x2  }
0xc8: {  	s4 =	sand.u32 $0x4000, s31;
	s1 =	sadd.s32 s1, s30  }
0xc9: {  	s0 =	sor.u32 s4, s0;
	s1 =	sshll.u32 s1, $0x11  }
0xca: {  	s0 =	sor.u32 s1, s0  }
0xcb: {  	s0 =	sadd.s32 $0x8F2B, s0  }
0xcc: {  	[sflag:s0] =	ssyncadd.remote.s32 $0x1  }
0xcd: {  	_ =	sfence.sel $0xFFFF  }
0xce: {  	[dreg:$0x0] =	wrdreg $0xFFFFFFFF;
	(pc) =	sbr.abs _section_cstart, $3  }
0xcf: {  	[dreg:$0x1] =	wrdreg $0xFFFFFFFF  }
0xd0: {  	_ =	task.clear_ibuf [dreg:s22], $0x2FFFF;
	_ =	strace $0x9FFFFFFF  }
0xd1: {  	(tm) =	ssettm $0x7FFFFFFF  }
tec
execute0_lowered:
.L_overlay_start_1:
0x0: {  	(tag) =	ssettag $0x1  }
0x1: {  	s0 =	srdreg.scid;
	s2 =	rddreg [dreg:$0x0]  }
0x2: {  	s1 =	stileid.u32;
	s4 =	rddreg [dreg:$0x1]  }
0x3: {  	s3 =	simm.s32 $0x0;
	s17 =	simm.s32 $0x10900;
	s18 =	simm.s32 $0x11100  }
0x4: {  	s0 =	sand.u32 $0x1, s0;
	s1 =	sshll.u32 s1, $0x1;
	[smem:$0x7FF] =	sst s3  }
0x5: {  	s1 =	sor.u32 s0, s1;
	_ =	strace $0x8000004A;
	[dreg:$0x17] =	wrdreg s17  }
0x6: {  	s19 =	simm.s32 $0x11900;
	[dreg:$0x18] =	wrdreg s18;
	s6 =	smul.u32 $0x5000, s1  }
0x7: {  	s20 =	simm.s32 $0x12900;
	s7 =	sadd.s32 $0x1400, s4;
	[dreg:$0x19] =	wrdreg s19  }
0x8: {  	[dreg:$0x1a] =	wrdreg s20;
	s5 =	smul.u32 $0xA0, s1;
	s21 =	sadd.s32 s7, s6  }
0x9: {  	s1 =	smul.u32 $0x28000, s1;
	s22 =	sadd.s32 $0x400, s21;
	[smem:$0x7FA] =	sst s21  }
0xa: {  	s5 =	sshrl.u32 s5, $0x3;
	s23 =	sadd.s32 $0x800, s21;
	[dreg:$0x4] =	wrdreg s22  }
0xb: {  	s1 =	sshrl.u32 s1, $0x3;
	s24 =	sadd.s32 $0xC00, s21;
	[dreg:$0x5] =	wrdreg s23  }
0xc: {  	s4 =	sadd.s32 s4, s5;
	s21 =	simm.s32 $0x13100;
	[dreg:$0x6] =	wrdreg s24  }
0xd: {  	s1 =	sadd.s32 s7, s1;
	s4 =	sadd.s32 $0x1180, s4;
	[dreg:$0x1b] =	wrdreg s21  }
0xe: {  	s25 =	sadd.s32 $0x1000, s1;
	[dreg:$0x3] =	wrdreg s4  }
0xf: {  	s26 =	sadd.s32 $0x1400, s1;
	[dreg:$0x7] =	wrdreg s25  }
0x10: {  	s28 =	sadd.s32 $0x1800, s1;
	[dreg:$0x8] =	wrdreg s26  }
0x11: {  	s30 =	sadd.s32 $0x1C00, s1;
	[dreg:$0x9] =	wrdreg s28  }
0x12: {  	s5 =	sadd.s32 $0x2000, s1;
	[dreg:$0xa] =	wrdreg s30  }
0x13: {  	s6 =	sadd.s32 $0x2400, s1;
	[dreg:$0xb] =	wrdreg s5  }
0x14: {  	s7 =	sadd.s32 $0x2800, s1;
	[dreg:$0xc] =	wrdreg s6  }
0x15: {  	s8 =	sadd.s32 $0x2C00, s1;
	[dreg:$0xd] =	wrdreg s7  }
0x16: {  	s9 =	sadd.s32 $0x3000, s1;
	[dreg:$0xe] =	wrdreg s8  }
0x17: {  	s10 =	sadd.s32 $0x3400, s1;
	[dreg:$0xf] =	wrdreg s9  }
0x18: {  	s11 =	sadd.s32 $0x3800, s1;
	[dreg:$0x10] =	wrdreg s10  }
0x19: {  	s13 =	sadd.s32 $0x3C00, s1;
	[dreg:$0x11] =	wrdreg s11  }
0x1a: {  	s29 =	simm.s32 $0x4100;
	s14 =	sadd.s32 $0x4000, s1;
	[dreg:$0x12] =	wrdreg s13  }
0x1b: {  	s0 =	ssub.s32 $0x2, s0;
	s15 =	sadd.s32 $0x4400, s1;
	[dreg:$0x13] =	wrdreg s14  }
0x1c: {  	s20 =	simm.s32 $0x6100;
	s16 =	sadd.s32 $0x4800, s1;
	[dreg:$0x14] =	wrdreg s15  }
0x1d: {  	s19 =	simm.s32 $0x8100;
	s1 =	sadd.s32 $0x4C00, s1;
	[dreg:$0x15] =	wrdreg s16  }
0x1e: {  	s12 =	sshrl.u32 s0, $0x1;
	s22 =	simm.s32 $0x13900;
	[dreg:$0x16] =	wrdreg s1  }
0x1f: {  	s0 =	ssub.s32 s0, s12;
	s23 =	simm.s32 $0x14900;
	[dreg:$0x1c] =	wrdreg s22  }
0x20: {  	s31 =	smax.u32 s0, $0x1;
	s24 =	simm.s32 $0x15100;
	[dreg:$0x1d] =	wrdreg s23  }
0x21: {  	s5 =	sadd.s32 $0x100, s2;
	[dreg:$0x1e] =	wrdreg s24;
	s25 =	simm.s32 $0x15900  }
0x22: {  	s6 =	sadd.s32 $0x200, s2;
	s26 =	simm.s32 $0x16900;
	[dreg:$0x1f] =	wrdreg s25  }
0x23: {  	v0 =	vlaneseq.u32;
	s7 =	sadd.s32 $0x300, s2;
	s28 =	simm.s32 $0x17100;
	[smem:$0x7FB] =	sst s26  }
0x24: {  	v1 =	vshrl.u32 v0, $0x3;
	s30 =	simm.s32 $0x17900;
	s23 =	simm.s32 $0xA100;
	[smem:$0x7FC] =	sst s28  }
0x25: {  	vm0 =	vmmov $0xffff;
	v0 =	vand.u32 $0x7, v0;
	v1 =	vmul.u32 $0x8, v1;
	s13 =	simm.s32 $0xC100;
	s11 =	simm.s32 $0xE100;
	[smem:$0x7FD] =	sst s30  }
.LBB2_1:
0x26: {  	s9 =	rddreg [dreg:$0x3];
	s1 =	simm.s32 $0x19  }
0x27: {  	[tilespmem:s3], [sflag:$0x19] =	stream.linear.gather [hbm4b:s9+s3], $0xA0, $0x38;
	[tilespmem:$0x18100] =	vst v63  }
0x28: {  	_ =	swait.ge [sflag:s1], $0xA0  }
0x29: {  	[sflag:s1] =	ssyncset.done $0x0  }
0x2a: {  	[sflag:s1] =	ssyncadd.s32 $0xFFFFFF60  }
0x2b: {  	v2 =	vld.msk [tilespmem:$0x0], $0xff;
	_ =	sdelay $0x4  }
0x2c: {  	v3 =	vshll.u32 v2, $0x3  }
0x2d: {  	v2 =	vand.u32 $0x7, v2;
	v3 =	vand.u32 $0xFFFFFFC0, v3  }
0x2e: {  	v2 =	vor.u32 v2, v3  }
0x2f: {  	v2 =	vperm.xlane v2, v0;
	_ =	sdelay $0x1  }
0x30: {  	v2 =	vadd.s32 v1, v2;
	_ =	sdelay $0x3  }
0x31: {  	s0 =	simm.s32 $0x100  }
0x32: {  	[tilespmem:s0], [sflag:$0x1] =	stream.indirect_vreg.gather [hbm4b:s2+s3], $0x80, v2, vm0, $0xb8;
	[tilespmem:$0x18100] =	vst v63  }
0x33: {  	s18 =	simm.s32 $0x900  }
0x34: {  	[tilespmem:s18], [sflag:$0x1] =	stream.indirect_vreg.gather [hbm4b:s5+s3], $0x80, v2, vm0, $0xb8;
	[tilespmem:$0x18100] =	vst v63  }
0x35: {  	s22 =	simm.s32 $0x1100  }
0x36: {  	[tilespmem:s22], [sflag:$0x1] =	stream.indirect_vreg.gather [hbm4b:s6+s3], $0x80, v2, vm0, $0xb8;
	[tilespmem:$0x18100] =	vst v63  }
0x37: {  	s26 =	simm.s32 $0x1900  }
0x38: {  	[tilespmem:s26], [sflag:$0x1] =	stream.indirect_vreg.gather [hbm4b:s7+s3], $0x80, v2, vm0, $0xb8;
	[tilespmem:$0x18100] =	vst v63  }
0x39: {  	v2 =	vld.msk [tilespmem:$0x8], $0xff;
	_ =	sdelay $0x4  }
0x3a: {  	v3 =	vshll.u32 v2, $0x3  }
0x3b: {  	v2 =	vand.u32 $0x7, v2;
	v3 =	vand.u32 $0xFFFFFFC0, v3  }
0x3c: {  	v2 =	vor.u32 v2, v3  }
0x3d: {  	v2 =	vperm.xlane v2, v0;
	_ =	sdelay $0x1  }
0x3e: {  	v2 =	vadd.s32 v1, v2;
	_ =	sdelay $0x3  }
0x3f: {  	s4 =	simm.s32 $0x2100  }
0x40: {  	[tilespmem:s4], [sflag:$0x2] =	stream.indirect_vreg.gather [hbm4b:s2+s3], $0x80, v2, vm0, $0xb8;
	[tilespmem:$0x18100] =	vst v63  }
0x41: {  	s12 =	simm.s32 $0x2900  }
0x42: {  	[tilespmem:s12], [sflag:$0x2] =	stream.indirect_vreg.gather [hbm4b:s5+s3], $0x80, v2, vm0, $0xb8;
	[tilespmem:$0x18100] =	vst v63  }
0x43: {  	s16 =	simm.s32 $0x3100  }
0x44: {  	[tilespmem:s16], [sflag:$0x2] =	stream.indirect_vreg.gather [hbm4b:s6+s3], $0x80, v2, vm0, $0xb8;
	[tilespmem:$0x18100] =	vst v63  }
0x45: {  	s28 =	simm.s32 $0x3900  }
0x46: {  	[tilespmem:s28], [sflag:$0x2] =	stream.indirect_vreg.gather [hbm4b:s7+s3], $0x80, v2, vm0, $0xb8;
	[tilespmem:$0x18100] =	vst v63  }
0x47: {  	v2 =	vld.msk [tilespmem:$0x10], $0xff;
	_ =	sdelay $0x4  }
0x48: {  	v3 =	vshll.u32 v2, $0x3  }
0x49: {  	v2 =	vand.u32 $0x7, v2;
	v3 =	vand.u32 $0xFFFFFFC0, v3  }
0x4a: {  	v2 =	vor.u32 v2, v3  }
0x4b: {  	v2 =	vperm.xlane v2, v0;
	_ =	sdelay $0x1  }
0x4c: {  	v2 =	vadd.s32 v1, v2;
	_ =	sdelay $0x4  }
0x4d: {  	[tilespmem:s29], [sflag:$0x3] =	stream.indirect_vreg.gather [hbm4b:s2+s3], $0x80, v2, vm0, $0xb8;
	[tilespmem:$0x18100] =	vst v63  }
0x4e: {  	s30 =	simm.s32 $0x4900  }
0x4f: {  	[tilespmem:s30], [sflag:$0x3] =	stream.indirect_vreg.gather [hbm4b:s5+s3], $0x80, v2, vm0, $0xb8;
	[tilespmem:$0x18100] =	vst v63  }
0x50: {  	s1 =	simm.s32 $0x5100  }
0x51: {  	[tilespmem:s1], [sflag:$0x3] =	stream.indirect_vreg.gather [hbm4b:s6+s3], $0x80, v2, vm0, $0xb8;
	[tilespmem:$0x18100] =	vst v63  }
0x52: {  	s4 =	simm.s32 $0x5900  }
0x53: {  	[tilespmem:s4], [sflag:$0x3] =	stream.indirect_vreg.gather [hbm4b:s7+s3], $0x80, v2, vm0, $0xb8;
	[tilespmem:$0x18100] =	vst v63  }
0x54: {  	v2 =	vld.msk [tilespmem:$0x18], $0xff;
	_ =	sdelay $0x4  }
0x55: {  	v3 =	vshll.u32 v2, $0x3  }
0x56: {  	v2 =	vand.u32 $0x7, v2;
	v3 =	vand.u32 $0xFFFFFFC0, v3  }
0x57: {  	v2 =	vor.u32 v2, v3  }
0x58: {  	v2 =	vperm.xlane v2, v0;
	_ =	sdelay $0x1  }
0x59: {  	v2 =	vadd.s32 v1, v2;
	_ =	sdelay $0x4  }
0x5a: {  	[tilespmem:s20], [sflag:$0x4] =	stream.indirect_vreg.gather [hbm4b:s2+s3], $0x80, v2, vm0, $0xb8;
	[tilespmem:$0x18100] =	vst v63  }
0x5b: {  	s14 =	simm.s32 $0x6900  }
0x5c: {  	[tilespmem:s14], [sflag:$0x4] =	stream.indirect_vreg.gather [hbm4b:s5+s3], $0x80, v2, vm0, $0xb8;
	[tilespmem:$0x18100] =	vst v63  }
0x5d: {  	s17 =	simm.s32 $0x7100  }
0x5e: {  	[tilespmem:s17], [sflag:$0x4] =	stream.indirect_vreg.gather [hbm4b:s6+s3], $0x80, v2, vm0, $0xb8;
	[tilespmem:$0x18100] =	vst v63  }
0x5f: {  	s15 =	simm.s32 $0x7900  }
0x60: {  	[tilespmem:s15], [sflag:$0x4] =	stream.indirect_vreg.gather [hbm4b:s7+s3], $0x80, v2, vm0, $0xb8;
	[tilespmem:$0x18100] =	vst v63  }
0x61: {  	v2 =	vld.msk [tilespmem:$0x20], $0xff;
	_ =	sdelay $0x4  }
0x62: {  	v3 =	vshll.u32 v2, $0x3  }
0x63: {  	v2 =	vand.u32 $0x7, v2;
	v3 =	vand.u32 $0xFFFFFFC0, v3  }
0x64: {  	v2 =	vor.u32 v2, v3  }
0x65: {  	v2 =	vperm.xlane v2, v0;
	_ =	sdelay $0x1  }
0x66: {  	v2 =	vadd.s32 v1, v2;
	_ =	sdelay $0x4  }
0x67: {  	[tilespmem:s19], [sflag:$0x5] =	stream.indirect_vreg.gather [hbm4b:s2+s3], $0x80, v2, vm0, $0xb8;
	[tilespmem:$0x18100] =	vst v63  }
0x68: {  	s24 =	simm.s32 $0x8900  }
0x69: {  	[tilespmem:s24], [sflag:$0x5] =	stream.indirect_vreg.gather [hbm4b:s5+s3], $0x80, v2, vm0, $0xb8;
	[tilespmem:$0x18100] =	vst v63  }
0x6a: {  	s25 =	simm.s32 $0x9100  }
0x6b: {  	[tilespmem:s25], [sflag:$0x5] =	stream.indirect_vreg.gather [hbm4b:s6+s3], $0x80, v2, vm0, $0xb8;
	[tilespmem:$0x18100] =	vst v63  }
0x6c: {  	s21 =	simm.s32 $0x9900  }
0x6d: {  	[tilespmem:s21], [sflag:$0x5] =	stream.indirect_vreg.gather [hbm4b:s7+s3], $0x80, v2, vm0, $0xb8;
	[tilespmem:$0x18100] =	vst v63  }
0x6e: {  	v2 =	vld.msk [tilespmem:$0x28], $0xff;
	_ =	sdelay $0x4  }
0x6f: {  	v3 =	vshll.u32 v2, $0x3  }
0x70: {  	v2 =	vand.u32 $0x7, v2;
	v3 =	vand.u32 $0xFFFFFFC0, v3  }
0x71: {  	v2 =	vor.u32 v2, v3  }
0x72: {  	v2 =	vperm.xlane v2, v0;
	_ =	sdelay $0x1  }
0x73: {  	v2 =	vadd.s32 v1, v2;
	_ =	sdelay $0x4  }
0x74: {  	[tilespmem:s23], [sflag:$0x6] =	stream.indirect_vreg.gather [hbm4b:s2+s3], $0x80, v2, vm0, $0xb8;
	[tilespmem:$0x18100] =	vst v63  }
0x75: {  	s8 =	simm.s32 $0xA900  }
0x76: {  	[tilespmem:s8], [sflag:$0x6] =	stream.indirect_vreg.gather [hbm4b:s5+s3], $0x80, v2, vm0, $0xb8;
	[tilespmem:$0x18100] =	vst v63  }
0x77: {  	s9 =	simm.s32 $0xB100  }
0x78: {  	[tilespmem:s9], [sflag:$0x6] =	stream.indirect_vreg.gather [hbm4b:s6+s3], $0x80, v2, vm0, $0xb8;
	[tilespmem:$0x18100] =	vst v63  }
0x79: {  	s10 =	simm.s32 $0xB900  }
0x7a: {  	[tilespmem:s10], [sflag:$0x6] =	stream.indirect_vreg.gather [hbm4b:s7+s3], $0x80, v2, vm0, $0xb8;
	[tilespmem:$0x18100] =	vst v63  }
0x7b: {  	v2 =	vld.msk [tilespmem:$0x30], $0xff;
	_ =	sdelay $0x4  }
0x7c: {  	v3 =	vshll.u32 v2, $0x3  }
0x7d: {  	v2 =	vand.u32 $0x7, v2;
	v3 =	vand.u32 $0xFFFFFFC0, v3  }
0x7e: {  	v2 =	vor.u32 v2, v3  }
0x7f: {  	v2 =	vperm.xlane v2, v0;
	_ =	sdelay $0x1  }
0x80: {  	v2 =	vadd.s32 v1, v2;
	_ =	sdelay $0x4  }
0x81: {  	[tilespmem:s13], [sflag:$0x7] =	stream.indirect_vreg.gather [hbm4b:s2+s3], $0x80, v2, vm0, $0xb8;
	[tilespmem:$0x18100] =	vst v63  }
0x82: {  	s8 =	simm.s32 $0xC900  }
0x83: {  	[tilespmem:s8], [sflag:$0x7] =	stream.indirect_vreg.gather [hbm4b:s5+s3], $0x80, v2, vm0, $0xb8;
	[tilespmem:$0x18100] =	vst v63  }
0x84: {  	s9 =	simm.s32 $0xD100  }
0x85: {  	[tilespmem:s9], [sflag:$0x7] =	stream.indirect_vreg.gather [hbm4b:s6+s3], $0x80, v2, vm0, $0xb8;
	[tilespmem:$0x18100] =	vst v63  }
0x86: {  	s10 =	simm.s32 $0xD900  }
0x87: {  	[tilespmem:s10], [sflag:$0x7] =	stream.indirect_vreg.gather [hbm4b:s7+s3], $0x80, v2, vm0, $0xb8;
	[tilespmem:$0x18100] =	vst v63  }
0x88: {  	v2 =	vld.msk [tilespmem:$0x38], $0xff;
	_ =	sdelay $0x4  }
0x89: {  	v3 =	vshll.u32 v2, $0x3  }
0x8a: {  	v2 =	vand.u32 $0x7, v2;
	v3 =	vand.u32 $0xFFFFFFC0, v3  }
0x8b: {  	v2 =	vor.u32 v2, v3  }
0x8c: {  	v2 =	vperm.xlane v2, v0;
	_ =	sdelay $0x1  }
0x8d: {  	v2 =	vadd.s32 v1, v2;
	_ =	sdelay $0x4  }
0x8e: {  	[tilespmem:s11], [sflag:$0x8] =	stream.indirect_vreg.gather [hbm4b:s2+s3], $0x80, v2, vm0, $0xb8;
	[tilespmem:$0x18100] =	vst v63  }
0x8f: {  	s8 =	simm.s32 $0xE900  }
0x90: {  	[tilespmem:s8], [sflag:$0x8] =	stream.indirect_vreg.gather [hbm4b:s5+s3], $0x80, v2, vm0, $0xb8;
	[tilespmem:$0x18100] =	vst v63  }
0x91: {  	s9 =	simm.s32 $0xF100  }
0x92: {  	[tilespmem:s9], [sflag:$0x8] =	stream.indirect_vreg.gather [hbm4b:s6+s3], $0x80, v2, vm0, $0xb8;
	[tilespmem:$0x18100] =	vst v63  }
0x93: {  	s10 =	simm.s32 $0xF900  }
0x94: {  	[tilespmem:s10], [sflag:$0x8] =	stream.indirect_vreg.gather [hbm4b:s7+s3], $0x80, v2, vm0, $0xb8;
	[tilespmem:$0x18100] =	vst v63  }
0x95: {  	v2 =	vld.msk [tilespmem:$0x40], $0xff;
	_ =	sdelay $0x4  }
0x96: {  	v3 =	vshll.u32 v2, $0x3  }
0x97: {  	v2 =	vand.u32 $0x7, v2;
	v3 =	vand.u32 $0xFFFFFFC0, v3  }
0x98: {  	v2 =	vor.u32 v2, v3  }
0x99: {  	v2 =	vperm.xlane v2, v0;
	_ =	sdelay $0x1  }
0x9a: {  	v2 =	vadd.s32 v1, v2;
	_ =	sdelay $0x3  }
0x9b: {  	s10 =	simm.s32 $0x10100  }
0x9c: {  	[tilespmem:s10], [sflag:$0x9] =	stream.indirect_vreg.gather [hbm4b:s2+s3], $0x80, v2, vm0, $0xb8;
	[tilespmem:$0x18100] =	vst v63  }
0x9d: {  	s8 =	rddreg [dreg:$0x17]  }
0x9e: {  	[tilespmem:s8], [sflag:$0x9] =	stream.indirect_vreg.gather [hbm4b:s5+s3], $0x80, v2, vm0, $0xb8;
	[tilespmem:$0x18100] =	vst v63  }
0x9f: {  	s10 =	rddreg [dreg:$0x18]  }
0xa0: {  	[tilespmem:s10], [sflag:$0x9] =	stream.indirect_vreg.gather [hbm4b:s6+s3], $0x80, v2, vm0, $0xb8;
	[tilespmem:$0x18100] =	vst v63  }
0xa1: {  	s0 =	rddreg [dreg:$0x19]  }
0xa2: {  	[tilespmem:s0], [sflag:$0x9] =	stream.indirect_vreg.gather [hbm4b:s7+s3], $0x80, v2, vm0, $0xb8;
	[tilespmem:$0x18100] =	vst v63  }
0xa3: {  	v2 =	vld.msk [tilespmem:$0x48], $0xff;
	_ =	sdelay $0x4  }
0xa4: {  	v3 =	vshll.u32 v2, $0x3  }
0xa5: {  	v2 =	vand.u32 $0x7, v2;
	v3 =	vand.u32 $0xFFFFFFC0, v3  }
0xa6: {  	v2 =	vor.u32 v2, v3  }
0xa7: {  	v2 =	vperm.xlane v2, v0;
	_ =	sdelay $0x1  }
0xa8: {  	v2 =	vadd.s32 v1, v2;
	_ =	sdelay $0x3  }
0xa9: {  	s10 =	simm.s32 $0x12100  }
0xaa: {  	[tilespmem:s10], [sflag:$0xA] =	stream.indirect_vreg.gather [hbm4b:s2+s3], $0x80, v2, vm0, $0xb8;
	[tilespmem:$0x18100] =	vst v63  }
0xab: {  	s8 =	rddreg [dreg:$0x1a]  }
0xac: {  	[tilespmem:s8], [sflag:$0xA] =	stream.indirect_vreg.gather [hbm4b:s5+s3], $0x80, v2, vm0, $0xb8;
	[tilespmem:$0x18100] =	vst v63  }
0xad: {  	s0 =	rddreg [dreg:$0x1b]  }
0xae: {  	[tilespmem:s0], [sflag:$0xA] =	stream.indirect_vreg.gather [hbm4b:s6+s3], $0x80, v2, vm0, $0xb8;
	[tilespmem:$0x18100] =	vst v63  }
0xaf: {  	s8 =	rddreg [dreg:$0x1c]  }
0xb0: {  	[tilespmem:s8], [sflag:$0xA] =	stream.indirect_vreg.gather [hbm4b:s7+s3], $0x80, v2, vm0, $0xb8;
	[tilespmem:$0x18100] =	vst v63  }
0xb1: {  	v2 =	vld.msk [tilespmem:$0x50], $0xff;
	_ =	sdelay $0x4  }
0xb2: {  	v3 =	vshll.u32 v2, $0x3  }
0xb3: {  	v2 =	vand.u32 $0x7, v2;
	v3 =	vand.u32 $0xFFFFFFC0, v3  }
0xb4: {  	v2 =	vor.u32 v2, v3  }
0xb5: {  	v2 =	vperm.xlane v2, v0;
	_ =	sdelay $0x1  }
0xb6: {  	v2 =	vadd.s32 v1, v2;
	_ =	sdelay $0x3  }
0xb7: {  	s10 =	simm.s32 $0x14100  }
0xb8: {  	[tilespmem:s10], [sflag:$0xB] =	stream.indirect_vreg.gather [hbm4b:s2+s3], $0x80, v2, vm0, $0xb8;
	[tilespmem:$0x18100] =	vst v63  }
0xb9: {  	s9 =	rddreg [dreg:$0x1d]  }
0xba: {  	[tilespmem:s9], [sflag:$0xB] =	stream.indirect_vreg.gather [hbm4b:s5+s3], $0x80, v2, vm0, $0xb8;
	[tilespmem:$0x18100] =	vst v63  }
0xbb: {  	s8 =	rddreg [dreg:$0x1e]  }
0xbc: {  	[tilespmem:s8], [sflag:$0xB] =	stream.indirect_vreg.gather [hbm4b:s6+s3], $0x80, v2, vm0, $0xb8;
	[tilespmem:$0x18100] =	vst v63  }
0xbd: {  	s0 =	rddreg [dreg:$0x1f]  }
0xbe: {  	[tilespmem:s0], [sflag:$0xB] =	stream.indirect_vreg.gather [hbm4b:s7+s3], $0x80, v2, vm0, $0xb8;
	[tilespmem:$0x18100] =	vst v63  }
0xbf: {  	v2 =	vld.msk [tilespmem:$0x58], $0xff;
	_ =	sdelay $0x4  }
0xc0: {  	v3 =	vshll.u32 v2, $0x3  }
0xc1: {  	v2 =	vand.u32 $0x7, v2;
	v3 =	vand.u32 $0xFFFFFFC0, v3  }
0xc2: {  	v2 =	vor.u32 v2, v3  }
0xc3: {  	v2 =	vperm.xlane v2, v0;
	_ =	sdelay $0x1  }
0xc4: {  	v2 =	vadd.s32 v1, v2;
	_ =	sdelay $0x3  }
0xc5: {  	s10 =	simm.s32 $0x16100;
	s8 =	sld [smem:$0x7FB]  }
0xc6: {  	[tilespmem:s10], [sflag:$0xC] =	stream.indirect_vreg.gather [hbm4b:s2+s3], $0x80, v2, vm0, $0xb8;
	[tilespmem:$0x18100] =	vst v63  }
0xc7: {  	s0 =	sld [smem:$0x7FC]  }
0xc8: {  	[tilespmem:s8], [sflag:$0xC] =	stream.indirect_vreg.gather [hbm4b:s5+s3], $0x80, v2, vm0, $0xb8;
	[tilespmem:$0x18100] =	vst v63  }
0xc9: {  	s8 =	sld [smem:$0x7FD]  }
0xca: {  	[tilespmem:s0], [sflag:$0xC] =	stream.indirect_vreg.gather [hbm4b:s6+s3], $0x80, v2, vm0, $0xb8;
	[tilespmem:$0x18100] =	vst v63  }
0xcb: {  	s10 =	simm.s32 $0x1  }
0xcc: {  	[tilespmem:s8], [sflag:$0xC] =	stream.indirect_vreg.gather [hbm4b:s7+s3], $0x80, v2, vm0, $0xb8;
	[tilespmem:$0x18100] =	vst v63  }
0xcd: {  	_ =	swait.ge [sflag:s10], $0x2000  }
0xce: {  	s0 =	sld [smem:$0x7FA]  }
0xcf: {  	[sflag:s10] =	ssyncset.done $0x0  }
0xd0: {  	s8 =	simm.s32 $0x100;
	[sflag:s10] =	ssyncadd.s32 $0xFFFFE000  }
0xd1: {  	[hbm4b:s0+s3] =	stream.linear.scatter [tilespmem:s8], [sflag:$0xD], $0x2000, $0x38;
	[tilespmem:$0x18100] =	vst v63  }
0xd2: {  	s0 =	simm.s32 $0xD  }
0xd3: {  	_ =	swait.ge [sflag:s0], $0x2000  }
0xd4: {  	[sflag:s0] =	ssyncset.done $0x0  }
0xd5: {  	[sflag:s0] =	ssyncadd.s32 $0xFFFFE000  }
0xd6: {  	v2 =	vld.msk [tilespmem:$0x60], $0xff;
	_ =	sdelay $0x4  }
0xd7: {  	v3 =	vshll.u32 v2, $0x3  }
0xd8: {  	v2 =	vand.u32 $0x7, v2;
	v3 =	vand.u32 $0xFFFFFFC0, v3  }
0xd9: {  	v2 =	vor.u32 v2, v3  }
0xda: {  	v2 =	vperm.xlane v2, v0;
	_ =	sdelay $0x1  }
0xdb: {  	v2 =	vadd.s32 v1, v2;
	_ =	sdelay $0x4  }
0xdc: {  	[tilespmem:s8], [sflag:$0x1] =	stream.indirect_vreg.gather [hbm4b:s2+s3], $0x80, v2, vm0, $0xb8;
	[tilespmem:$0x18100] =	vst v63  }
0xdd: {  	_ = 	snop  }
0xde: {  	[tilespmem:s18], [sflag:$0x1] =	stream.indirect_vreg.gather [hbm4b:s5+s3], $0x80, v2, vm0, $0xb8;
	[tilespmem:$0x18100] =	vst v63  }
0xdf: {  	_ = 	snop  }
0xe0: {  	[tilespmem:s22], [sflag:$0x1] =	stream.indirect_vreg.gather [hbm4b:s6+s3], $0x80, v2, vm0, $0xb8;
	[tilespmem:$0x18100] =	vst v63  }
0xe1: {  	s18 =	simm.s32 $0x2  }
0xe2: {  	[tilespmem:s26], [sflag:$0x1] =	stream.indirect_vreg.gather [hbm4b:s7+s3], $0x80, v2, vm0, $0xb8;
	[tilespmem:$0x18100] =	vst v63  }
0xe3: {  	_ =	swait.ge [sflag:s18], $0x2000  }
0xe4: {  	[sflag:s18] =	ssyncset.done $0x0  }
0xe5: {  	s26 =	simm.s32 $0x2100;
	s22 =	rddreg [dreg:$0x4];
	[sflag:s18] =	ssyncadd.s32 $0xFFFFE000  }
0xe6: {  	[hbm4b:s22+s3] =	stream.linear.scatter [tilespmem:s26], [sflag:$0xE], $0x2000, $0x38;
	[tilespmem:$0x18100] =	vst v63  }
0xe7: {  	s22 =	simm.s32 $0xE  }
0xe8: {  	_ =	swait.ge [sflag:s22], $0x2000  }
0xe9: {  	[sflag:s22] =	ssyncset.done $0x0  }
0xea: {  	[sflag:s22] =	ssyncadd.s32 $0xFFFFE000  }
0xeb: {  	v2 =	vld.msk [tilespmem:$0x68], $0xff;
	_ =	sdelay $0x4  }
0xec: {  	v3 =	vshll.u32 v2, $0x3  }
0xed: {  	v2 =	vand.u32 $0x7, v2;
	v3 =	vand.u32 $0xFFFFFFC0, v3  }
0xee: {  	v2 =	vor.u32 v2, v3  }
0xef: {  	v2 =	vperm.xlane v2, v0;
	_ =	sdelay $0x1  }
0xf0: {  	v2 =	vadd.s32 v1, v2;
	_ =	sdelay $0x4  }
0xf1: {  	[tilespmem:s26], [sflag:$0x2] =	stream.indirect_vreg.gather [hbm4b:s2+s3], $0x80, v2, vm0, $0xb8;
	[tilespmem:$0x18100] =	vst v63  }
0xf2: {  	_ = 	snop  }
0xf3: {  	[tilespmem:s12], [sflag:$0x2] =	stream.indirect_vreg.gather [hbm4b:s5+s3], $0x80, v2, vm0, $0xb8;
	[tilespmem:$0x18100] =	vst v63  }
0xf4: {  	_ = 	snop  }
0xf5: {  	[tilespmem:s16], [sflag:$0x2] =	stream.indirect_vreg.gather [hbm4b:s6+s3], $0x80, v2, vm0, $0xb8;
	[tilespmem:$0x18100] =	vst v63  }
0xf6: {  	s12 =	simm.s32 $0x3  }
0xf7: {  	[tilespmem:s28], [sflag:$0x2] =	stream.indirect_vreg.gather [hbm4b:s7+s3], $0x80, v2, vm0, $0xb8;
	[tilespmem:$0x18100] =	vst v63  }
0xf8: {  	_ =	swait.ge [sflag:s12], $0x2000  }
0xf9: {  	[sflag:s12] =	ssyncset.done $0x0  }
0xfa: {  	s16 =	simm.s32 $0xF;
	s28 =	rddreg [dreg:$0x5];
	[sflag:s12] =	ssyncadd.s32 $0xFFFFE000  }
0xfb: {  	[hbm4b:s28+s3] =	stream.linear.scatter [tilespmem:s29], [sflag:$0xF], $0x2000, $0x38;
	[tilespmem:$0x18100] =	vst v63  }
0xfc: {  	_ =	swait.ge [sflag:s16], $0x2000  }
0xfd: {  	[sflag:s16] =	ssyncset.done $0x0  }
0xfe: {  	[sflag:s16] =	ssyncadd.s32 $0xFFFFE000  }
0xff: {  	v2 =	vld.msk [tilespmem:$0x70], $0xff;
	_ =	sdelay $0x4  }
0x100: {  	v3 =	vshll.u32 v2, $0x3  }
0x101: {  	v2 =	vand.u32 $0x7, v2;
	v3 =	vand.u32 $0xFFFFFFC0, v3  }
0x102: {  	v2 =	vor.u32 v2, v3  }
0x103: {  	v2 =	vperm.xlane v2, v0;
	_ =	sdelay $0x1  }
0x104: {  	v2 =	vadd.s32 v1, v2;
	_ =	sdelay $0x4  }
0x105: {  	[tilespmem:s29], [sflag:$0x3] =	stream.indirect_vreg.gather [hbm4b:s2+s3], $0x80, v2, vm0, $0xb8;
	[tilespmem:$0x18100] =	vst v63  }
0x106: {  	_ = 	snop  }
0x107: {  	[tilespmem:s30], [sflag:$0x3] =	stream.indirect_vreg.gather [hbm4b:s5+s3], $0x80, v2, vm0, $0xb8;
	[tilespmem:$0x18100] =	vst v63  }
0x108: {  	_ = 	snop  }
0x109: {  	[tilespmem:s1], [sflag:$0x3] =	stream.indirect_vreg.gather [hbm4b:s6+s3], $0x80, v2, vm0, $0xb8;
	[tilespmem:$0x18100] =	vst v63  }
0x10a: {  	s1 =	simm.s32 $0x4  }
0x10b: {  	[tilespmem:s4], [sflag:$0x3] =	stream.indirect_vreg.gather [hbm4b:s7+s3], $0x80, v2, vm0, $0xb8;
	[tilespmem:$0x18100] =	vst v63  }
0x10c: {  	_ =	swait.ge [sflag:s1], $0x2000  }
0x10d: {  	[sflag:s1] =	ssyncset.done $0x0  }
0x10e: {  	s4 =	rddreg [dreg:$0x6];
	[sflag:s1] =	ssyncadd.s32 $0xFFFFE000  }
0x10f: {  	[hbm4b:s4+s3] =	stream.linear.scatter [tilespmem:s20], [sflag:$0x10], $0x2000, $0x38;
	[tilespmem:$0x18100] =	vst v63  }
0x110: {  	s4 =	simm.s32 $0x10  }
0x111: {  	_ =	swait.ge [sflag:s4], $0x2000  }
0x112: {  	[sflag:s4] =	ssyncset.done $0x0  }
0x113: {  	[sflag:s4] =	ssyncadd.s32 $0xFFFFE000  }
0x114: {  	v2 =	vld.msk [tilespmem:$0x78], $0xff;
	_ =	sdelay $0x4  }
0x115: {  	v3 =	vshll.u32 v2, $0x3  }
0x116: {  	v2 =	vand.u32 $0x7, v2;
	v3 =	vand.u32 $0xFFFFFFC0, v3  }
0x117: {  	v2 =	vor.u32 v2, v3  }
0x118: {  	v2 =	vperm.xlane v2, v0;
	_ =	sdelay $0x1  }
0x119: {  	v2 =	vadd.s32 v1, v2;
	_ =	sdelay $0x4  }
0x11a: {  	[tilespmem:s20], [sflag:$0x4] =	stream.indirect_vreg.gather [hbm4b:s2+s3], $0x80, v2, vm0, $0xb8;
	[tilespmem:$0x18100] =	vst v63  }
0x11b: {  	_ = 	snop  }
0x11c: {  	[tilespmem:s14], [sflag:$0x4] =	stream.indirect_vreg.gather [hbm4b:s5+s3], $0x80, v2, vm0, $0xb8;
	[tilespmem:$0x18100] =	vst v63  }
0x11d: {  	_ = 	snop  }
0x11e: {  	[tilespmem:s17], [sflag:$0x4] =	stream.indirect_vreg.gather [hbm4b:s6+s3], $0x80, v2, vm0, $0xb8;
	[tilespmem:$0x18100] =	vst v63  }
0x11f: {  	s14 =	simm.s32 $0x5  }
0x120: {  	[tilespmem:s15], [sflag:$0x4] =	stream.indirect_vreg.gather [hbm4b:s7+s3], $0x80, v2, vm0, $0xb8;
	[tilespmem:$0x18100] =	vst v63  }
0x121: {  	_ =	swait.ge [sflag:s14], $0x2000  }
0x122: {  	[sflag:s14] =	ssyncset.done $0x0  }
0x123: {  	s15 =	simm.s32 $0x11;
	s26 =	rddreg [dreg:$0x7];
	[sflag:s14] =	ssyncadd.s32 $0xFFFFE000  }
0x124: {  	[hbm4b:s26+s3] =	stream.linear.scatter [tilespmem:s19], [sflag:$0x11], $0x2000, $0x38;
	[tilespmem:$0x18100] =	vst v63  }
0x125: {  	_ =	swait.ge [sflag:s15], $0x2000  }
0x126: {  	[sflag:s15] =	ssyncset.done $0x0  }
0x127: {  	[sflag:s15] =	ssyncadd.s32 $0xFFFFE000  }
0x128: {  	v2 =	vld.msk [tilespmem:$0x80], $0xff;
	_ =	sdelay $0x4  }
0x129: {  	v3 =	vshll.u32 v2, $0x3  }
0x12a: {  	v2 =	vand.u32 $0x7, v2;
	v3 =	vand.u32 $0xFFFFFFC0, v3  }
0x12b: {  	v2 =	vor.u32 v2, v3  }
0x12c: {  	v2 =	vperm.xlane v2, v0;
	_ =	sdelay $0x1  }
0x12d: {  	v2 =	vadd.s32 v1, v2;
	_ =	sdelay $0x4  }
0x12e: {  	[tilespmem:s19], [sflag:$0x5] =	stream.indirect_vreg.gather [hbm4b:s2+s3], $0x80, v2, vm0, $0xb8;
	[tilespmem:$0x18100] =	vst v63  }
0x12f: {  	_ = 	snop  }
0x130: {  	[tilespmem:s24], [sflag:$0x5] =	stream.indirect_vreg.gather [hbm4b:s5+s3], $0x80, v2, vm0, $0xb8;
	[tilespmem:$0x18100] =	vst v63  }
0x131: {  	_ = 	snop  }
0x132: {  	[tilespmem:s25], [sflag:$0x5] =	stream.indirect_vreg.gather [hbm4b:s6+s3], $0x80, v2, vm0, $0xb8;
	[tilespmem:$0x18100] =	vst v63  }
0x133: {  	s17 =	simm.s32 $0x6  }
0x134: {  	[tilespmem:s21], [sflag:$0x5] =	stream.indirect_vreg.gather [hbm4b:s7+s3], $0x80, v2, vm0, $0xb8;
	[tilespmem:$0x18100] =	vst v63  }
0x135: {  	_ =	swait.ge [sflag:s17], $0x2000  }
0x136: {  	[sflag:s17] =	ssyncset.done $0x0  }
0x137: {  	s21 =	simm.s32 $0x12;
	s28 =	rddreg [dreg:$0x8];
	[sflag:s17] =	ssyncadd.s32 $0xFFFFE000  }
0x138: {  	[hbm4b:s28+s3] =	stream.linear.scatter [tilespmem:s23], [sflag:$0x12], $0x2000, $0x38;
	[tilespmem:$0x18100] =	vst v63  }
0x139: {  	_ =	swait.ge [sflag:s21], $0x2000  }
0x13a: {  	[sflag:s21] =	ssyncset.done $0x0  }
0x13b: {  	[sflag:s21] =	ssyncadd.s32 $0xFFFFE000  }
0x13c: {  	v2 =	vld.msk [tilespmem:$0x88], $0xff;
	_ =	sdelay $0x4  }
0x13d: {  	v3 =	vshll.u32 v2, $0x3  }
0x13e: {  	v2 =	vand.u32 $0x7, v2;
	v3 =	vand.u32 $0xFFFFFFC0, v3  }
0x13f: {  	v2 =	vor.u32 v2, v3  }
0x140: {  	v2 =	vperm.xlane v2, v0;
	_ =	sdelay $0x1  }
0x141: {  	v2 =	vadd.s32 v1, v2;
	_ =	sdelay $0x4  }
0x142: {  	[tilespmem:s23], [sflag:$0x6] =	stream.indirect_vreg.gather [hbm4b:s2+s3], $0x80, v2, vm0, $0xb8;
	[tilespmem:$0x18100] =	vst v63  }
0x143: {  	s30 =	simm.s32 $0xA900  }
0x144: {  	[tilespmem:s30], [sflag:$0x6] =	stream.indirect_vreg.gather [hbm4b:s5+s3], $0x80, v2, vm0, $0xb8;
	[tilespmem:$0x18100] =	vst v63  }
0x145: {  	s24 =	simm.s32 $0xB100  }
0x146: {  	[tilespmem:s24], [sflag:$0x6] =	stream.indirect_vreg.gather [hbm4b:s6+s3], $0x80, v2, vm0, $0xb8;
	[tilespmem:$0x18100] =	vst v63  }
0x147: {  	s25 =	simm.s32 $0xB900;
	s24 =	simm.s32 $0x7  }
0x148: {  	[tilespmem:s25], [sflag:$0x6] =	stream.indirect_vreg.gather [hbm4b:s7+s3], $0x80, v2, vm0, $0xb8;
	[tilespmem:$0x18100] =	vst v63  }
0x149: {  	_ =	swait.ge [sflag:s24], $0x2000  }
0x14a: {  	[sflag:s24] =	ssyncset.done $0x0  }
0x14b: {  	s25 =	simm.s32 $0x13;
	s26 =	rddreg [dreg:$0x9];
	[sflag:s24] =	ssyncadd.s32 $0xFFFFE000  }
0x14c: {  	[hbm4b:s26+s3] =	stream.linear.scatter [tilespmem:s13], [sflag:$0x13], $0x2000, $0x38;
	[tilespmem:$0x18100] =	vst v63  }
0x14d: {  	_ =	swait.ge [sflag:s25], $0x2000  }
0x14e: {  	[sflag:s25] =	ssyncset.done $0x0  }
0x14f: {  	[sflag:s25] =	ssyncadd.s32 $0xFFFFE000  }
0x150: {  	v2 =	vld.msk [tilespmem:$0x90], $0xff;
	_ =	sdelay $0x4  }
0x151: {  	v3 =	vshll.u32 v2, $0x3  }
0x152: {  	v2 =	vand.u32 $0x7, v2;
	v3 =	vand.u32 $0xFFFFFFC0, v3  }
0x153: {  	v2 =	vor.u32 v2, v3  }
0x154: {  	v2 =	vperm.xlane v2, v0;
	_ =	sdelay $0x1  }
0x155: {  	v2 =	vadd.s32 v1, v2;
	_ =	sdelay $0x4  }
0x156: {  	[tilespmem:s13], [sflag:$0x7] =	stream.indirect_vreg.gather [hbm4b:s2+s3], $0x80, v2, vm0, $0xb8;
	[tilespmem:$0x18100] =	vst v63  }
0x157: {  	s28 =	simm.s32 $0xC900  }
0x158: {  	[tilespmem:s28], [sflag:$0x7] =	stream.indirect_vreg.gather [hbm4b:s5+s3], $0x80, v2, vm0, $0xb8;
	[tilespmem:$0x18100] =	vst v63  }
0x159: {  	s30 =	simm.s32 $0xD100  }
0x15a: {  	[tilespmem:s30], [sflag:$0x7] =	stream.indirect_vreg.gather [hbm4b:s6+s3], $0x80, v2, vm0, $0xb8;
	[tilespmem:$0x18100] =	vst v63  }
0x15b: {  	s26 =	simm.s32 $0xD900  }
0x15c: {  	[tilespmem:s26], [sflag:$0x7] =	stream.indirect_vreg.gather [hbm4b:s7+s3], $0x80, v2, vm0, $0xb8;
	[tilespmem:$0x18100] =	vst v63  }
0x15d: {  	s26 =	simm.s32 $0x8  }
0x15e: {  	_ =	swait.ge [sflag:s26], $0x2000  }
0x15f: {  	[sflag:s26] =	ssyncset.done $0x0  }
0x160: {  	s28 =	rddreg [dreg:$0xa];
	[sflag:s26] =	ssyncadd.s32 $0xFFFFE000  }
0x161: {  	[hbm4b:s28+s3] =	stream.linear.scatter [tilespmem:s11], [sflag:$0x14], $0x2000, $0x38;
	[tilespmem:$0x18100] =	vst v63  }
0x162: {  	s28 =	simm.s32 $0x14  }
0x163: {  	_ =	swait.ge [sflag:s28], $0x2000  }
0x164: {  	[sflag:s28] =	ssyncset.done $0x0  }
0x165: {  	[sflag:s28] =	ssyncadd.s32 $0xFFFFE000  }
0x166: {  	v2 =	vld.msk [tilespmem:$0x98], $0xff;
	_ =	sdelay $0x4  }
0x167: {  	v3 =	vshll.u32 v2, $0x3  }
0x168: {  	v2 =	vand.u32 $0x7, v2;
	v3 =	vand.u32 $0xFFFFFFC0, v3  }
0x169: {  	v2 =	vor.u32 v2, v3  }
0x16a: {  	v2 =	vperm.xlane v2, v0;
	_ =	sdelay $0x1  }
0x16b: {  	v2 =	vadd.s32 v1, v2;
	_ =	sdelay $0x4  }
0x16c: {  	[tilespmem:s11], [sflag:$0x8] =	stream.indirect_vreg.gather [hbm4b:s2+s3], $0x80, v2, vm0, $0xb8;
	[tilespmem:$0x18100] =	vst v63  }
0x16d: {  	s30 =	simm.s32 $0xE900  }
0x16e: {  	[tilespmem:s30], [sflag:$0x8] =	stream.indirect_vreg.gather [hbm4b:s5+s3], $0x80, v2, vm0, $0xb8;
	[tilespmem:$0x18100] =	vst v63  }
0x16f: {  	s30 =	simm.s32 $0xF100  }
0x170: {  	[tilespmem:s30], [sflag:$0x8] =	stream.indirect_vreg.gather [hbm4b:s6+s3], $0x80, v2, vm0, $0xb8;
	[tilespmem:$0x18100] =	vst v63  }
0x171: {  	s30 =	simm.s32 $0xF900  }
0x172: {  	[tilespmem:s30], [sflag:$0x8] =	stream.indirect_vreg.gather [hbm4b:s7+s3], $0x80, v2, vm0, $0xb8;
	[tilespmem:$0x18100] =	vst v63  }
0x173: {  	s30 =	simm.s32 $0x9  }
0x174: {  	_ =	swait.ge [sflag:s30], $0x2000  }
0x175: {  	[sflag:s30] =	ssyncset.done $0x0  }
0x176: {  	s9 =	rddreg [dreg:$0xb];
	[sflag:s30] =	ssyncadd.s32 $0xFFFFE000;
	s30 =	simm.s32 $0x10100  }
0x177: {  	[hbm4b:s9+s3] =	stream.linear.scatter [tilespmem:s30], [sflag:$0x15], $0x2000, $0x38;
	[tilespmem:$0x18100] =	vst v63  }
0x178: {  	s30 =	simm.s32 $0x15  }
0x179: {  	_ =	swait.ge [sflag:s30], $0x2000  }
0x17a: {  	[sflag:s30] =	ssyncset.done $0x0  }
0x17b: {  	[sflag:s30] =	ssyncadd.s32 $0xFFFFE000;
	s30 =	simm.s32 $0xA  }
0x17c: {  	_ =	swait.ge [sflag:s30], $0x2000  }
0x17d: {  	[sflag:s30] =	ssyncset.done $0x0  }
0x17e: {  	s9 =	rddreg [dreg:$0xc];
	[sflag:s30] =	ssyncadd.s32 $0xFFFFE000;
	s30 =	simm.s32 $0x12100  }
0x17f: {  	[hbm4b:s9+s3] =	stream.linear.scatter [tilespmem:s30], [sflag:$0x16], $0x2000, $0x38;
	[tilespmem:$0x18100] =	vst v63  }
0x180: {  	s30 =	simm.s32 $0x16  }
0x181: {  	_ =	swait.ge [sflag:s30], $0x2000  }
0x182: {  	[sflag:s30] =	ssyncset.done $0x0  }
0x183: {  	[sflag:s30] =	ssyncadd.s32 $0xFFFFE000;
	s30 =	simm.s32 $0xB  }
0x184: {  	_ =	swait.ge [sflag:s30], $0x2000  }
0x185: {  	[sflag:s30] =	ssyncset.done $0x0  }
0x186: {  	s9 =	rddreg [dreg:$0xd];
	[sflag:s30] =	ssyncadd.s32 $0xFFFFE000;
	s30 =	simm.s32 $0x14100  }
0x187: {  	[hbm4b:s9+s3] =	stream.linear.scatter [tilespmem:s30], [sflag:$0x17], $0x2000, $0x38;
	[tilespmem:$0x18100] =	vst v63  }
0x188: {  	s30 =	simm.s32 $0x17  }
0x189: {  	_ =	swait.ge [sflag:s30], $0x2000  }
0x18a: {  	[sflag:s30] =	ssyncset.done $0x0  }
0x18b: {  	[sflag:s30] =	ssyncadd.s32 $0xFFFFE000;
	s30 =	simm.s32 $0xC  }
0x18c: {  	_ =	swait.ge [sflag:s30], $0x2000  }
0x18d: {  	[sflag:s30] =	ssyncset.done $0x0  }
0x18e: {  	s9 =	rddreg [dreg:$0xe];
	[sflag:s30] =	ssyncadd.s32 $0xFFFFE000;
	s30 =	simm.s32 $0x16100  }
0x18f: {  	[hbm4b:s9+s3] =	stream.linear.scatter [tilespmem:s30], [sflag:$0x18], $0x2000, $0x38;
	[tilespmem:$0x18100] =	vst v63  }
0x190: {  	s30 =	simm.s32 $0x18  }
0x191: {  	_ =	swait.ge [sflag:s30], $0x2000  }
0x192: {  	[sflag:s30] =	ssyncset.done $0x0  }
0x193: {  	[sflag:s30] =	ssyncadd.s32 $0xFFFFE000  }
0x194: {  	_ =	swait.ge [sflag:s10], $0x2000  }
0x195: {  	[sflag:s10] =	ssyncset.done $0x0  }
0x196: {  	s30 =	simm.s32 $0x100;
	s9 =	rddreg [dreg:$0xf];
	[sflag:s10] =	ssyncadd.s32 $0xFFFFE000  }
0x197: {  	[hbm4b:s9+s3] =	stream.linear.scatter [tilespmem:s30], [sflag:$0xD], $0x2000, $0x38;
	[tilespmem:$0x18100] =	vst v63  }
0x198: {  	_ =	swait.ge [sflag:s0], $0x2000  }
0x199: {  	[sflag:s0] =	ssyncset.done $0x0  }
0x19a: {  	[sflag:s0] =	ssyncadd.s32 $0xFFFFE000  }
0x19b: {  	_ =	swait.ge [sflag:s18], $0x2000  }
0x19c: {  	[sflag:s18] =	ssyncset.done $0x0  }
0x19d: {  	s8 =	simm.s32 $0x2100;
	s0 =	rddreg [dreg:$0x10];
	[sflag:s18] =	ssyncadd.s32 $0xFFFFE000  }
0x19e: {  	[hbm4b:s0+s3] =	stream.linear.scatter [tilespmem:s8], [sflag:$0xE], $0x2000, $0x38;
	[tilespmem:$0x18100] =	vst v63  }
0x19f: {  	_ =	swait.ge [sflag:s22], $0x2000  }
0x1a0: {  	[sflag:s22] =	ssyncset.done $0x0  }
0x1a1: {  	[sflag:s22] =	ssyncadd.s32 $0xFFFFE000  }
0x1a2: {  	_ =	swait.ge [sflag:s12], $0x2000  }
0x1a3: {  	[sflag:s12] =	ssyncset.done $0x0  }
0x1a4: {  	s10 =	rddreg [dreg:$0x11];
	[sflag:s12] =	ssyncadd.s32 $0xFFFFE000  }
0x1a5: {  	[hbm4b:s10+s3] =	stream.linear.scatter [tilespmem:s29], [sflag:$0xF], $0x2000, $0x38;
	[tilespmem:$0x18100] =	vst v63  }
0x1a6: {  	_ =	swait.ge [sflag:s16], $0x2000  }
0x1a7: {  	[sflag:s16] =	ssyncset.done $0x0  }
0x1a8: {  	[sflag:s16] =	ssyncadd.s32 $0xFFFFE000  }
0x1a9: {  	_ =	swait.ge [sflag:s1], $0x2000  }
0x1aa: {  	[sflag:s1] =	ssyncset.done $0x0  }
0x1ab: {  	s12 =	rddreg [dreg:$0x12];
	[sflag:s1] =	ssyncadd.s32 $0xFFFFE000  }
0x1ac: {  	[hbm4b:s12+s3] =	stream.linear.scatter [tilespmem:s20], [sflag:$0x10], $0x2000, $0x38;
	[tilespmem:$0x18100] =	vst v63  }
0x1ad: {  	_ =	swait.ge [sflag:s4], $0x2000  }
0x1ae: {  	[sflag:s4] =	ssyncset.done $0x0  }
0x1af: {  	[sflag:s4] =	ssyncadd.s32 $0xFFFFE000  }
0x1b0: {  	_ =	swait.ge [sflag:s14], $0x2000  }
0x1b1: {  	[sflag:s14] =	ssyncset.done $0x0  }
0x1b2: {  	s16 =	rddreg [dreg:$0x13];
	[sflag:s14] =	ssyncadd.s32 $0xFFFFE000  }
0x1b3: {  	[hbm4b:s16+s3] =	stream.linear.scatter [tilespmem:s19], [sflag:$0x11], $0x2000, $0x38;
	[tilespmem:$0x18100] =	vst v63  }
0x1b4: {  	_ =	swait.ge [sflag:s15], $0x2000  }
0x1b5: {  	[sflag:s15] =	ssyncset.done $0x0  }
0x1b6: {  	[sflag:s15] =	ssyncadd.s32 $0xFFFFE000  }
0x1b7: {  	_ =	swait.ge [sflag:s17], $0x2000  }
0x1b8: {  	[sflag:s17] =	ssyncset.done $0x0  }
0x1b9: {  	s18 =	rddreg [dreg:$0x14];
	[sflag:s17] =	ssyncadd.s32 $0xFFFFE000  }
0x1ba: {  	[hbm4b:s18+s3] =	stream.linear.scatter [tilespmem:s23], [sflag:$0x12], $0x2000, $0x38;
	[tilespmem:$0x18100] =	vst v63  }
0x1bb: {  	_ =	swait.ge [sflag:s21], $0x2000  }
0x1bc: {  	[sflag:s21] =	ssyncset.done $0x0  }
0x1bd: {  	[sflag:s21] =	ssyncadd.s32 $0xFFFFE000  }
0x1be: {  	_ =	swait.ge [sflag:s24], $0x2000  }
0x1bf: {  	[sflag:s24] =	ssyncset.done $0x0  }
0x1c0: {  	s22 =	rddreg [dreg:$0x15];
	[sflag:s24] =	ssyncadd.s32 $0xFFFFE000  }
0x1c1: {  	[hbm4b:s22+s3] =	stream.linear.scatter [tilespmem:s13], [sflag:$0x13], $0x2000, $0x38;
	[tilespmem:$0x18100] =	vst v63  }
0x1c2: {  	_ =	swait.ge [sflag:s25], $0x2000  }
0x1c3: {  	[sflag:s25] =	ssyncset.done $0x0  }
0x1c4: {  	[sflag:s25] =	ssyncadd.s32 $0xFFFFE000  }
0x1c5: {  	_ =	swait.ge [sflag:s26], $0x2000  }
0x1c6: {  	p0 =	sne.s32 s31, $0x1;
	[sflag:s26] =	ssyncset.done $0x0  }
.Ltmp0:
0x1c7: {  	s30 =	rddreg [dreg:$0x16];
	[sflag:s26] =	ssyncadd.s32 $0xFFFFE000;
	(pc) =	sbr.rel @p0 .LBB2_1-.Ltmp0, $4  }
0x1c8: {  	[hbm4b:s30+s3] =	stream.linear.scatter [tilespmem:s11], [sflag:$0x14], $0x2000, $0x38;
	[tilespmem:$0x18100] =	vst v63  }
0x1c9: {  	_ =	swait.ge [sflag:s28], $0x2000  }
0x1ca: {  	[sflag:s28] =	ssyncset.done $0x0  }
0x1cb: {  	s31 =	sadd.s32 $0xFFFFFFFF, s31;
	[sflag:s28] =	ssyncadd.s32 $0xFFFFE000  }
0x1cc: {  	_ =	sfence.sel $0x180000  }
0x1cd: {  	[bflag:$0x0] =	sbarrier.arrive $0xFFFF  }
0x1ce: {  	_ =	strace $0x9000004A  }
0x1cf: {  	s0 =	stileid.u32;
	[bflag:$0x2] =	sbarrier.arrive $0xFFFF  }
0x1d0: {  	p0 =	sne.s32 s0, $0x0;
	s0 =	rddreg [dreg:$0x2]  }
0x1d1: {  	s0 =	sadd.s32 @!p0 $0x100000, s0  }
0x1d2: {  	[sflag:s0] =	ssyncadd.tile.s32 @!p0 $0x1;
	_ =	shalt  }
.Lfunc_end2:
_tile_overlayer_lowered:
.L_overlay_start_2:
0x1d3: {  	(tag) =	ssettag $0x2  }
0x1d4: {  	s0 =	rddreg [dreg:$0x0];
	s2 =	stileid.u32  }
0x1d5: {  	s1 =	rddreg [dreg:$0x1];
	p0 =	sne.s32 s2, $0x0  }
0x1d6: {  	s3 =	rddreg [dreg:$0x2];
	[bflag:$0x3] =	sbarrier.arrive $0xFFFF;
	s2 =	simm.s32 @!p0 $0x1C19  }
0x1d7: {  	[timem:s3], [sflag:s2] =	dma.local @!p0 [hbm:s0], s1  }
0x1d8: {  	s0 =	simm.s32 @!p0 $0x19  }
0x1d9: {  	_ =	swait.ge @!p0 [sflag:s0], s1  }
0x1da: {  	s1 =	ssub.s32 @!p0 $0x0, s1;
	[sflag:s0] =	ssyncset.done @!p0 $0x0  }
0x1db: {  	[sflag:s0] =	ssyncadd.s32 @!p0 s1  }
0x1dc: {  	[bflag:$0x3] =	sbarrier.arrive $0xFFFF  }
0x1dd: {  	_ =	shalt  }

</sc_bundles>
